<compile_context>
chip_gen: v7x
topology: tpu7x:2x2x1
jax: 0.10.2.dev20260603
libtpu: 0.0.44.dev20260713+nightly
codegen_flags: <defaults>
</compile_context>

<pallas_src>
import functools

import jax
import jax.numpy as jnp
from jax import lax
from jax.experimental import pallas as pl
from jax.experimental.pallas import tpu as pltpu
from jax.experimental.pallas import tpu_sc as plsc

NX = 432
NY = 496
NYV = 432
NVALID = NX * NYV
B = 4
P = 12000
C = 64

NC, NS, L = 2, 16, 16

W_CHUNK = NVALID // 8

CG = 8
CGP = 4
NPAD = 16
P1 = P + NPAD
ROWS = 8
M_CHUNK = ROWS * NYV
N_CHUNKS = NX // ROWS


def _lane_gather(x_i32, idx):
    return lax.gather(
        x_i32,
        idx[:, None],
        lax.GatherDimensionNumbers(
            offset_dims=(), collapsed_slice_dims=(0,), start_index_map=(0,)
        ),
        slice_sizes=(1,),
        mode=lax.GatherScatterMode.PROMISE_IN_BOUNDS,
    )


_mesh = plsc.VectorSubcoreMesh(core_axis_name="c", subcore_axis_name="s")


@functools.partial(
    pl.kernel,
    mesh=_mesh,
    out_type=jax.ShapeDtypeStruct((B * NVALID,), jnp.int32),
    compiler_params=pltpu.CompilerParams(needs_layout_passes=False),
    scratch_types=[
        pltpu.VMEM((P,), jnp.int32),
        pltpu.VMEM((P,), jnp.int32),
        pltpu.VMEM((P,), jnp.int32),
        pltpu.VMEM((W_CHUNK,), jnp.int32),
        pltpu.VMEM((32768,), jnp.int32),
        pltpu.SemaphoreType.DMA,
        pltpu.SemaphoreType.DMA,
        pltpu.SemaphoreType.DMA,
    ],
)
def _winner_kernel(
    ix_hbm, iy_hbm, m_hbm, win_hbm, ix_v, iy_v, m_v, win_v, tmp_v, s0, s1, s2
):
    wid = lax.axis_index("s") * NC + lax.axis_index("c")
    b = wid // 8
    lo = (wid % 8) * W_CHUNK
    hi = lo + W_CHUNK

    pltpu.async_copy(ix_hbm.at[pl.ds(b * P, P)], ix_v, s0)
    pltpu.async_copy(iy_hbm.at[pl.ds(b * P, P)], iy_v, s1)
    pltpu.async_copy(m_hbm.at[pl.ds(b * P, P)], m_v, s2)
    pltpu.make_async_copy(ix_hbm.at[pl.ds(b * P, P)], ix_v, s0).wait()
    pltpu.make_async_copy(iy_hbm.at[pl.ds(b * P, P)], iy_v, s1).wait()
    pltpu.make_async_copy(m_hbm.at[pl.ds(b * P, P)], m_v, s2).wait()

    lane = lax.iota(jnp.int32, L)
    dummy = P + (lane & (NPAD - 1))

    @plsc.parallel_loop(0, W_CHUNK, L, unroll=4)
    def _(jb):
        win_v[pl.ds(jb, L)] = dummy

    rots = [(lane + k) & (L - 1) for k in range(1, L)]
    later = [lane < (L - k) for k in range(1, L)]

    def prep(base):
        ixv = ix_v[pl.ds(base, L)]
        iyv = iy_v[pl.ds(base, L)]
        mv = m_v[pl.ds(base, L)]
        flat = ixv * NYV + iyv
        m = (mv > 0) & (flat >= lo) & (flat < hi)
        local = jnp.where(m, flat - lo, W_CHUNK + lane)
        return flat, m, local

    def resolve(base, m, local, gprobe, pid):
        def no_dup():
            return m

        def slow_dedup():
            loses = jnp.zeros((L,), jnp.bool_)
            for k in range(1, L):
                rloc = _lane_gather(local, rots[k - 1])
                loses = loses | ((rloc == local) & later[k - 1])
            return m & ~loses

        keep = lax.cond(jnp.all(gprobe == pid), no_dup, slow_dedup)
        plsc.store_scatter(
            win_v, [jnp.where(keep, local, 0)], lane + base, mask=keep
        )

    UN = 3
    ids = [lane + u * L for u in range(UN)]

    def body(jn, _):
        bases = [jn * (UN * L) + u * L for u in range(UN)]
        preps = [prep(base) for base in bases]
        hkeys = [flat & 32767 for flat, _, _ in preps]
        for u in range(UN):
            plsc.store_scatter(tmp_v, [hkeys[u]], ids[u])
        gs = [plsc.load_gather(tmp_v, [hkeys[u]]) for u in range(UN)]
        for u in range(UN):
            _, m, local = preps[u]
            resolve(bases[u], m, local, gs[u], ids[u])
        return 0

    lax.fori_loop(0, P // (UN * L), body, 0)

    pltpu.sync_copy(win_v, win_hbm.at[pl.ds(b * NVALID + lo, W_CHUNK)])


@functools.partial(
    pl.kernel,
    mesh=_mesh,
    out_type=jax.ShapeDtypeStruct((B, C, NX, NY), jnp.float32),
    compiler_params=pltpu.CompilerParams(needs_layout_passes=False),
    scratch_types=[
        pltpu.VMEM((CGP * P1,), jnp.float32),
        pltpu.VMEM((M_CHUNK,), jnp.int32),
        pltpu.VMEM((M_CHUNK,), jnp.int32),
        pltpu.VMEM((CGP, ROWS, NY), jnp.float32),
        pltpu.VMEM((CGP, ROWS, NY), jnp.float32),
        pltpu.SemaphoreType.DMA,
        pltpu.SemaphoreType.DMA,
        pltpu.SemaphoreType.DMA,
        pltpu.SemaphoreType.DMA,
    ],
)
def _materialize_kernel(
    embT_hbm, win_hbm, out_hbm,
    embT_v, win_b0, win_b1, out_b0, out_b1, sw0, sw1, so0, so1,
):
    wid = lax.axis_index("s") * NC + lax.axis_index("c")
    b = wid // 8
    g = wid % 8
    wbase = b * NVALID
    win_bufs = (win_b0, win_b1)
    out_bufs = (out_b0, out_b1)
    wsems = (sw0, sw1)
    osems = (so0, so1)
    choffs = [jnp.full((L,), ch * P1, jnp.int32) for ch in range(CGP)]
    zeros = jnp.zeros((L,), jnp.float32)

    def win_src(kk):
        return win_hbm.at[pl.ds(wbase + kk * M_CHUNK, M_CHUNK)]

    for out_v in out_bufs:
        def ztail_body(r, _):
            @plsc.parallel_loop(NYV, NY, L)
            def _(cb):
                for ch in range(CGP):
                    out_v[ch, r, pl.ds(cb, L)] = zeros

            return 0

        lax.fori_loop(0, ROWS, ztail_body, 0)

    for half in range(2):
        cgh = g * CG + half * CGP
        pltpu.sync_copy(
            embT_hbm.at[pl.ds((b * C + cgh) * P1, CGP * P1)], embT_v
        )

        def out_dst(kk):
            return out_hbm.at[b, pl.ds(cgh, CGP), pl.ds(kk * ROWS, ROWS), :]

        pltpu.async_copy(win_src(0), win_b0, sw0)
        pltpu.async_copy(win_src(1), win_b1, sw1)

        def pair_body(k2, _):
            for bi in range(2):
                kk = k2 * 2 + bi
                win_v = win_bufs[bi]
                out_v = out_bufs[bi]
                pltpu.make_async_copy(win_src(kk), win_v, wsems[bi]).wait()

                @pl.when(kk >= 2)
                def _():
                    pltpu.make_async_copy(
                        out_v, out_dst(kk - 2), osems[bi]
                    ).wait()

                def row_body(r, _):
                    rb = r * NYV

                    @plsc.parallel_loop(0, NYV, L, unroll=3)
                    def _(cb):
                        idx = win_v[pl.ds(rb + cb, L)]
                        for ch in range(CGP):
                            out_v[ch, r, pl.ds(cb, L)] = plsc.load_gather(
                                embT_v, [idx + choffs[ch]]
                            )

                    return 0

                lax.fori_loop(0, ROWS, row_body, 0)
                pltpu.async_copy(out_v, out_dst(kk), osems[bi])

                @pl.when(kk + 2 < N_CHUNKS)
                def _():
                    pltpu.async_copy(win_src(kk + 2), win_v, wsems[bi])

            return 0

        lax.fori_loop(0, N_CHUNKS // 2, pair_body, 0)
        pltpu.make_async_copy(out_b0, out_dst(N_CHUNKS - 2), so0).wait()
        pltpu.make_async_copy(out_b1, out_dst(N_CHUNKS - 1), so1).wait()


def kernel(pillar_embeddings, pillar_coords, pillar_mask):
    ix = pillar_coords[..., 0].astype(jnp.int32).reshape(-1)
    iy = pillar_coords[..., 1].astype(jnp.int32).reshape(-1)
    m = pillar_mask.astype(jnp.int32).reshape(-1)
    embT = jnp.concatenate(
        [
            jnp.transpose(pillar_embeddings, (0, 2, 1)),
            jnp.zeros((B, C, NPAD), jnp.float32),
        ],
        axis=2,
    ).reshape(-1)
    winner = _winner_kernel(ix, iy, m)
    out_xy = _materialize_kernel(embT, winner)
    return jnp.swapaxes(out_xy, 2, 3)

# --- scband reference (transcript-rebuilt; emitter-appended) ---
"""Pipeline reference for scband-pillar-scatter-56650618634919 (READ-ONLY COPY).

The authoritative reference and input builder live on the scoring server;
editing this copy changes nothing except your own understanding.
"""

import jax, jax.numpy as jnp
import numpy as np

NX = 432
NY = 496

def setup_inputs(seed: int = 0) -> dict:
    key = jax.random.key(seed)
    k1, k2, k3 = jax.random.split(key, 3)
    pillar_embeddings = jax.random.normal(k1, (4, 12000, 64), dtype=jnp.float32)
    pillar_coords = jax.random.randint(k2, (4, 12000, 2), 0, 432, dtype=jnp.int64)
    pillar_mask = jax.random.randint(k3, (4, 12000), 0, 2, dtype=jnp.int64)
    return {
        "pillar_embeddings": pillar_embeddings,
        "pillar_coords": pillar_coords,
        "pillar_mask": pillar_mask,
    }

def reference(pillar_embeddings, pillar_coords, pillar_mask):
    B, P, C = pillar_embeddings.shape
    ix = pillar_coords[..., 0]  # [B, P]
    iy = pillar_coords[..., 1]  # [B, P]
    flat_idx = iy * NX + ix     # [B, P]
    valid = pillar_mask > 0
    # route invalid pillars to a dummy extra row so they do not write into the canvas
    flat_idx = jnp.where(valid, flat_idx, NY * NX)
    batch_idx = jnp.broadcast_to(jnp.arange(B)[:, None], (B, P))
    bev = jnp.zeros((B, NY * NX + 1, C), dtype=pillar_embeddings.dtype)
    bev = bev.at[batch_idx, flat_idx].set(pillar_embeddings)
    bev = bev[:, : NY * NX, :].reshape(B, NY, NX, C)
    bev = jnp.transpose(bev, (0, 3, 1, 2))  # [B, C, NY, NX]
    return bev

if __name__ == "__main__":
    import jax
    _d = setup_inputs()
    print(jax.jit(kernel)(*tuple(_d.values())))

</pallas_src>

<mosaic_0001>
#map = affine_map<(d0, d1) -> (0)>
module attributes {stable_mosaic.version = 14 : i64} {
  func.func @_winner_kernel(%arg0: i32, %arg1: i32, %arg2: memref<48000xi32, #tpu.memory_space<hbm>>, %arg3: memref<48000xi32, #tpu.memory_space<hbm>>, %arg4: memref<48000xi32, #tpu.memory_space<hbm>>, %arg5: memref<746496xi32, #tpu.memory_space<hbm>>, %arg6: memref<12000xi32, #tpu.memory_space<vmem>>, %arg7: memref<12000xi32, #tpu.memory_space<vmem>>, %arg8: memref<12000xi32, #tpu.memory_space<vmem>>, %arg9: memref<23328xi32, #tpu.memory_space<vmem>>, %arg10: memref<32768xi32, #tpu.memory_space<vmem>>, %arg11: memref<!tpu.dma_semaphore, #tpu.memory_space<semaphore_mem>>, %arg12: memref<!tpu.dma_semaphore, #tpu.memory_space<semaphore_mem>>, %arg13: memref<!tpu.dma_semaphore, #tpu.memory_space<semaphore_mem>>) attributes {dimension_semantics = [#tpu.dimension_semantics<core_parallel>, #tpu.dimension_semantics<subcore_parallel>], iteration_bounds = array<i64: 2, 16>, scalar_prefetch = 0 : i64, scratch_operands = 8 : i64, tpu.core_type = #tpu.core_type<sc_vector_subcore>, window_params = [{transform_indices = #map}, {transform_indices = #map}, {transform_indices = #map}, {transform_indices = #map}]} {
    %mul3A = arith.constant 2 : i32
    %mul3A_0 = arith.muli %arg1, %mul3A : i32
    %add3A = arith.addi %mul3A_0, %arg0 : i32
    %jit3A = arith.constant 8 : i32
    %div3A = arith.divsi %add3A, %jit3A : i32
    %sign3A = arith.constant 0 : i32
    %sign3A_1 = arith.cmpi sgt, %add3A, %sign3A : i32
    %sign3A_2 = arith.extui %sign3A_1 : i1 to i32
    %sign3A_3 = arith.constant 0 : i32
    %sign3A_4 = arith.cmpi slt, %add3A, %sign3A_3 : i32
    %sign3A_5 = arith.extui %sign3A_4 : i1 to i32
    %sign3A_6 = arith.subi %sign3A_2, %sign3A_5 : i32
    %sign3A_7 = arith.constant 0 : i32
    %sign3A_8 = arith.cmpi sgt, %jit3A, %sign3A_7 : i32
    %sign3A_9 = arith.extui %sign3A_8 : i1 to i32
    %sign3A_10 = arith.constant 0 : i32
    %sign3A_11 = arith.cmpi slt, %jit3A, %sign3A_10 : i32
    %sign3A_12 = arith.extui %sign3A_11 : i1 to i32
    %sign3A_13 = arith.subi %sign3A_9, %sign3A_12 : i32
    %ne3A = arith.cmpi ne, %sign3A_6, %sign3A_13 : i32
    %rem3A = arith.remsi %add3A, %jit3A : i32
    %ne3A_14 = arith.constant 0 : i32
    %ne3A_15 = arith.cmpi ne, %rem3A, %ne3A_14 : i32
    %and3A = arith.andi %ne3A, %ne3A_15 : i1
    %sub3A = arith.constant 1 : i32
    %sub3A_16 = arith.subi %div3A, %sub3A : i32
    %select_n3A = arith.select %and3A, %sub3A_16, %div3A : i32
    %jit3A_17 = arith.constant 8 : i32
    %eq3A = arith.constant 0 : i32
    %eq3A_18 = arith.cmpi eq, %jit3A_17, %eq3A : i32
    %jit3A_19 = arith.constant 1 : i32
    %select_n3A_20 = arith.select %eq3A_18, %jit3A_19, %jit3A_17 : i32
    %rem3A_21 = arith.remsi %add3A, %select_n3A_20 : i32
    %ne3A_22 = arith.constant 0 : i32
    %ne3A_23 = arith.cmpi ne, %rem3A_21, %ne3A_22 : i32
    %lt3A = arith.constant 0 : i32
    %lt3A_24 = arith.cmpi slt, %rem3A_21, %lt3A : i32
    %lt3A_25 = arith.constant 0 : i32
    %lt3A_26 = arith.cmpi slt, %select_n3A_20, %lt3A_25 : i32
    %ne3A_27 = arith.xori %lt3A_24, %lt3A_26 : i1
    %and3A_28 = arith.andi %ne3A_27, %ne3A_23 : i1
    %add3A_29 = arith.addi %rem3A_21, %select_n3A_20 : i32
    %select_n3A_30 = arith.select %and3A_28, %add3A_29, %rem3A_21 : i32
    %mul3A_31 = arith.constant 23328 : i32
    %mul3A_32 = arith.muli %select_n3A_30, %mul3A_31 : i32
    %add3A_33 = arith.constant 23328 : i32
    %add3A_34 = arith.addi %mul3A_32, %add3A_33 : i32
    %mul3A_35 = arith.constant 12000 : i32
    %mul3A_36 = arith.muli %select_n3A, %mul3A_35 : i32
    %dma_start3A = tpu.memref_slice %arg2[%mul3A_36] : memref<48000xi32, #tpu.memory_space<hbm>> -> memref<12000xi32, #tpu.memory_space<hbm>>
    %dma_start3A_37 = tpu.memref_slice %arg2[%mul3A_36] : memref<48000xi32, #tpu.memory_space<hbm>> -> memref<12000xi32, #tpu.memory_space<hbm>>
    tpu.enqueue_dma source(%dma_start3A_37 : memref<12000xi32, #tpu.memory_space<hbm>>) target(%arg6 : memref<12000xi32, #tpu.memory_space<vmem>>) target_semaphore(%arg11 : memref<!tpu.dma_semaphore, #tpu.memory_space<semaphore_mem>>)
    %mul3A_38 = arith.constant 12000 : i32
    %mul3A_39 = arith.muli %select_n3A, %mul3A_38 : i32
    %dma_start3A_40 = tpu.memref_slice %arg3[%mul3A_39] : memref<48000xi32, #tpu.memory_space<hbm>> -> memref<12000xi32, #tpu.memory_space<hbm>>
    %dma_start3A_41 = tpu.memref_slice %arg3[%mul3A_39] : memref<48000xi32, #tpu.memory_space<hbm>> -> memref<12000xi32, #tpu.memory_space<hbm>>
    tpu.enqueue_dma source(%dma_start3A_41 : memref<12000xi32, #tpu.memory_space<hbm>>) target(%arg7 : memref<12000xi32, #tpu.memory_space<vmem>>) target_semaphore(%arg12 : memref<!tpu.dma_semaphore, #tpu.memory_space<semaphore_mem>>)
    %mul3A_42 = arith.constant 12000 : i32
    %mul3A_43 = arith.muli %select_n3A, %mul3A_42 : i32
    %dma_start3A_44 = tpu.memref_slice %arg4[%mul3A_43] : memref<48000xi32, #tpu.memory_space<hbm>> -> memref<12000xi32, #tpu.memory_space<hbm>>
    %dma_start3A_45 = tpu.memref_slice %arg4[%mul3A_43] : memref<48000xi32, #tpu.memory_space<hbm>> -> memref<12000xi32, #tpu.memory_space<hbm>>
    tpu.enqueue_dma source(%dma_start3A_45 : memref<12000xi32, #tpu.memory_space<hbm>>) target(%arg8 : memref<12000xi32, #tpu.memory_space<vmem>>) target_semaphore(%arg13 : memref<!tpu.dma_semaphore, #tpu.memory_space<semaphore_mem>>)
    %mul3A_46 = arith.constant 12000 : i32
    %mul3A_47 = arith.muli %select_n3A, %mul3A_46 : i32
    %dma_wait3A = tpu.memref_slice %arg2[%mul3A_47] : memref<48000xi32, #tpu.memory_space<hbm>> -> memref<12000xi32, #tpu.memory_space<hbm>>
    %dma_wait3A_48 = tpu.memref_slice %arg2[%mul3A_47] : memref<48000xi32, #tpu.memory_space<hbm>> -> memref<12000xi32, #tpu.memory_space<hbm>>
    tpu.wait_dma2 semaphore(%arg11 : memref<!tpu.dma_semaphore, #tpu.memory_space<semaphore_mem>>) src(%dma_wait3A_48 : memref<12000xi32, #tpu.memory_space<hbm>>) dst(%arg6 : memref<12000xi32, #tpu.memory_space<vmem>>)
    %mul3A_49 = arith.constant 12000 : i32
    %mul3A_50 = arith.muli %select_n3A, %mul3A_49 : i32
    %dma_wait3A_51 = tpu.memref_slice %arg3[%mul3A_50] : memref<48000xi32, #tpu.memory_space<hbm>> -> memref<12000xi32, #tpu.memory_space<hbm>>
    %dma_wait3A_52 = tpu.memref_slice %arg3[%mul3A_50] : memref<48000xi32, #tpu.memory_space<hbm>> -> memref<12000xi32, #tpu.memory_space<hbm>>
    tpu.wait_dma2 semaphore(%arg12 : memref<!tpu.dma_semaphore, #tpu.memory_space<semaphore_mem>>) src(%dma_wait3A_52 : memref<12000xi32, #tpu.memory_space<hbm>>) dst(%arg7 : memref<12000xi32, #tpu.memory_space<vmem>>)
    %mul3A_53 = arith.constant 12000 : i32
    %mul3A_54 = arith.muli %select_n3A, %mul3A_53 : i32
    %dma_wait3A_55 = tpu.memref_slice %arg4[%mul3A_54] : memref<48000xi32, #tpu.memory_space<hbm>> -> memref<12000xi32, #tpu.memory_space<hbm>>
    %dma_wait3A_56 = tpu.memref_slice %arg4[%mul3A_54] : memref<48000xi32, #tpu.memory_space<hbm>> -> memref<12000xi32, #tpu.memory_space<hbm>>
    tpu.wait_dma2 semaphore(%arg13 : memref<!tpu.dma_semaphore, #tpu.memory_space<semaphore_mem>>) src(%dma_wait3A_56 : memref<12000xi32, #tpu.memory_space<hbm>>) dst(%arg8 : memref<12000xi32, #tpu.memory_space<vmem>>)
    %iota3A = tpu.iota {dimensions = array<i32: 0>} : vector<16xi32>
    %and3A_57 = arith.constant 15 : i32
    %and3A_58 = vector.broadcast %and3A_57 : i32 to vector<16xi32>
    %and3A_59 = arith.andi %iota3A, %and3A_58 : vector<16xi32>
    %add3A_60 = arith.constant 12000 : i32
    %add3A_61 = vector.broadcast %add3A_60 : i32 to vector<16xi32>
    %add3A_62 = arith.addi %add3A_61, %and3A_59 : vector<16xi32>
    %parallel_loop3A = arith.constant 0 : i32
    %parallel_loop3A_63 = arith.constant 23328 : i32
    %parallel_loop3A_64 = arith.constant 16 : i32
    scf.for %parallel_loop3A_218 = %parallel_loop3A to %parallel_loop3A_63 step %parallel_loop3A_64  : i32 {
      %parallel_loop3A_219 = arith.index_cast %parallel_loop3A_218 : i32 to index
      %parallel_loop3A_220 = tpu.vector_load %arg9[%parallel_loop3A_219] {strides = array<i32>} : memref<23328xi32, #tpu.memory_space<vmem>>, vector<16xi32>,
      tpu.vector_store %arg9[%parallel_loop3A_219], %add3A_62 {strides = array<i32>} : memref<23328xi32, #tpu.memory_space<vmem>>, vector<16xi32>,
    } {sc.loop_unroll_factor = 4 : i64, sc.parallel_access}
    %add3A_65 = arith.constant 1 : i32
    %add3A_66 = vector.broadcast %add3A_65 : i32 to vector<16xi32>
    %add3A_67 = arith.addi %iota3A, %add3A_66 : vector<16xi32>
    %and3A_68 = arith.constant 15 : i32
    %and3A_69 = vector.broadcast %and3A_68 : i32 to vector<16xi32>
    %and3A_70 = arith.andi %add3A_67, %and3A_69 : vector<16xi32>
    %add3A_71 = arith.constant 2 : i32
    %add3A_72 = vector.broadcast %add3A_71 : i32 to vector<16xi32>
    %add3A_73 = arith.addi %iota3A, %add3A_72 : vector<16xi32>
    %and3A_74 = arith.constant 15 : i32
    %and3A_75 = vector.broadcast %and3A_74 : i32 to vector<16xi32>
    %and3A_76 = arith.andi %add3A_73, %and3A_75 : vector<16xi32>
    %add3A_77 = arith.constant 3 : i32
    %add3A_78 = vector.broadcast %add3A_77 : i32 to vector<16xi32>
    %add3A_79 = arith.addi %iota3A, %add3A_78 : vector<16xi32>
    %and3A_80 = arith.constant 15 : i32
    %and3A_81 = vector.broadcast %and3A_80 : i32 to vector<16xi32>
    %and3A_82 = arith.andi %add3A_79, %and3A_81 : vector<16xi32>
    %add3A_83 = arith.constant 4 : i32
    %add3A_84 = vector.broadcast %add3A_83 : i32 to vector<16xi32>
    %add3A_85 = arith.addi %iota3A, %add3A_84 : vector<16xi32>
    %and3A_86 = arith.constant 15 : i32
    %and3A_87 = vector.broadcast %and3A_86 : i32 to vector<16xi32>
    %and3A_88 = arith.andi %add3A_85, %and3A_87 : vector<16xi32>
    %add3A_89 = arith.constant 5 : i32
    %add3A_90 = vector.broadcast %add3A_89 : i32 to vector<16xi32>
    %add3A_91 = arith.addi %iota3A, %add3A_90 : vector<16xi32>
    %and3A_92 = arith.constant 15 : i32
    %and3A_93 = vector.broadcast %and3A_92 : i32 to vector<16xi32>
    %and3A_94 = arith.andi %add3A_91, %and3A_93 : vector<16xi32>
    %add3A_95 = arith.constant 6 : i32
    %add3A_96 = vector.broadcast %add3A_95 : i32 to vector<16xi32>
    %add3A_97 = arith.addi %iota3A, %add3A_96 : vector<16xi32>
    %and3A_98 = arith.constant 15 : i32
    %and3A_99 = vector.broadcast %and3A_98 : i32 to vector<16xi32>
    %and3A_100 = arith.andi %add3A_97, %and3A_99 : vector<16xi32>
    %add3A_101 = arith.constant 7 : i32
    %add3A_102 = vector.broadcast %add3A_101 : i32 to vector<16xi32>
    %add3A_103 = arith.addi %iota3A, %add3A_102 : vector<16xi32>
    %and3A_104 = arith.constant 15 : i32
    %and3A_105 = vector.broadcast %and3A_104 : i32 to vector<16xi32>
    %and3A_106 = arith.andi %add3A_103, %and3A_105 : vector<16xi32>
    %add3A_107 = arith.constant 8 : i32
    %add3A_108 = vector.broadcast %add3A_107 : i32 to vector<16xi32>
    %add3A_109 = arith.addi %iota3A, %add3A_108 : vector<16xi32>
    %and3A_110 = arith.constant 15 : i32
    %and3A_111 = vector.broadcast %and3A_110 : i32 to vector<16xi32>
    %and3A_112 = arith.andi %add3A_109, %and3A_111 : vector<16xi32>
    %add3A_113 = arith.constant 9 : i32
    %add3A_114 = vector.broadcast %add3A_113 : i32 to vector<16xi32>
    %add3A_115 = arith.addi %iota3A, %add3A_114 : vector<16xi32>
    %and3A_116 = arith.constant 15 : i32
    %and3A_117 = vector.broadcast %and3A_116 : i32 to vector<16xi32>
    %and3A_118 = arith.andi %add3A_115, %and3A_117 : vector<16xi32>
    %add3A_119 = arith.constant 10 : i32
    %add3A_120 = vector.broadcast %add3A_119 : i32 to vector<16xi32>
    %add3A_121 = arith.addi %iota3A, %add3A_120 : vector<16xi32>
    %and3A_122 = arith.constant 15 : i32
    %and3A_123 = vector.broadcast %and3A_122 : i32 to vector<16xi32>
    %and3A_124 = arith.andi %add3A_121, %and3A_123 : vector<16xi32>
    %add3A_125 = arith.constant 11 : i32
    %add3A_126 = vector.broadcast %add3A_125 : i32 to vector<16xi32>
    %add3A_127 = arith.addi %iota3A, %add3A_126 : vector<16xi32>
    %and3A_128 = arith.constant 15 : i32
    %and3A_129 = vector.broadcast %and3A_128 : i32 to vector<16xi32>
    %and3A_130 = arith.andi %add3A_127, %and3A_129 : vector<16xi32>
    %add3A_131 = arith.constant 12 : i32
    %add3A_132 = vector.broadcast %add3A_131 : i32 to vector<16xi32>
    %add3A_133 = arith.addi %iota3A, %add3A_132 : vector<16xi32>
    %and3A_134 = arith.constant 15 : i32
    %and3A_135 = vector.broadcast %and3A_134 : i32 to vector<16xi32>
    %and3A_136 = arith.andi %add3A_133, %and3A_135 : vector<16xi32>
    %add3A_137 = arith.constant 13 : i32
    %add3A_138 = vector.broadcast %add3A_137 : i32 to vector<16xi32>
    %add3A_139 = arith.addi %iota3A, %add3A_138 : vector<16xi32>
    %and3A_140 = arith.constant 15 : i32
    %and3A_141 = vector.broadcast %and3A_140 : i32 to vector<16xi32>
    %and3A_142 = arith.andi %add3A_139, %and3A_141 : vector<16xi32>
    %add3A_143 = arith.constant 14 : i32
    %add3A_144 = vector.broadcast %add3A_143 : i32 to vector<16xi32>
    %add3A_145 = arith.addi %iota3A, %add3A_144 : vector<16xi32>
    %and3A_146 = arith.constant 15 : i32
    %and3A_147 = vector.broadcast %and3A_146 : i32 to vector<16xi32>
    %and3A_148 = arith.andi %add3A_145, %and3A_147 : vector<16xi32>
    %add3A_149 = arith.constant 15 : i32
    %add3A_150 = vector.broadcast %add3A_149 : i32 to vector<16xi32>
    %add3A_151 = arith.addi %iota3A, %add3A_150 : vector<16xi32>
    %and3A_152 = arith.constant 15 : i32
    %and3A_153 = vector.broadcast %and3A_152 : i32 to vector<16xi32>
    %and3A_154 = arith.andi %add3A_151, %and3A_153 : vector<16xi32>
    %lt3A_155 = arith.constant 15 : i32
    %lt3A_156 = vector.broadcast %lt3A_155 : i32 to vector<16xi32>
    %lt3A_157 = arith.cmpi slt, %iota3A, %lt3A_156 : vector<16xi32>
    %lt3A_158 = arith.constant 14 : i32
    %lt3A_159 = vector.broadcast %lt3A_158 : i32 to vector<16xi32>
    %lt3A_160 = arith.cmpi slt, %iota3A, %lt3A_159 : vector<16xi32>
    %lt3A_161 = arith.constant 13 : i32
    %lt3A_162 = vector.broadcast %lt3A_161 : i32 to vector<16xi32>
    %lt3A_163 = arith.cmpi slt, %iota3A, %lt3A_162 : vector<16xi32>
    %lt3A_164 = arith.constant 12 : i32
    %lt3A_165 = vector.broadcast %lt3A_164 : i32 to vector<16xi32>
    %lt3A_166 = arith.cmpi slt, %iota3A, %lt3A_165 : vector<16xi32>
    %lt3A_167 = arith.constant 11 : i32
    %lt3A_168 = vector.broadcast %lt3A_167 : i32 to vector<16xi32>
    %lt3A_169 = arith.cmpi slt, %iota3A, %lt3A_168 : vector<16xi32>
    %lt3A_170 = arith.constant 10 : i32
    %lt3A_171 = vector.broadcast %lt3A_170 : i32 to vector<16xi32>
    %lt3A_172 = arith.cmpi slt, %iota3A, %lt3A_171 : vector<16xi32>
    %lt3A_173 = arith.constant 9 : i32
    %lt3A_174 = vector.broadcast %lt3A_173 : i32 to vector<16xi32>
    %lt3A_175 = arith.cmpi slt, %iota3A, %lt3A_174 : vector<16xi32>
    %lt3A_176 = arith.constant 8 : i32
    %lt3A_177 = vector.broadcast %lt3A_176 : i32 to vector<16xi32>
    %lt3A_178 = arith.cmpi slt, %iota3A, %lt3A_177 : vector<16xi32>
    %lt3A_179 = arith.constant 7 : i32
    %lt3A_180 = vector.broadcast %lt3A_179 : i32 to vector<16xi32>
    %lt3A_181 = arith.cmpi slt, %iota3A, %lt3A_180 : vector<16xi32>
    %lt3A_182 = arith.constant 6 : i32
    %lt3A_183 = vector.broadcast %lt3A_182 : i32 to vector<16xi32>
    %lt3A_184 = arith.cmpi slt, %iota3A, %lt3A_183 : vector<16xi32>
    %lt3A_185 = arith.constant 5 : i32
    %lt3A_186 = vector.broadcast %lt3A_185 : i32 to vector<16xi32>
    %lt3A_187 = arith.cmpi slt, %iota3A, %lt3A_186 : vector<16xi32>
    %lt3A_188 = arith.constant 4 : i32
    %lt3A_189 = vector.broadcast %lt3A_188 : i32 to vector<16xi32>
    %lt3A_190 = arith.cmpi slt, %iota3A, %lt3A_189 : vector<16xi32>
    %lt3A_191 = arith.constant 3 : i32
    %lt3A_192 = vector.broadcast %lt3A_191 : i32 to vector<16xi32>
    %lt3A_193 = arith.cmpi slt, %iota3A, %lt3A_192 : vector<16xi32>
    %lt3A_194 = arith.constant 2 : i32
    %lt3A_195 = vector.broadcast %lt3A_194 : i32 to vector<16xi32>
    %lt3A_196 = arith.cmpi slt, %iota3A, %lt3A_195 : vector<16xi32>
    %lt3A_197 = arith.constant 1 : i32
    %lt3A_198 = vector.broadcast %lt3A_197 : i32 to vector<16xi32>
    %lt3A_199 = arith.cmpi slt, %iota3A, %lt3A_198 : vector<16xi32>
    %add3A_200 = arith.constant 0 : i32
    %add3A_201 = vector.broadcast %add3A_200 : i32 to vector<16xi32>
    %add3A_202 = arith.addi %iota3A, %add3A_201 : vector<16xi32>
    %add3A_203 = arith.constant 16 : i32
    %add3A_204 = vector.broadcast %add3A_203 : i32 to vector<16xi32>
    %add3A_205 = arith.addi %iota3A, %add3A_204 : vector<16xi32>
    %add3A_206 = arith.constant 32 : i32
    %add3A_207 = vector.broadcast %add3A_206 : i32 to vector<16xi32>
    %add3A_208 = arith.addi %iota3A, %add3A_207 : vector<16xi32>
    %scan3A = arith.constant 0 : i32
    %scan3A_209 = arith.constant 0 : i32
    %scan3A_210 = arith.constant 250 : i32
    %scan3A_211 = arith.addi %scan3A_209, %scan3A_210 : i32
    %scan3A_212 = arith.constant 1 : i32
    %scan3A_213 = scf.for %scan3A_218 = %scan3A_209 to %scan3A_211 step %scan3A_212 iter_args(%scan3A_219 = %scan3A) -> (i32)  : i32 {
      %mul3A_220 = arith.constant 48 : i32
      %mul3A_221 = arith.muli %scan3A_218, %mul3A_220 : i32
      %add3A_222 = arith.constant 0 : i32
      %add3A_223 = arith.addi %mul3A_221, %add3A_222 : i32
      %mul3A_224 = arith.constant 48 : i32
      %mul3A_225 = arith.muli %scan3A_218, %mul3A_224 : i32
      %add3A_226 = arith.constant 16 : i32
      %add3A_227 = arith.addi %mul3A_225, %add3A_226 : i32
      %mul3A_228 = arith.constant 48 : i32
      %mul3A_229 = arith.muli %scan3A_218, %mul3A_228 : i32
      %add3A_230 = arith.constant 32 : i32
      %add3A_231 = arith.addi %mul3A_229, %add3A_230 : i32
      %get3A = arith.index_cast %add3A_223 : i32 to index
      %get3A_232 = tpu.vector_load %arg6[%get3A] {strides = array<i32>} : memref<12000xi32, #tpu.memory_space<vmem>>, vector<16xi32>,
      %get3A_233 = arith.index_cast %add3A_223 : i32 to index
      %get3A_234 = tpu.vector_load %arg7[%get3A_233] {strides = array<i32>} : memref<12000xi32, #tpu.memory_space<vmem>>, vector<16xi32>,
      %get3A_235 = arith.index_cast %add3A_223 : i32 to index
      %get3A_236 = tpu.vector_load %arg8[%get3A_235] {strides = array<i32>} : memref<12000xi32, #tpu.memory_space<vmem>>, vector<16xi32>,
      %mul3A_237 = arith.constant 432 : i32
      %mul3A_238 = vector.broadcast %mul3A_237 : i32 to vector<16xi32>
      %mul3A_239 = arith.muli %get3A_232, %mul3A_238 : vector<16xi32>
      %add3A_240 = arith.addi %mul3A_239, %get3A_234 : vector<16xi32>
      %gt3A = arith.constant 0 : i32
      %gt3A_241 = vector.broadcast %gt3A : i32 to vector<16xi32>
      %gt3A_242 = arith.cmpi sgt, %get3A_236, %gt3A_241 : vector<16xi32>
      %ge3A = vector.broadcast %mul3A_32 : i32 to vector<16xi32>
      %ge3A_243 = arith.cmpi sge, %add3A_240, %ge3A : vector<16xi32>
      %and3A_244 = arith.andi %gt3A_242, %ge3A_243 : vector<16xi1>
      %lt3A_245 = vector.broadcast %add3A_34 : i32 to vector<16xi32>
      %lt3A_246 = arith.cmpi slt, %add3A_240, %lt3A_245 : vector<16xi32>
      %and3A_247 = arith.andi %and3A_244, %lt3A_246 : vector<16xi1>
      %sub3A_248 = vector.broadcast %mul3A_32 : i32 to vector<16xi32>
      %sub3A_249 = arith.subi %add3A_240, %sub3A_248 : vector<16xi32>
      %add3A_250 = arith.constant 23328 : i32
      %add3A_251 = vector.broadcast %add3A_250 : i32 to vector<16xi32>
      %add3A_252 = arith.addi %add3A_251, %iota3A : vector<16xi32>
      %select_n3A_253 = arith.select %and3A_247, %sub3A_249, %add3A_252 : vector<16xi1>, vector<16xi32>
      %get3A_254 = arith.index_cast %add3A_227 : i32 to index
      %get3A_255 = tpu.vector_load %arg6[%get3A_254] {strides = array<i32>} : memref<12000xi32, #tpu.memory_space<vmem>>, vector<16xi32>,
      %get3A_256 = arith.index_cast %add3A_227 : i32 to index
      %get3A_257 = tpu.vector_load %arg7[%get3A_256] {strides = array<i32>} : memref<12000xi32, #tpu.memory_space<vmem>>, vector<16xi32>,
      %get3A_258 = arith.index_cast %add3A_227 : i32 to index
      %get3A_259 = tpu.vector_load %arg8[%get3A_258] {strides = array<i32>} : memref<12000xi32, #tpu.memory_space<vmem>>, vector<16xi32>,
      %mul3A_260 = arith.constant 432 : i32
      %mul3A_261 = vector.broadcast %mul3A_260 : i32 to vector<16xi32>
      %mul3A_262 = arith.muli %get3A_255, %mul3A_261 : vector<16xi32>
      %add3A_263 = arith.addi %mul3A_262, %get3A_257 : vector<16xi32>
      %gt3A_264 = arith.constant 0 : i32
      %gt3A_265 = vector.broadcast %gt3A_264 : i32 to vector<16xi32>
      %gt3A_266 = arith.cmpi sgt, %get3A_259, %gt3A_265 : vector<16xi32>
      %ge3A_267 = vector.broadcast %mul3A_32 : i32 to vector<16xi32>
      %ge3A_268 = arith.cmpi sge, %add3A_263, %ge3A_267 : vector<16xi32>
      %and3A_269 = arith.andi %gt3A_266, %ge3A_268 : vector<16xi1>
      %lt3A_270 = vector.broadcast %add3A_34 : i32 to vector<16xi32>
      %lt3A_271 = arith.cmpi slt, %add3A_263, %lt3A_270 : vector<16xi32>
      %and3A_272 = arith.andi %and3A_269, %lt3A_271 : vector<16xi1>
      %sub3A_273 = vector.broadcast %mul3A_32 : i32 to vector<16xi32>
      %sub3A_274 = arith.subi %add3A_263, %sub3A_273 : vector<16xi32>
      %add3A_275 = arith.constant 23328 : i32
      %add3A_276 = vector.broadcast %add3A_275 : i32 to vector<16xi32>
      %add3A_277 = arith.addi %add3A_276, %iota3A : vector<16xi32>
      %select_n3A_278 = arith.select %and3A_272, %sub3A_274, %add3A_277 : vector<16xi1>, vector<16xi32>
      %get3A_279 = arith.index_cast %add3A_231 : i32 to index
      %get3A_280 = tpu.vector_load %arg6[%get3A_279] {strides = array<i32>} : memref<12000xi32, #tpu.memory_space<vmem>>, vector<16xi32>,
      %get3A_281 = arith.index_cast %add3A_231 : i32 to index
      %get3A_282 = tpu.vector_load %arg7[%get3A_281] {strides = array<i32>} : memref<12000xi32, #tpu.memory_space<vmem>>, vector<16xi32>,
      %get3A_283 = arith.index_cast %add3A_231 : i32 to index
      %get3A_284 = tpu.vector_load %arg8[%get3A_283] {strides = array<i32>} : memref<12000xi32, #tpu.memory_space<vmem>>, vector<16xi32>,
      %mul3A_285 = arith.constant 432 : i32
      %mul3A_286 = vector.broadcast %mul3A_285 : i32 to vector<16xi32>
      %mul3A_287 = arith.muli %get3A_280, %mul3A_286 : vector<16xi32>
      %add3A_288 = arith.addi %mul3A_287, %get3A_282 : vector<16xi32>
      %gt3A_289 = arith.constant 0 : i32
      %gt3A_290 = vector.broadcast %gt3A_289 : i32 to vector<16xi32>
      %gt3A_291 = arith.cmpi sgt, %get3A_284, %gt3A_290 : vector<16xi32>
      %ge3A_292 = vector.broadcast %mul3A_32 : i32 to vector<16xi32>
      %ge3A_293 = arith.cmpi sge, %add3A_288, %ge3A_292 : vector<16xi32>
      %and3A_294 = arith.andi %gt3A_291, %ge3A_293 : vector<16xi1>
      %lt3A_295 = vector.broadcast %add3A_34 : i32 to vector<16xi32>
      %lt3A_296 = arith.cmpi slt, %add3A_288, %lt3A_295 : vector<16xi32>
      %and3A_297 = arith.andi %and3A_294, %lt3A_296 : vector<16xi1>
      %sub3A_298 = vector.broadcast %mul3A_32 : i32 to vector<16xi32>
      %sub3A_299 = arith.subi %add3A_288, %sub3A_298 : vector<16xi32>
      %add3A_300 = arith.constant 23328 : i32
      %add3A_301 = vector.broadcast %add3A_300 : i32 to vector<16xi32>
      %add3A_302 = arith.addi %add3A_301, %iota3A : vector<16xi32>
      %select_n3A_303 = arith.select %and3A_297, %sub3A_299, %add3A_302 : vector<16xi1>, vector<16xi32>
      %and3A_304 = arith.constant 32767 : i32
      %and3A_305 = vector.broadcast %and3A_304 : i32 to vector<16xi32>
      %and3A_306 = arith.andi %add3A_240, %and3A_305 : vector<16xi32>
      %and3A_307 = arith.constant 32767 : i32
      %and3A_308 = vector.broadcast %and3A_307 : i32 to vector<16xi32>
      %and3A_309 = arith.andi %add3A_263, %and3A_308 : vector<16xi32>
      %and3A_310 = arith.constant 32767 : i32
      %and3A_311 = vector.broadcast %and3A_310 : i32 to vector<16xi32>
      %and3A_312 = arith.andi %add3A_288, %and3A_311 : vector<16xi32>
      tpu.vector_store_idx %arg10[%and3A_306], %add3A_202 : memref<32768xi32, #tpu.memory_space<vmem>>[vector<16xi32>], vector<16xi32>,
      tpu.vector_store_idx %arg10[%and3A_309], %add3A_205 : memref<32768xi32, #tpu.memory_space<vmem>>[vector<16xi32>], vector<16xi32>,
      tpu.vector_store_idx %arg10[%and3A_312], %add3A_208 : memref<32768xi32, #tpu.memory_space<vmem>>[vector<16xi32>], vector<16xi32>,
      %gather3A = tpu.vector_load_idx %arg10[%and3A_306] : memref<32768xi32, #tpu.memory_space<vmem>>[vector<16xi32>], vector<16xi32>,
      %gather3A_313 = tpu.vector_load_idx %arg10[%and3A_309] : memref<32768xi32, #tpu.memory_space<vmem>>[vector<16xi32>], vector<16xi32>,
      %gather3A_314 = tpu.vector_load_idx %arg10[%and3A_312] : memref<32768xi32, #tpu.memory_space<vmem>>[vector<16xi32>], vector<16xi32>,
      %eq3A_315 = arith.cmpi eq, %gather3A, %add3A_202 : vector<16xi32>
      %reduce_and3A = arith.constant 1.000000e+00 : f32
      %reduce_and3A_316 = arith.constant 0.000000e+00 : f32
      %reduce_and3A_317 = vector.broadcast %reduce_and3A : f32 to vector<16xf32>
      %reduce_and3A_318 = vector.broadcast %reduce_and3A_316 : f32 to vector<16xf32>
      %reduce_and3A_319 = arith.select %eq3A_315, %reduce_and3A_317, %reduce_and3A_318 : vector<16xi1>, vector<16xf32>
      %reduce_and3A_320 = arith.constant true
      %reduce_and3A_321 = vector.broadcast %reduce_and3A_320 : i1 to vector<16xi1>
      %reduce_and3A_322 = tpu.scan <min>, %reduce_and3A_319 masked %reduce_and3A_321 : vector<16xf32>, vector<16xi1> -> vector<16xf32>
      %reduce_and3A_323 = vector.extract %reduce_and3A_322[15] : f32 from vector<16xf32>
      %reduce_and3A_324 = arith.constant 0.000000e+00 : f32
      %reduce_and3A_325 = arith.cmpf ogt, %reduce_and3A_323, %reduce_and3A_324 : f32
      %convert_element_type3A = arith.extui %reduce_and3A_325 : i1 to i32
      %cond3A = arith.constant 0 : i32
      %cond3A_326 = arith.cmpi ne, %convert_element_type3A, %cond3A : i32
      %cond3A_327 = scf.if %cond3A_326 -> (vector<16xi1>) {
        scf.yield %and3A_247 : vector<16xi1>
      } else {
        %broadcast_in_dim3A_375 = arith.constant false
        %broadcast_in_dim3A_376 = vector.broadcast %broadcast_in_dim3A_375 : i1 to vector<16xi1>
        %broadcast_in_dim3A_377 = vector.shape_cast %and3A_70 : vector<16xi32> to vector<16x1xi32>
        %gather3A_378 = vector.shape_cast %broadcast_in_dim3A_377 : vector<16x1xi32> to vector<16xi32>
        %gather3A_379 = tpu.dynamic_gather %select_n3A_253[%gather3A_378] in [0] : vector<16xi32>, vector<16xi32> -> vector<16xi32>
        %eq3A_380 = arith.cmpi eq, %gather3A_379, %select_n3A_253 : vector<16xi32>
        %and3A_381 = arith.andi %eq3A_380, %lt3A_157 : vector<16xi1>
        %or3A = arith.ori %broadcast_in_dim3A_376, %and3A_381 : vector<16xi1>
        %broadcast_in_dim3A_382 = vector.shape_cast %and3A_76 : vector<16xi32> to vector<16x1xi32>
        %gather3A_383 = vector.shape_cast %broadcast_in_dim3A_382 : vector<16x1xi32> to vector<16xi32>
        %gather3A_384 = tpu.dynamic_gather %select_n3A_253[%gather3A_383] in [0] : vector<16xi32>, vector<16xi32> -> vector<16xi32>
        %eq3A_385 = arith.cmpi eq, %gather3A_384, %select_n3A_253 : vector<16xi32>
        %and3A_386 = arith.andi %eq3A_385, %lt3A_160 : vector<16xi1>
        %or3A_387 = arith.ori %or3A, %and3A_386 : vector<16xi1>
        %broadcast_in_dim3A_388 = vector.shape_cast %and3A_82 : vector<16xi32> to vector<16x1xi32>
        %gather3A_389 = vector.shape_cast %broadcast_in_dim3A_388 : vector<16x1xi32> to vector<16xi32>
        %gather3A_390 = tpu.dynamic_gather %select_n3A_253[%gather3A_389] in [0] : vector<16xi32>, vector<16xi32> -> vector<16xi32>
        %eq3A_391 = arith.cmpi eq, %gather3A_390, %select_n3A_253 : vector<16xi32>
        %and3A_392 = arith.andi %eq3A_391, %lt3A_163 : vector<16xi1>
        %or3A_393 = arith.ori %or3A_387, %and3A_392 : vector<16xi1>
        %broadcast_in_dim3A_394 = vector.shape_cast %and3A_88 : vector<16xi32> to vector<16x1xi32>
        %gather3A_395 = vector.shape_cast %broadcast_in_dim3A_394 : vector<16x1xi32> to vector<16xi32>
        %gather3A_396 = tpu.dynamic_gather %select_n3A_253[%gather3A_395] in [0] : vector<16xi32>, vector<16xi32> -> vector<16xi32>
        %eq3A_397 = arith.cmpi eq, %gather3A_396, %select_n3A_253 : vector<16xi32>
        %and3A_398 = arith.andi %eq3A_397, %lt3A_166 : vector<16xi1>
        %or3A_399 = arith.ori %or3A_393, %and3A_398 : vector<16xi1>
        %broadcast_in_dim3A_400 = vector.shape_cast %and3A_94 : vector<16xi32> to vector<16x1xi32>
        %gather3A_401 = vector.shape_cast %broadcast_in_dim3A_400 : vector<16x1xi32> to vector<16xi32>
        %gather3A_402 = tpu.dynamic_gather %select_n3A_253[%gather3A_401] in [0] : vector<16xi32>, vector<16xi32> -> vector<16xi32>
        %eq3A_403 = arith.cmpi eq, %gather3A_402, %select_n3A_253 : vector<16xi32>
        %and3A_404 = arith.andi %eq3A_403, %lt3A_169 : vector<16xi1>
        %or3A_405 = arith.ori %or3A_399, %and3A_404 : vector<16xi1>
        %broadcast_in_dim3A_406 = vector.shape_cast %and3A_100 : vector<16xi32> to vector<16x1xi32>
        %gather3A_407 = vector.shape_cast %broadcast_in_dim3A_406 : vector<16x1xi32> to vector<16xi32>
        %gather3A_408 = tpu.dynamic_gather %select_n3A_253[%gather3A_407] in [0] : vector<16xi32>, vector<16xi32> -> vector<16xi32>
        %eq3A_409 = arith.cmpi eq, %gather3A_408, %select_n3A_253 : vector<16xi32>
        %and3A_410 = arith.andi %eq3A_409, %lt3A_172 : vector<16xi1>
        %or3A_411 = arith.ori %or3A_405, %and3A_410 : vector<16xi1>
        %broadcast_in_dim3A_412 = vector.shape_cast %and3A_106 : vector<16xi32> to vector<16x1xi32>
        %gather3A_413 = vector.shape_cast %broadcast_in_dim3A_412 : vector<16x1xi32> to vector<16xi32>
        %gather3A_414 = tpu.dynamic_gather %select_n3A_253[%gather3A_413] in [0] : vector<16xi32>, vector<16xi32> -> vector<16xi32>
        %eq3A_415 = arith.cmpi eq, %gather3A_414, %select_n3A_253 : vector<16xi32>
        %and3A_416 = arith.andi %eq3A_415, %lt3A_175 : vector<16xi1>
        %or3A_417 = arith.ori %or3A_411, %and3A_416 : vector<16xi1>
        %broadcast_in_dim3A_418 = vector.shape_cast %and3A_112 : vector<16xi32> to vector<16x1xi32>
        %gather3A_419 = vector.shape_cast %broadcast_in_dim3A_418 : vector<16x1xi32> to vector<16xi32>
        %gather3A_420 = tpu.dynamic_gather %select_n3A_253[%gather3A_419] in [0] : vector<16xi32>, vector<16xi32> -> vector<16xi32>
        %eq3A_421 = arith.cmpi eq, %gather3A_420, %select_n3A_253 : vector<16xi32>
        %and3A_422 = arith.andi %eq3A_421, %lt3A_178 : vector<16xi1>
        %or3A_423 = arith.ori %or3A_417, %and3A_422 : vector<16xi1>
        %broadcast_in_dim3A_424 = vector.shape_cast %and3A_118 : vector<16xi32> to vector<16x1xi32>
        %gather3A_425 = vector.shape_cast %broadcast_in_dim3A_424 : vector<16x1xi32> to vector<16xi32>
        %gather3A_426 = tpu.dynamic_gather %select_n3A_253[%gather3A_425] in [0] : vector<16xi32>, vector<16xi32> -> vector<16xi32>
        %eq3A_427 = arith.cmpi eq, %gather3A_426, %select_n3A_253 : vector<16xi32>
        %and3A_428 = arith.andi %eq3A_427, %lt3A_181 : vector<16xi1>
        %or3A_429 = arith.ori %or3A_423, %and3A_428 : vector<16xi1>
        %broadcast_in_dim3A_430 = vector.shape_cast %and3A_124 : vector<16xi32> to vector<16x1xi32>
        %gather3A_431 = vector.shape_cast %broadcast_in_dim3A_430 : vector<16x1xi32> to vector<16xi32>
        %gather3A_432 = tpu.dynamic_gather %select_n3A_253[%gather3A_431] in [0] : vector<16xi32>, vector<16xi32> -> vector<16xi32>
        %eq3A_433 = arith.cmpi eq, %gather3A_432, %select_n3A_253 : vector<16xi32>
        %and3A_434 = arith.andi %eq3A_433, %lt3A_184 : vector<16xi1>
        %or3A_435 = arith.ori %or3A_429, %and3A_434 : vector<16xi1>
        %broadcast_in_dim3A_436 = vector.shape_cast %and3A_130 : vector<16xi32> to vector<16x1xi32>
        %gather3A_437 = vector.shape_cast %broadcast_in_dim3A_436 : vector<16x1xi32> to vector<16xi32>
        %gather3A_438 = tpu.dynamic_gather %select_n3A_253[%gather3A_437] in [0] : vector<16xi32>, vector<16xi32> -> vector<16xi32>
        %eq3A_439 = arith.cmpi eq, %gather3A_438, %select_n3A_253 : vector<16xi32>
        %and3A_440 = arith.andi %eq3A_439, %lt3A_187 : vector<16xi1>
        %or3A_441 = arith.ori %or3A_435, %and3A_440 : vector<16xi1>
        %broadcast_in_dim3A_442 = vector.shape_cast %and3A_136 : vector<16xi32> to vector<16x1xi32>
        %gather3A_443 = vector.shape_cast %broadcast_in_dim3A_442 : vector<16x1xi32> to vector<16xi32>
        %gather3A_444 = tpu.dynamic_gather %select_n3A_253[%gather3A_443] in [0] : vector<16xi32>, vector<16xi32> -> vector<16xi32>
        %eq3A_445 = arith.cmpi eq, %gather3A_444, %select_n3A_253 : vector<16xi32>
        %and3A_446 = arith.andi %eq3A_445, %lt3A_190 : vector<16xi1>
        %or3A_447 = arith.ori %or3A_441, %and3A_446 : vector<16xi1>
        %broadcast_in_dim3A_448 = vector.shape_cast %and3A_142 : vector<16xi32> to vector<16x1xi32>
        %gather3A_449 = vector.shape_cast %broadcast_in_dim3A_448 : vector<16x1xi32> to vector<16xi32>
        %gather3A_450 = tpu.dynamic_gather %select_n3A_253[%gather3A_449] in [0] : vector<16xi32>, vector<16xi32> -> vector<16xi32>
        %eq3A_451 = arith.cmpi eq, %gather3A_450, %select_n3A_253 : vector<16xi32>
        %and3A_452 = arith.andi %eq3A_451, %lt3A_193 : vector<16xi1>
        %or3A_453 = arith.ori %or3A_447, %and3A_452 : vector<16xi1>
        %broadcast_in_dim3A_454 = vector.shape_cast %and3A_148 : vector<16xi32> to vector<16x1xi32>
        %gather3A_455 = vector.shape_cast %broadcast_in_dim3A_454 : vector<16x1xi32> to vector<16xi32>
        %gather3A_456 = tpu.dynamic_gather %select_n3A_253[%gather3A_455] in [0] : vector<16xi32>, vector<16xi32> -> vector<16xi32>
        %eq3A_457 = arith.cmpi eq, %gather3A_456, %select_n3A_253 : vector<16xi32>
        %and3A_458 = arith.andi %eq3A_457, %lt3A_196 : vector<16xi1>
        %or3A_459 = arith.ori %or3A_453, %and3A_458 : vector<16xi1>
        %broadcast_in_dim3A_460 = vector.shape_cast %and3A_154 : vector<16xi32> to vector<16x1xi32>
        %gather3A_461 = vector.shape_cast %broadcast_in_dim3A_460 : vector<16x1xi32> to vector<16xi32>
        %gather3A_462 = tpu.dynamic_gather %select_n3A_253[%gather3A_461] in [0] : vector<16xi32>, vector<16xi32> -> vector<16xi32>
        %eq3A_463 = arith.cmpi eq, %gather3A_462, %select_n3A_253 : vector<16xi32>
        %and3A_464 = arith.andi %eq3A_463, %lt3A_199 : vector<16xi1>
        %or3A_465 = arith.ori %or3A_459, %and3A_464 : vector<16xi1>
        %not3A = arith.constant dense<true> : vector<16xi1>
        %not3A_466 = arith.xori %or3A_465, %not3A : vector<16xi1>
        %and3A_467 = arith.andi %and3A_247, %not3A_466 : vector<16xi1>
        scf.yield %and3A_467 : vector<16xi1>
      }
      %jit3A_328 = arith.constant 0 : i32
      %broadcast_in_dim3A = vector.broadcast %jit3A_328 : i32 to vector<16xi32>
      %select_n3A_329 = arith.select %cond3A_327, %select_n3A_253, %broadcast_in_dim3A : vector<16xi1>, vector<16xi32>
      %add3A_330 = vector.broadcast %add3A_223 : i32 to vector<16xi32>
      %add3A_331 = arith.addi %iota3A, %add3A_330 : vector<16xi32>
      tpu.vector_store_idx %arg9[%select_n3A_329], %add3A_331 masked %cond3A_327 : memref<23328xi32, #tpu.memory_space<vmem>>[vector<16xi32>], vector<16xi32>, vector<16xi1>
      %eq3A_332 = arith.cmpi eq, %gather3A_313, %add3A_205 : vector<16xi32>
      %reduce_and3A_333 = arith.constant 1.000000e+00 : f32
      %reduce_and3A_334 = arith.constant 0.000000e+00 : f32
      %reduce_and3A_335 = vector.broadcast %reduce_and3A_333 : f32 to vector<16xf32>
      %reduce_and3A_336 = vector.broadcast %reduce_and3A_334 : f32 to vector<16xf32>
      %reduce_and3A_337 = arith.select %eq3A_332, %reduce_and3A_335, %reduce_and3A_336 : vector<16xi1>, vector<16xf32>
      %reduce_and3A_338 = arith.constant true
      %reduce_and3A_339 = vector.broadcast %reduce_and3A_338 : i1 to vector<16xi1>
      %reduce_and3A_340 = tpu.scan <min>, %reduce_and3A_337 masked %reduce_and3A_339 : vector<16xf32>, vector<16xi1> -> vector<16xf32>
      %reduce_and3A_341 = vector.extract %reduce_and3A_340[15] : f32 from vector<16xf32>
      %reduce_and3A_342 = arith.constant 0.000000e+00 : f32
      %reduce_and3A_343 = arith.cmpf ogt, %reduce_and3A_341, %reduce_and3A_342 : f32
      %convert_element_type3A_344 = arith.extui %reduce_and3A_343 : i1 to i32
      %cond3A_345 = arith.constant 0 : i32
      %cond3A_346 = arith.cmpi ne, %convert_element_type3A_344, %cond3A_345 : i32
      %cond3A_347 = scf.if %cond3A_346 -> (vector<16xi1>) {
        scf.yield %and3A_272 : vector<16xi1>
      } else {
        %broadcast_in_dim3A_375 = arith.constant false
        %broadcast_in_dim3A_376 = vector.broadcast %broadcast_in_dim3A_375 : i1 to vector<16xi1>
        %broadcast_in_dim3A_377 = vector.shape_cast %and3A_70 : vector<16xi32> to vector<16x1xi32>
        %gather3A_378 = vector.shape_cast %broadcast_in_dim3A_377 : vector<16x1xi32> to vector<16xi32>
        %gather3A_379 = tpu.dynamic_gather %select_n3A_278[%gather3A_378] in [0] : vector<16xi32>, vector<16xi32> -> vector<16xi32>
        %eq3A_380 = arith.cmpi eq, %gather3A_379, %select_n3A_278 : vector<16xi32>
        %and3A_381 = arith.andi %eq3A_380, %lt3A_157 : vector<16xi1>
        %or3A = arith.ori %broadcast_in_dim3A_376, %and3A_381 : vector<16xi1>
        %broadcast_in_dim3A_382 = vector.shape_cast %and3A_76 : vector<16xi32> to vector<16x1xi32>
        %gather3A_383 = vector.shape_cast %broadcast_in_dim3A_382 : vector<16x1xi32> to vector<16xi32>
        %gather3A_384 = tpu.dynamic_gather %select_n3A_278[%gather3A_383] in [0] : vector<16xi32>, vector<16xi32> -> vector<16xi32>
        %eq3A_385 = arith.cmpi eq, %gather3A_384, %select_n3A_278 : vector<16xi32>
        %and3A_386 = arith.andi %eq3A_385, %lt3A_160 : vector<16xi1>
        %or3A_387 = arith.ori %or3A, %and3A_386 : vector<16xi1>
        %broadcast_in_dim3A_388 = vector.shape_cast %and3A_82 : vector<16xi32> to vector<16x1xi32>
        %gather3A_389 = vector.shape_cast %broadcast_in_dim3A_388 : vector<16x1xi32> to vector<16xi32>
        %gather3A_390 = tpu.dynamic_gather %select_n3A_278[%gather3A_389] in [0] : vector<16xi32>, vector<16xi32> -> vector<16xi32>
        %eq3A_391 = arith.cmpi eq, %gather3A_390, %select_n3A_278 : vector<16xi32>
        %and3A_392 = arith.andi %eq3A_391, %lt3A_163 : vector<16xi1>
        %or3A_393 = arith.ori %or3A_387, %and3A_392 : vector<16xi1>
        %broadcast_in_dim3A_394 = vector.shape_cast %and3A_88 : vector<16xi32> to vector<16x1xi32>
        %gather3A_395 = vector.shape_cast %broadcast_in_dim3A_394 : vector<16x1xi32> to vector<16xi32>
        %gather3A_396 = tpu.dynamic_gather %select_n3A_278[%gather3A_395] in [0] : vector<16xi32>, vector<16xi32> -> vector<16xi32>
        %eq3A_397 = arith.cmpi eq, %gather3A_396, %select_n3A_278 : vector<16xi32>
        %and3A_398 = arith.andi %eq3A_397, %lt3A_166 : vector<16xi1>
        %or3A_399 = arith.ori %or3A_393, %and3A_398 : vector<16xi1>
        %broadcast_in_dim3A_400 = vector.shape_cast %and3A_94 : vector<16xi32> to vector<16x1xi32>
        %gather3A_401 = vector.shape_cast %broadcast_in_dim3A_400 : vector<16x1xi32> to vector<16xi32>
        %gather3A_402 = tpu.dynamic_gather %select_n3A_278[%gather3A_401] in [0] : vector<16xi32>, vector<16xi32> -> vector<16xi32>
        %eq3A_403 = arith.cmpi eq, %gather3A_402, %select_n3A_278 : vector<16xi32>
        %and3A_404 = arith.andi %eq3A_403, %lt3A_169 : vector<16xi1>
        %or3A_405 = arith.ori %or3A_399, %and3A_404 : vector<16xi1>
        %broadcast_in_dim3A_406 = vector.shape_cast %and3A_100 : vector<16xi32> to vector<16x1xi32>
        %gather3A_407 = vector.shape_cast %broadcast_in_dim3A_406 : vector<16x1xi32> to vector<16xi32>
        %gather3A_408 = tpu.dynamic_gather %select_n3A_278[%gather3A_407] in [0] : vector<16xi32>, vector<16xi32> -> vector<16xi32>
        %eq3A_409 = arith.cmpi eq, %gather3A_408, %select_n3A_278 : vector<16xi32>
        %and3A_410 = arith.andi %eq3A_409, %lt3A_172 : vector<16xi1>
        %or3A_411 = arith.ori %or3A_405, %and3A_410 : vector<16xi1>
        %broadcast_in_dim3A_412 = vector.shape_cast %and3A_106 : vector<16xi32> to vector<16x1xi32>
        %gather3A_413 = vector.shape_cast %broadcast_in_dim3A_412 : vector<16x1xi32> to vector<16xi32>
        %gather3A_414 = tpu.dynamic_gather %select_n3A_278[%gather3A_413] in [0] : vector<16xi32>, vector<16xi32> -> vector<16xi32>
        %eq3A_415 = arith.cmpi eq, %gather3A_414, %select_n3A_278 : vector<16xi32>
        %and3A_416 = arith.andi %eq3A_415, %lt3A_175 : vector<16xi1>
        %or3A_417 = arith.ori %or3A_411, %and3A_416 : vector<16xi1>
        %broadcast_in_dim3A_418 = vector.shape_cast %and3A_112 : vector<16xi32> to vector<16x1xi32>
        %gather3A_419 = vector.shape_cast %broadcast_in_dim3A_418 : vector<16x1xi32> to vector<16xi32>
        %gather3A_420 = tpu.dynamic_gather %select_n3A_278[%gather3A_419] in [0] : vector<16xi32>, vector<16xi32> -> vector<16xi32>
        %eq3A_421 = arith.cmpi eq, %gather3A_420, %select_n3A_278 : vector<16xi32>
        %and3A_422 = arith.andi %eq3A_421, %lt3A_178 : vector<16xi1>
        %or3A_423 = arith.ori %or3A_417, %and3A_422 : vector<16xi1>
        %broadcast_in_dim3A_424 = vector.shape_cast %and3A_118 : vector<16xi32> to vector<16x1xi32>
        %gather3A_425 = vector.shape_cast %broadcast_in_dim3A_424 : vector<16x1xi32> to vector<16xi32>
        %gather3A_426 = tpu.dynamic_gather %select_n3A_278[%gather3A_425] in [0] : vector<16xi32>, vector<16xi32> -> vector<16xi32>
        %eq3A_427 = arith.cmpi eq, %gather3A_426, %select_n3A_278 : vector<16xi32>
        %and3A_428 = arith.andi %eq3A_427, %lt3A_181 : vector<16xi1>
        %or3A_429 = arith.ori %or3A_423, %and3A_428 : vector<16xi1>
        %broadcast_in_dim3A_430 = vector.shape_cast %and3A_124 : vector<16xi32> to vector<16x1xi32>
        %gather3A_431 = vector.shape_cast %broadcast_in_dim3A_430 : vector<16x1xi32> to vector<16xi32>
        %gather3A_432 = tpu.dynamic_gather %select_n3A_278[%gather3A_431] in [0] : vector<16xi32>, vector<16xi32> -> vector<16xi32>
        %eq3A_433 = arith.cmpi eq, %gather3A_432, %select_n3A_278 : vector<16xi32>
        %and3A_434 = arith.andi %eq3A_433, %lt3A_184 : vector<16xi1>
        %or3A_435 = arith.ori %or3A_429, %and3A_434 : vector<16xi1>
        %broadcast_in_dim3A_436 = vector.shape_cast %and3A_130 : vector<16xi32> to vector<16x1xi32>
        %gather3A_437 = vector.shape_cast %broadcast_in_dim3A_436 : vector<16x1xi32> to vector<16xi32>
        %gather3A_438 = tpu.dynamic_gather %select_n3A_278[%gather3A_437] in [0] : vector<16xi32>, vector<16xi32> -> vector<16xi32>
        %eq3A_439 = arith.cmpi eq, %gather3A_438, %select_n3A_278 : vector<16xi32>
        %and3A_440 = arith.andi %eq3A_439, %lt3A_187 : vector<16xi1>
        %or3A_441 = arith.ori %or3A_435, %and3A_440 : vector<16xi1>
        %broadcast_in_dim3A_442 = vector.shape_cast %and3A_136 : vector<16xi32> to vector<16x1xi32>
        %gather3A_443 = vector.shape_cast %broadcast_in_dim3A_442 : vector<16x1xi32> to vector<16xi32>
        %gather3A_444 = tpu.dynamic_gather %select_n3A_278[%gather3A_443] in [0] : vector<16xi32>, vector<16xi32> -> vector<16xi32>
        %eq3A_445 = arith.cmpi eq, %gather3A_444, %select_n3A_278 : vector<16xi32>
        %and3A_446 = arith.andi %eq3A_445, %lt3A_190 : vector<16xi1>
        %or3A_447 = arith.ori %or3A_441, %and3A_446 : vector<16xi1>
        %broadcast_in_dim3A_448 = vector.shape_cast %and3A_142 : vector<16xi32> to vector<16x1xi32>
        %gather3A_449 = vector.shape_cast %broadcast_in_dim3A_448 : vector<16x1xi32> to vector<16xi32>
        %gather3A_450 = tpu.dynamic_gather %select_n3A_278[%gather3A_449] in [0] : vector<16xi32>, vector<16xi32> -> vector<16xi32>
        %eq3A_451 = arith.cmpi eq, %gather3A_450, %select_n3A_278 : vector<16xi32>
        %and3A_452 = arith.andi %eq3A_451, %lt3A_193 : vector<16xi1>
        %or3A_453 = arith.ori %or3A_447, %and3A_452 : vector<16xi1>
        %broadcast_in_dim3A_454 = vector.shape_cast %and3A_148 : vector<16xi32> to vector<16x1xi32>
        %gather3A_455 = vector.shape_cast %broadcast_in_dim3A_454 : vector<16x1xi32> to vector<16xi32>
        %gather3A_456 = tpu.dynamic_gather %select_n3A_278[%gather3A_455] in [0] : vector<16xi32>, vector<16xi32> -> vector<16xi32>
        %eq3A_457 = arith.cmpi eq, %gather3A_456, %select_n3A_278 : vector<16xi32>
        %and3A_458 = arith.andi %eq3A_457, %lt3A_196 : vector<16xi1>
        %or3A_459 = arith.ori %or3A_453, %and3A_458 : vector<16xi1>
        %broadcast_in_dim3A_460 = vector.shape_cast %and3A_154 : vector<16xi32> to vector<16x1xi32>
        %gather3A_461 = vector.shape_cast %broadcast_in_dim3A_460 : vector<16x1xi32> to vector<16xi32>
        %gather3A_462 = tpu.dynamic_gather %select_n3A_278[%gather3A_461] in [0] : vector<16xi32>, vector<16xi32> -> vector<16xi32>
        %eq3A_463 = arith.cmpi eq, %gather3A_462, %select_n3A_278 : vector<16xi32>
        %and3A_464 = arith.andi %eq3A_463, %lt3A_199 : vector<16xi1>
        %or3A_465 = arith.ori %or3A_459, %and3A_464 : vector<16xi1>
        %not3A = arith.constant dense<true> : vector<16xi1>
        %not3A_466 = arith.xori %or3A_465, %not3A : vector<16xi1>
        %and3A_467 = arith.andi %and3A_272, %not3A_466 : vector<16xi1>
        scf.yield %and3A_467 : vector<16xi1>
      }
      %jit3A_348 = arith.constant 0 : i32
      %broadcast_in_dim3A_349 = vector.broadcast %jit3A_348 : i32 to vector<16xi32>
      %select_n3A_350 = arith.select %cond3A_347, %select_n3A_278, %broadcast_in_dim3A_349 : vector<16xi1>, vector<16xi32>
      %add3A_351 = vector.broadcast %add3A_227 : i32 to vector<16xi32>
      %add3A_352 = arith.addi %iota3A, %add3A_351 : vector<16xi32>
      tpu.vector_store_idx %arg9[%select_n3A_350], %add3A_352 masked %cond3A_347 : memref<23328xi32, #tpu.memory_space<vmem>>[vector<16xi32>], vector<16xi32>, vector<16xi1>
      %eq3A_353 = arith.cmpi eq, %gather3A_314, %add3A_208 : vector<16xi32>
      %reduce_and3A_354 = arith.constant 1.000000e+00 : f32
      %reduce_and3A_355 = arith.constant 0.000000e+00 : f32
      %reduce_and3A_356 = vector.broadcast %reduce_and3A_354 : f32 to vector<16xf32>
      %reduce_and3A_357 = vector.broadcast %reduce_and3A_355 : f32 to vector<16xf32>
      %reduce_and3A_358 = arith.select %eq3A_353, %reduce_and3A_356, %reduce_and3A_357 : vector<16xi1>, vector<16xf32>
      %reduce_and3A_359 = arith.constant true
      %reduce_and3A_360 = vector.broadcast %reduce_and3A_359 : i1 to vector<16xi1>
      %reduce_and3A_361 = tpu.scan <min>, %reduce_and3A_358 masked %reduce_and3A_360 : vector<16xf32>, vector<16xi1> -> vector<16xf32>
      %reduce_and3A_362 = vector.extract %reduce_and3A_361[15] : f32 from vector<16xf32>
      %reduce_and3A_363 = arith.constant 0.000000e+00 : f32
      %reduce_and3A_364 = arith.cmpf ogt, %reduce_and3A_362, %reduce_and3A_363 : f32
      %convert_element_type3A_365 = arith.extui %reduce_and3A_364 : i1 to i32
      %cond3A_366 = arith.constant 0 : i32
      %cond3A_367 = arith.cmpi ne, %convert_element_type3A_365, %cond3A_366 : i32
      %cond3A_368 = scf.if %cond3A_367 -> (vector<16xi1>) {
        scf.yield %and3A_297 : vector<16xi1>
      } else {
        %broadcast_in_dim3A_375 = arith.constant false
        %broadcast_in_dim3A_376 = vector.broadcast %broadcast_in_dim3A_375 : i1 to vector<16xi1>
        %broadcast_in_dim3A_377 = vector.shape_cast %and3A_70 : vector<16xi32> to vector<16x1xi32>
        %gather3A_378 = vector.shape_cast %broadcast_in_dim3A_377 : vector<16x1xi32> to vector<16xi32>
        %gather3A_379 = tpu.dynamic_gather %select_n3A_303[%gather3A_378] in [0] : vector<16xi32>, vector<16xi32> -> vector<16xi32>
        %eq3A_380 = arith.cmpi eq, %gather3A_379, %select_n3A_303 : vector<16xi32>
        %and3A_381 = arith.andi %eq3A_380, %lt3A_157 : vector<16xi1>
        %or3A = arith.ori %broadcast_in_dim3A_376, %and3A_381 : vector<16xi1>
        %broadcast_in_dim3A_382 = vector.shape_cast %and3A_76 : vector<16xi32> to vector<16x1xi32>
        %gather3A_383 = vector.shape_cast %broadcast_in_dim3A_382 : vector<16x1xi32> to vector<16xi32>
        %gather3A_384 = tpu.dynamic_gather %select_n3A_303[%gather3A_383] in [0] : vector<16xi32>, vector<16xi32> -> vector<16xi32>
        %eq3A_385 = arith.cmpi eq, %gather3A_384, %select_n3A_303 : vector<16xi32>
        %and3A_386 = arith.andi %eq3A_385, %lt3A_160 : vector<16xi1>
        %or3A_387 = arith.ori %or3A, %and3A_386 : vector<16xi1>
        %broadcast_in_dim3A_388 = vector.shape_cast %and3A_82 : vector<16xi32> to vector<16x1xi32>
        %gather3A_389 = vector.shape_cast %broadcast_in_dim3A_388 : vector<16x1xi32> to vector<16xi32>
        %gather3A_390 = tpu.dynamic_gather %select_n3A_303[%gather3A_389] in [0] : vector<16xi32>, vector<16xi32> -> vector<16xi32>
        %eq3A_391 = arith.cmpi eq, %gather3A_390, %select_n3A_303 : vector<16xi32>
        %and3A_392 = arith.andi %eq3A_391, %lt3A_163 : vector<16xi1>
        %or3A_393 = arith.ori %or3A_387, %and3A_392 : vector<16xi1>
        %broadcast_in_dim3A_394 = vector.shape_cast %and3A_88 : vector<16xi32> to vector<16x1xi32>
        %gather3A_395 = vector.shape_cast %broadcast_in_dim3A_394 : vector<16x1xi32> to vector<16xi32>
        %gather3A_396 = tpu.dynamic_gather %select_n3A_303[%gather3A_395] in [0] : vector<16xi32>, vector<16xi32> -> vector<16xi32>
        %eq3A_397 = arith.cmpi eq, %gather3A_396, %select_n3A_303 : vector<16xi32>
        %and3A_398 = arith.andi %eq3A_397, %lt3A_166 : vector<16xi1>
        %or3A_399 = arith.ori %or3A_393, %and3A_398 : vector<16xi1>
        %broadcast_in_dim3A_400 = vector.shape_cast %and3A_94 : vector<16xi32> to vector<16x1xi32>
        %gather3A_401 = vector.shape_cast %broadcast_in_dim3A_400 : vector<16x1xi32> to vector<16xi32>
        %gather3A_402 = tpu.dynamic_gather %select_n3A_303[%gather3A_401] in [0] : vector<16xi32>, vector<16xi32> -> vector<16xi32>
        %eq3A_403 = arith.cmpi eq, %gather3A_402, %select_n3A_303 : vector<16xi32>
        %and3A_404 = arith.andi %eq3A_403, %lt3A_169 : vector<16xi1>
        %or3A_405 = arith.ori %or3A_399, %and3A_404 : vector<16xi1>
        %broadcast_in_dim3A_406 = vector.shape_cast %and3A_100 : vector<16xi32> to vector<16x1xi32>
        %gather3A_407 = vector.shape_cast %broadcast_in_dim3A_406 : vector<16x1xi32> to vector<16xi32>
        %gather3A_408 = tpu.dynamic_gather %select_n3A_303[%gather3A_407] in [0] : vector<16xi32>, vector<16xi32> -> vector<16xi32>
        %eq3A_409 = arith.cmpi eq, %gather3A_408, %select_n3A_303 : vector<16xi32>
        %and3A_410 = arith.andi %eq3A_409, %lt3A_172 : vector<16xi1>
        %or3A_411 = arith.ori %or3A_405, %and3A_410 : vector<16xi1>
        %broadcast_in_dim3A_412 = vector.shape_cast %and3A_106 : vector<16xi32> to vector<16x1xi32>
        %gather3A_413 = vector.shape_cast %broadcast_in_dim3A_412 : vector<16x1xi32> to vector<16xi32>
        %gather3A_414 = tpu.dynamic_gather %select_n3A_303[%gather3A_413] in [0] : vector<16xi32>, vector<16xi32> -> vector<16xi32>
        %eq3A_415 = arith.cmpi eq, %gather3A_414, %select_n3A_303 : vector<16xi32>
        %and3A_416 = arith.andi %eq3A_415, %lt3A_175 : vector<16xi1>
        %or3A_417 = arith.ori %or3A_411, %and3A_416 : vector<16xi1>
        %broadcast_in_dim3A_418 = vector.shape_cast %and3A_112 : vector<16xi32> to vector<16x1xi32>
        %gather3A_419 = vector.shape_cast %broadcast_in_dim3A_418 : vector<16x1xi32> to vector<16xi32>
        %gather3A_420 = tpu.dynamic_gather %select_n3A_303[%gather3A_419] in [0] : vector<16xi32>, vector<16xi32> -> vector<16xi32>
        %eq3A_421 = arith.cmpi eq, %gather3A_420, %select_n3A_303 : vector<16xi32>
        %and3A_422 = arith.andi %eq3A_421, %lt3A_178 : vector<16xi1>
        %or3A_423 = arith.ori %or3A_417, %and3A_422 : vector<16xi1>
        %broadcast_in_dim3A_424 = vector.shape_cast %and3A_118 : vector<16xi32> to vector<16x1xi32>
        %gather3A_425 = vector.shape_cast %broadcast_in_dim3A_424 : vector<16x1xi32> to vector<16xi32>
        %gather3A_426 = tpu.dynamic_gather %select_n3A_303[%gather3A_425] in [0] : vector<16xi32>, vector<16xi32> -> vector<16xi32>
        %eq3A_427 = arith.cmpi eq, %gather3A_426, %select_n3A_303 : vector<16xi32>
        %and3A_428 = arith.andi %eq3A_427, %lt3A_181 : vector<16xi1>
        %or3A_429 = arith.ori %or3A_423, %and3A_428 : vector<16xi1>
        %broadcast_in_dim3A_430 = vector.shape_cast %and3A_124 : vector<16xi32> to vector<16x1xi32>
        %gather3A_431 = vector.shape_cast %broadcast_in_dim3A_430 : vector<16x1xi32> to vector<16xi32>
        %gather3A_432 = tpu.dynamic_gather %select_n3A_303[%gather3A_431] in [0] : vector<16xi32>, vector<16xi32> -> vector<16xi32>
        %eq3A_433 = arith.cmpi eq, %gather3A_432, %select_n3A_303 : vector<16xi32>
        %and3A_434 = arith.andi %eq3A_433, %lt3A_184 : vector<16xi1>
        %or3A_435 = arith.ori %or3A_429, %and3A_434 : vector<16xi1>
        %broadcast_in_dim3A_436 = vector.shape_cast %and3A_130 : vector<16xi32> to vector<16x1xi32>
        %gather3A_437 = vector.shape_cast %broadcast_in_dim3A_436 : vector<16x1xi32> to vector<16xi32>
        %gather3A_438 = tpu.dynamic_gather %select_n3A_303[%gather3A_437] in [0] : vector<16xi32>, vector<16xi32> -> vector<16xi32>
        %eq3A_439 = arith.cmpi eq, %gather3A_438, %select_n3A_303 : vector<16xi32>
        %and3A_440 = arith.andi %eq3A_439, %lt3A_187 : vector<16xi1>
        %or3A_441 = arith.ori %or3A_435, %and3A_440 : vector<16xi1>
        %broadcast_in_dim3A_442 = vector.shape_cast %and3A_136 : vector<16xi32> to vector<16x1xi32>
        %gather3A_443 = vector.shape_cast %broadcast_in_dim3A_442 : vector<16x1xi32> to vector<16xi32>
        %gather3A_444 = tpu.dynamic_gather %select_n3A_303[%gather3A_443] in [0] : vector<16xi32>, vector<16xi32> -> vector<16xi32>
        %eq3A_445 = arith.cmpi eq, %gather3A_444, %select_n3A_303 : vector<16xi32>
        %and3A_446 = arith.andi %eq3A_445, %lt3A_190 : vector<16xi1>
        %or3A_447 = arith.ori %or3A_441, %and3A_446 : vector<16xi1>
        %broadcast_in_dim3A_448 = vector.shape_cast %and3A_142 : vector<16xi32> to vector<16x1xi32>
        %gather3A_449 = vector.shape_cast %broadcast_in_dim3A_448 : vector<16x1xi32> to vector<16xi32>
        %gather3A_450 = tpu.dynamic_gather %select_n3A_303[%gather3A_449] in [0] : vector<16xi32>, vector<16xi32> -> vector<16xi32>
        %eq3A_451 = arith.cmpi eq, %gather3A_450, %select_n3A_303 : vector<16xi32>
        %and3A_452 = arith.andi %eq3A_451, %lt3A_193 : vector<16xi1>
        %or3A_453 = arith.ori %or3A_447, %and3A_452 : vector<16xi1>
        %broadcast_in_dim3A_454 = vector.shape_cast %and3A_148 : vector<16xi32> to vector<16x1xi32>
        %gather3A_455 = vector.shape_cast %broadcast_in_dim3A_454 : vector<16x1xi32> to vector<16xi32>
        %gather3A_456 = tpu.dynamic_gather %select_n3A_303[%gather3A_455] in [0] : vector<16xi32>, vector<16xi32> -> vector<16xi32>
        %eq3A_457 = arith.cmpi eq, %gather3A_456, %select_n3A_303 : vector<16xi32>
        %and3A_458 = arith.andi %eq3A_457, %lt3A_196 : vector<16xi1>
        %or3A_459 = arith.ori %or3A_453, %and3A_458 : vector<16xi1>
        %broadcast_in_dim3A_460 = vector.shape_cast %and3A_154 : vector<16xi32> to vector<16x1xi32>
        %gather3A_461 = vector.shape_cast %broadcast_in_dim3A_460 : vector<16x1xi32> to vector<16xi32>
        %gather3A_462 = tpu.dynamic_gather %select_n3A_303[%gather3A_461] in [0] : vector<16xi32>, vector<16xi32> -> vector<16xi32>
        %eq3A_463 = arith.cmpi eq, %gather3A_462, %select_n3A_303 : vector<16xi32>
        %and3A_464 = arith.andi %eq3A_463, %lt3A_199 : vector<16xi1>
        %or3A_465 = arith.ori %or3A_459, %and3A_464 : vector<16xi1>
        %not3A = arith.constant dense<true> : vector<16xi1>
        %not3A_466 = arith.xori %or3A_465, %not3A : vector<16xi1>
        %and3A_467 = arith.andi %and3A_297, %not3A_466 : vector<16xi1>
        scf.yield %and3A_467 : vector<16xi1>
      }
      %jit3A_369 = arith.constant 0 : i32
      %broadcast_in_dim3A_370 = vector.broadcast %jit3A_369 : i32 to vector<16xi32>
      %select_n3A_371 = arith.select %cond3A_368, %select_n3A_303, %broadcast_in_dim3A_370 : vector<16xi1>, vector<16xi32>
      %add3A_372 = vector.broadcast %add3A_231 : i32 to vector<16xi32>
      %add3A_373 = arith.addi %iota3A, %add3A_372 : vector<16xi32>
      tpu.vector_store_idx %arg9[%select_n3A_371], %add3A_373 masked %cond3A_368 : memref<23328xi32, #tpu.memory_space<vmem>>[vector<16xi32>], vector<16xi32>, vector<16xi1>
      %scan3A_374 = arith.constant 0 : i32
      scf.yield %scan3A_374 : i32
    }
    %scan3A_214 = arith.constant 250 : i32
    %mul3A_215 = arith.constant 186624 : i32
    %mul3A_216 = arith.muli %select_n3A, %mul3A_215 : i32
    %add3A_217 = arith.addi %mul3A_216, %mul3A_32 : i32
    "tpu.region"() ({
      %run_scoped3A = tpu.sem_alloc : memref<!tpu.dma_semaphore, #tpu.memory_space<semaphore_mem>>
      %dma_start3A_218 = tpu.memref_slice %arg5[%add3A_217] : memref<746496xi32, #tpu.memory_space<hbm>> -> memref<23328xi32, #tpu.memory_space<hbm>>
      %dma_start3A_219 = tpu.memref_slice %arg5[%add3A_217] : memref<746496xi32, #tpu.memory_space<hbm>> -> memref<23328xi32, #tpu.memory_space<hbm>>
      tpu.enqueue_dma source(%arg9 : memref<23328xi32, #tpu.memory_space<vmem>>) target(%dma_start3A_219 : memref<23328xi32, #tpu.memory_space<hbm>>) target_semaphore(%run_scoped3A : memref<!tpu.dma_semaphore, #tpu.memory_space<semaphore_mem>>)
      %dma_wait3A_220 = tpu.memref_slice %arg5[%add3A_217] : memref<746496xi32, #tpu.memory_space<hbm>> -> memref<23328xi32, #tpu.memory_space<hbm>>
      %dma_wait3A_221 = tpu.memref_slice %arg5[%add3A_217] : memref<746496xi32, #tpu.memory_space<hbm>> -> memref<23328xi32, #tpu.memory_space<hbm>>
      tpu.wait_dma2 semaphore(%run_scoped3A : memref<!tpu.dma_semaphore, #tpu.memory_space<semaphore_mem>>) src(%arg9 : memref<23328xi32, #tpu.memory_space<vmem>>) dst(%dma_wait3A_221 : memref<23328xi32, #tpu.memory_space<hbm>>)
      tpu.yield
    }) : () -> ()
    return
  }
}

#map = affine_map<(d0, d1) -> (0)>
#map1 = affine_map<(d0, d1) -> (0, 0, 0, 0)>
module attributes {stable_mosaic.version = 14 : i64} {
  func.func @_materialize_kernel(%arg0: i32, %arg1: i32, %arg2: memref<3076096xf32, #tpu.memory_space<hbm>>, %arg3: memref<746496xi32, #tpu.memory_space<hbm>>, %arg4: memref<4x64x432x496xf32, #tpu.memory_space<hbm>>, %arg5: memref<48064xf32, #tpu.memory_space<vmem>>, %arg6: memref<3456xi32, #tpu.memory_space<vmem>>, %arg7: memref<3456xi32, #tpu.memory_space<vmem>>, %arg8: memref<4x8x496xf32, #tpu.memory_space<vmem>>, %arg9: memref<4x8x496xf32, #tpu.memory_space<vmem>>, %arg10: memref<!tpu.dma_semaphore, #tpu.memory_space<semaphore_mem>>, %arg11: memref<!tpu.dma_semaphore, #tpu.memory_space<semaphore_mem>>, %arg12: memref<!tpu.dma_semaphore, #tpu.memory_space<semaphore_mem>>, %arg13: memref<!tpu.dma_semaphore, #tpu.memory_space<semaphore_mem>>) attributes {dimension_semantics = [#tpu.dimension_semantics<core_parallel>, #tpu.dimension_semantics<subcore_parallel>], iteration_bounds = array<i64: 2, 16>, scalar_prefetch = 0 : i64, scratch_operands = 9 : i64, tpu.core_type = #tpu.core_type<sc_vector_subcore>, window_params = [{transform_indices = #map}, {transform_indices = #map}, {transform_indices = #map1}]} {
    %mul3A = arith.constant 2 : i32
    %mul3A_0 = arith.muli %arg1, %mul3A : i32
    %add3A = arith.addi %mul3A_0, %arg0 : i32
    %jit3A = arith.constant 8 : i32
    %div3A = arith.divsi %add3A, %jit3A : i32
    %sign3A = arith.constant 0 : i32
    %sign3A_1 = arith.cmpi sgt, %add3A, %sign3A : i32
    %sign3A_2 = arith.extui %sign3A_1 : i1 to i32
    %sign3A_3 = arith.constant 0 : i32
    %sign3A_4 = arith.cmpi slt, %add3A, %sign3A_3 : i32
    %sign3A_5 = arith.extui %sign3A_4 : i1 to i32
    %sign3A_6 = arith.subi %sign3A_2, %sign3A_5 : i32
    %sign3A_7 = arith.constant 0 : i32
    %sign3A_8 = arith.cmpi sgt, %jit3A, %sign3A_7 : i32
    %sign3A_9 = arith.extui %sign3A_8 : i1 to i32
    %sign3A_10 = arith.constant 0 : i32
    %sign3A_11 = arith.cmpi slt, %jit3A, %sign3A_10 : i32
    %sign3A_12 = arith.extui %sign3A_11 : i1 to i32
    %sign3A_13 = arith.subi %sign3A_9, %sign3A_12 : i32
    %ne3A = arith.cmpi ne, %sign3A_6, %sign3A_13 : i32
    %rem3A = arith.remsi %add3A, %jit3A : i32
    %ne3A_14 = arith.constant 0 : i32
    %ne3A_15 = arith.cmpi ne, %rem3A, %ne3A_14 : i32
    %and3A = arith.andi %ne3A, %ne3A_15 : i1
    %sub3A = arith.constant 1 : i32
    %sub3A_16 = arith.subi %div3A, %sub3A : i32
    %select_n3A = arith.select %and3A, %sub3A_16, %div3A : i32
    %jit3A_17 = arith.constant 8 : i32
    %eq3A = arith.constant 0 : i32
    %eq3A_18 = arith.cmpi eq, %jit3A_17, %eq3A : i32
    %jit3A_19 = arith.constant 1 : i32
    %select_n3A_20 = arith.select %eq3A_18, %jit3A_19, %jit3A_17 : i32
    %rem3A_21 = arith.remsi %add3A, %select_n3A_20 : i32
    %ne3A_22 = arith.constant 0 : i32
    %ne3A_23 = arith.cmpi ne, %rem3A_21, %ne3A_22 : i32
    %lt3A = arith.constant 0 : i32
    %lt3A_24 = arith.cmpi slt, %rem3A_21, %lt3A : i32
    %lt3A_25 = arith.constant 0 : i32
    %lt3A_26 = arith.cmpi slt, %select_n3A_20, %lt3A_25 : i32
    %ne3A_27 = arith.xori %lt3A_24, %lt3A_26 : i1
    %and3A_28 = arith.andi %ne3A_27, %ne3A_23 : i1
    %add3A_29 = arith.addi %rem3A_21, %select_n3A_20 : i32
    %select_n3A_30 = arith.select %and3A_28, %add3A_29, %rem3A_21 : i32
    %mul3A_31 = arith.constant 186624 : i32
    %mul3A_32 = arith.muli %select_n3A, %mul3A_31 : i32
    %broadcast_in_dim3A = arith.constant 0 : i32
    %broadcast_in_dim3A_33 = vector.broadcast %broadcast_in_dim3A : i32 to vector<16xi32>
    %broadcast_in_dim3A_34 = arith.constant 12016 : i32
    %broadcast_in_dim3A_35 = vector.broadcast %broadcast_in_dim3A_34 : i32 to vector<16xi32>
    %broadcast_in_dim3A_36 = arith.constant 24032 : i32
    %broadcast_in_dim3A_37 = vector.broadcast %broadcast_in_dim3A_36 : i32 to vector<16xi32>
    %broadcast_in_dim3A_38 = arith.constant 36048 : i32
    %broadcast_in_dim3A_39 = vector.broadcast %broadcast_in_dim3A_38 : i32 to vector<16xi32>
    %broadcast_in_dim3A_40 = arith.constant 0.000000e+00 : f32
    %broadcast_in_dim3A_41 = vector.broadcast %broadcast_in_dim3A_40 : f32 to vector<16xf32>
    %scan3A = arith.constant 0 : i32
    %scan3A_42 = arith.constant 0 : i32
    %scan3A_43 = arith.constant 8 : i32
    %scan3A_44 = arith.addi %scan3A_42, %scan3A_43 : i32
    %scan3A_45 = arith.constant 1 : i32
    %scan3A_46 = scf.for %scan3A_133 = %scan3A_42 to %scan3A_44 step %scan3A_45 iter_args(%scan3A_134 = %scan3A) -> (i32)  : i32 {
      %parallel_loop3A = arith.constant 432 : i32
      %parallel_loop3A_135 = arith.constant 496 : i32
      %parallel_loop3A_136 = arith.constant 16 : i32
      scf.for %parallel_loop3A_138 = %parallel_loop3A to %parallel_loop3A_135 step %parallel_loop3A_136  : i32 {
        %parallel_loop3A_139 = arith.constant 0 : i32
        %parallel_loop3A_140 = arith.index_cast %parallel_loop3A_139 : i32 to index
        %parallel_loop3A_141 = arith.index_cast %scan3A_133 : i32 to index
        %parallel_loop3A_142 = arith.index_cast %parallel_loop3A_138 : i32 to index
        %parallel_loop3A_143 = tpu.vector_load %arg8[%parallel_loop3A_140, %parallel_loop3A_141, %parallel_loop3A_142] {strides = array<i32>} : memref<4x8x496xf32, #tpu.memory_space<vmem>>, vector<16xf32>,
        tpu.vector_store %arg8[%parallel_loop3A_140, %parallel_loop3A_141, %parallel_loop3A_142], %broadcast_in_dim3A_41 {strides = array<i32>} : memref<4x8x496xf32, #tpu.memory_space<vmem>>, vector<16xf32>,
        %parallel_loop3A_144 = arith.constant 1 : i32
        %parallel_loop3A_145 = arith.index_cast %parallel_loop3A_144 : i32 to index
        %parallel_loop3A_146 = arith.index_cast %scan3A_133 : i32 to index
        %parallel_loop3A_147 = arith.index_cast %parallel_loop3A_138 : i32 to index
        %parallel_loop3A_148 = tpu.vector_load %arg8[%parallel_loop3A_145, %parallel_loop3A_146, %parallel_loop3A_147] {strides = array<i32>} : memref<4x8x496xf32, #tpu.memory_space<vmem>>, vector<16xf32>,
        tpu.vector_store %arg8[%parallel_loop3A_145, %parallel_loop3A_146, %parallel_loop3A_147], %broadcast_in_dim3A_41 {strides = array<i32>} : memref<4x8x496xf32, #tpu.memory_space<vmem>>, vector<16xf32>,
        %parallel_loop3A_149 = arith.constant 2 : i32
        %parallel_loop3A_150 = arith.index_cast %parallel_loop3A_149 : i32 to index
        %parallel_loop3A_151 = arith.index_cast %scan3A_133 : i32 to index
        %parallel_loop3A_152 = arith.index_cast %parallel_loop3A_138 : i32 to index
        %parallel_loop3A_153 = tpu.vector_load %arg8[%parallel_loop3A_150, %parallel_loop3A_151, %parallel_loop3A_152] {strides = array<i32>} : memref<4x8x496xf32, #tpu.memory_space<vmem>>, vector<16xf32>,
        tpu.vector_store %arg8[%parallel_loop3A_150, %parallel_loop3A_151, %parallel_loop3A_152], %broadcast_in_dim3A_41 {strides = array<i32>} : memref<4x8x496xf32, #tpu.memory_space<vmem>>, vector<16xf32>,
        %parallel_loop3A_154 = arith.constant 3 : i32
        %parallel_loop3A_155 = arith.index_cast %parallel_loop3A_154 : i32 to index
        %parallel_loop3A_156 = arith.index_cast %scan3A_133 : i32 to index
        %parallel_loop3A_157 = arith.index_cast %parallel_loop3A_138 : i32 to index
        %parallel_loop3A_158 = tpu.vector_load %arg8[%parallel_loop3A_155, %parallel_loop3A_156, %parallel_loop3A_157] {strides = array<i32>} : memref<4x8x496xf32, #tpu.memory_space<vmem>>, vector<16xf32>,
        tpu.vector_store %arg8[%parallel_loop3A_155, %parallel_loop3A_156, %parallel_loop3A_157], %broadcast_in_dim3A_41 {strides = array<i32>} : memref<4x8x496xf32, #tpu.memory_space<vmem>>, vector<16xf32>,
      } {sc.loop_unroll_factor = 1 : i64, sc.parallel_access}
      %scan3A_137 = arith.constant 0 : i32
      scf.yield %scan3A_137 : i32
    }
    %scan3A_47 = arith.constant 8 : i32
    %scan3A_48 = arith.constant 0 : i32
    %scan3A_49 = arith.constant 0 : i32
    %scan3A_50 = arith.constant 8 : i32
    %scan3A_51 = arith.addi %scan3A_49, %scan3A_50 : i32
    %scan3A_52 = arith.constant 1 : i32
    %scan3A_53 = scf.for %scan3A_133 = %scan3A_49 to %scan3A_51 step %scan3A_52 iter_args(%scan3A_134 = %scan3A_48) -> (i32)  : i32 {
      %parallel_loop3A = arith.constant 432 : i32
      %parallel_loop3A_135 = arith.constant 496 : i32
      %parallel_loop3A_136 = arith.constant 16 : i32
      scf.for %parallel_loop3A_138 = %parallel_loop3A to %parallel_loop3A_135 step %parallel_loop3A_136  : i32 {
        %parallel_loop3A_139 = arith.constant 0 : i32
        %parallel_loop3A_140 = arith.index_cast %parallel_loop3A_139 : i32 to index
        %parallel_loop3A_141 = arith.index_cast %scan3A_133 : i32 to index
        %parallel_loop3A_142 = arith.index_cast %parallel_loop3A_138 : i32 to index
        %parallel_loop3A_143 = tpu.vector_load %arg9[%parallel_loop3A_140, %parallel_loop3A_141, %parallel_loop3A_142] {strides = array<i32>} : memref<4x8x496xf32, #tpu.memory_space<vmem>>, vector<16xf32>,
        tpu.vector_store %arg9[%parallel_loop3A_140, %parallel_loop3A_141, %parallel_loop3A_142], %broadcast_in_dim3A_41 {strides = array<i32>} : memref<4x8x496xf32, #tpu.memory_space<vmem>>, vector<16xf32>,
        %parallel_loop3A_144 = arith.constant 1 : i32
        %parallel_loop3A_145 = arith.index_cast %parallel_loop3A_144 : i32 to index
        %parallel_loop3A_146 = arith.index_cast %scan3A_133 : i32 to index
        %parallel_loop3A_147 = arith.index_cast %parallel_loop3A_138 : i32 to index
        %parallel_loop3A_148 = tpu.vector_load %arg9[%parallel_loop3A_145, %parallel_loop3A_146, %parallel_loop3A_147] {strides = array<i32>} : memref<4x8x496xf32, #tpu.memory_space<vmem>>, vector<16xf32>,
        tpu.vector_store %arg9[%parallel_loop3A_145, %parallel_loop3A_146, %parallel_loop3A_147], %broadcast_in_dim3A_41 {strides = array<i32>} : memref<4x8x496xf32, #tpu.memory_space<vmem>>, vector<16xf32>,
        %parallel_loop3A_149 = arith.constant 2 : i32
        %parallel_loop3A_150 = arith.index_cast %parallel_loop3A_149 : i32 to index
        %parallel_loop3A_151 = arith.index_cast %scan3A_133 : i32 to index
        %parallel_loop3A_152 = arith.index_cast %parallel_loop3A_138 : i32 to index
        %parallel_loop3A_153 = tpu.vector_load %arg9[%parallel_loop3A_150, %parallel_loop3A_151, %parallel_loop3A_152] {strides = array<i32>} : memref<4x8x496xf32, #tpu.memory_space<vmem>>, vector<16xf32>,
        tpu.vector_store %arg9[%parallel_loop3A_150, %parallel_loop3A_151, %parallel_loop3A_152], %broadcast_in_dim3A_41 {strides = array<i32>} : memref<4x8x496xf32, #tpu.memory_space<vmem>>, vector<16xf32>,
        %parallel_loop3A_154 = arith.constant 3 : i32
        %parallel_loop3A_155 = arith.index_cast %parallel_loop3A_154 : i32 to index
        %parallel_loop3A_156 = arith.index_cast %scan3A_133 : i32 to index
        %parallel_loop3A_157 = arith.index_cast %parallel_loop3A_138 : i32 to index
        %parallel_loop3A_158 = tpu.vector_load %arg9[%parallel_loop3A_155, %parallel_loop3A_156, %parallel_loop3A_157] {strides = array<i32>} : memref<4x8x496xf32, #tpu.memory_space<vmem>>, vector<16xf32>,
        tpu.vector_store %arg9[%parallel_loop3A_155, %parallel_loop3A_156, %parallel_loop3A_157], %broadcast_in_dim3A_41 {strides = array<i32>} : memref<4x8x496xf32, #tpu.memory_space<vmem>>, vector<16xf32>,
      } {sc.loop_unroll_factor = 1 : i64, sc.parallel_access}
      %scan3A_137 = arith.constant 0 : i32
      scf.yield %scan3A_137 : i32
    }
    %scan3A_54 = arith.constant 8 : i32
    %mul3A_55 = arith.constant 8 : i32
    %mul3A_56 = arith.muli %select_n3A_30, %mul3A_55 : i32
    %add3A_57 = arith.constant 0 : i32
    %add3A_58 = arith.addi %mul3A_56, %add3A_57 : i32
    %mul3A_59 = arith.constant 64 : i32
    %mul3A_60 = arith.muli %select_n3A, %mul3A_59 : i32
    %add3A_61 = arith.addi %mul3A_60, %add3A_58 : i32
    %mul3A_62 = arith.constant 12016 : i32
    %mul3A_63 = arith.muli %add3A_61, %mul3A_62 : i32
    "tpu.region"() ({
      %run_scoped3A = tpu.sem_alloc : memref<!tpu.dma_semaphore, #tpu.memory_space<semaphore_mem>>
      %dma_start3A_133 = tpu.memref_slice %arg2[%mul3A_63] : memref<3076096xf32, #tpu.memory_space<hbm>> -> memref<48064xf32, #tpu.memory_space<hbm>>
      %dma_start3A_134 = tpu.memref_slice %arg2[%mul3A_63] : memref<3076096xf32, #tpu.memory_space<hbm>> -> memref<48064xf32, #tpu.memory_space<hbm>>
      tpu.enqueue_dma source(%dma_start3A_134 : memref<48064xf32, #tpu.memory_space<hbm>>) target(%arg5 : memref<48064xf32, #tpu.memory_space<vmem>>) target_semaphore(%run_scoped3A : memref<!tpu.dma_semaphore, #tpu.memory_space<semaphore_mem>>)
      %dma_wait3A_135 = tpu.memref_slice %arg2[%mul3A_63] : memref<3076096xf32, #tpu.memory_space<hbm>> -> memref<48064xf32, #tpu.memory_space<hbm>>
      %dma_wait3A_136 = tpu.memref_slice %arg2[%mul3A_63] : memref<3076096xf32, #tpu.memory_space<hbm>> -> memref<48064xf32, #tpu.memory_space<hbm>>
      tpu.wait_dma2 semaphore(%run_scoped3A : memref<!tpu.dma_semaphore, #tpu.memory_space<semaphore_mem>>) src(%dma_wait3A_136 : memref<48064xf32, #tpu.memory_space<hbm>>) dst(%arg5 : memref<48064xf32, #tpu.memory_space<vmem>>)
      tpu.yield
    }) : () -> ()
    %add3A_64 = arith.constant 0 : i32
    %add3A_65 = arith.addi %mul3A_32, %add3A_64 : i32
    %dma_start3A = tpu.memref_slice %arg3[%add3A_65] : memref<746496xi32, #tpu.memory_space<hbm>> -> memref<3456xi32, #tpu.memory_space<hbm>>
    %dma_start3A_66 = tpu.memref_slice %arg3[%add3A_65] : memref<746496xi32, #tpu.memory_space<hbm>> -> memref<3456xi32, #tpu.memory_space<hbm>>
    tpu.enqueue_dma source(%dma_start3A_66 : memref<3456xi32, #tpu.memory_space<hbm>>) target(%arg6 : memref<3456xi32, #tpu.memory_space<vmem>>) target_semaphore(%arg10 : memref<!tpu.dma_semaphore, #tpu.memory_space<semaphore_mem>>)
    %add3A_67 = arith.constant 3456 : i32
    %add3A_68 = arith.addi %mul3A_32, %add3A_67 : i32
    %dma_start3A_69 = tpu.memref_slice %arg3[%add3A_68] : memref<746496xi32, #tpu.memory_space<hbm>> -> memref<3456xi32, #tpu.memory_space<hbm>>
    %dma_start3A_70 = tpu.memref_slice %arg3[%add3A_68] : memref<746496xi32, #tpu.memory_space<hbm>> -> memref<3456xi32, #tpu.memory_space<hbm>>
    tpu.enqueue_dma source(%dma_start3A_70 : memref<3456xi32, #tpu.memory_space<hbm>>) target(%arg7 : memref<3456xi32, #tpu.memory_space<vmem>>) target_semaphore(%arg11 : memref<!tpu.dma_semaphore, #tpu.memory_space<semaphore_mem>>)
    %scan3A_71 = arith.constant 0 : i32
    %scan3A_72 = arith.constant 0 : i32
    %scan3A_73 = arith.constant 27 : i32
    %scan3A_74 = arith.addi %scan3A_72, %scan3A_73 : i32
    %scan3A_75 = arith.constant 1 : i32
    %scan3A_76 = scf.for %scan3A_133 = %scan3A_72 to %scan3A_74 step %scan3A_75 iter_args(%scan3A_134 = %scan3A_71) -> (i32)  : i32 {
      %mul3A_135 = arith.constant 2 : i32
      %mul3A_136 = arith.muli %scan3A_133, %mul3A_135 : i32
      %add3A_137 = arith.constant 0 : i32
      %add3A_138 = arith.addi %mul3A_136, %add3A_137 : i32
      %mul3A_139 = arith.constant 3456 : i32
      %mul3A_140 = arith.muli %add3A_138, %mul3A_139 : i32
      %add3A_141 = arith.addi %mul3A_32, %mul3A_140 : i32
      %dma_wait3A_142 = tpu.memref_slice %arg3[%add3A_141] : memref<746496xi32, #tpu.memory_space<hbm>> -> memref<3456xi32, #tpu.memory_space<hbm>>
      %dma_wait3A_143 = tpu.memref_slice %arg3[%add3A_141] : memref<746496xi32, #tpu.memory_space<hbm>> -> memref<3456xi32, #tpu.memory_space<hbm>>
      tpu.wait_dma2 semaphore(%arg10 : memref<!tpu.dma_semaphore, #tpu.memory_space<semaphore_mem>>) src(%dma_wait3A_143 : memref<3456xi32, #tpu.memory_space<hbm>>) dst(%arg6 : memref<3456xi32, #tpu.memory_space<vmem>>)
      %ge3A = arith.constant 2 : i32
      %ge3A_144 = arith.cmpi sge, %add3A_138, %ge3A : i32
      %convert_element_type3A = arith.extui %ge3A_144 : i1 to i32
      %cond3A = arith.constant 0 : i32
      %cond3A_145 = arith.cmpi ne, %convert_element_type3A, %cond3A : i32
      scf.if %cond3A_145 {
        %sub3A_205 = arith.constant 2 : i32
        %sub3A_206 = arith.subi %add3A_138, %sub3A_205 : i32
        %mul3A_207 = arith.constant 8 : i32
        %mul3A_208 = arith.muli %sub3A_206, %mul3A_207 : i32
        %dma_wait3A_209 = arith.constant 0 : i32
        %dma_wait3A_210 = tpu.memref_slice %arg4[%select_n3A, %add3A_58, %mul3A_208, %dma_wait3A_209] : memref<4x64x432x496xf32, #tpu.memory_space<hbm>> -> memref<1x4x8x496xf32, #tpu.memory_space<hbm>>
        %dma_wait3A_211 = tpu.memref_squeeze %dma_wait3A_210 : memref<1x4x8x496xf32, #tpu.memory_space<hbm>> -> memref<4x8x496xf32, #tpu.memory_space<hbm>>
        %dma_wait3A_212 = arith.constant 0 : i32
        %dma_wait3A_213 = tpu.memref_slice %arg4[%select_n3A, %add3A_58, %mul3A_208, %dma_wait3A_212] : memref<4x64x432x496xf32, #tpu.memory_space<hbm>> -> memref<1x4x8x496xf32, #tpu.memory_space<hbm>>
        %dma_wait3A_214 = tpu.memref_squeeze %dma_wait3A_213 : memref<1x4x8x496xf32, #tpu.memory_space<hbm>> -> memref<4x8x496xf32, #tpu.memory_space<hbm>>
        tpu.wait_dma2 semaphore(%arg12 : memref<!tpu.dma_semaphore, #tpu.memory_space<semaphore_mem>>) src(%arg8 : memref<4x8x496xf32, #tpu.memory_space<vmem>>) dst(%dma_wait3A_214 : memref<4x8x496xf32, #tpu.memory_space<hbm>>)
      } else {
      }
      %scan3A_146 = arith.constant 0 : i32
      %scan3A_147 = arith.constant 0 : i32
      %scan3A_148 = arith.constant 8 : i32
      %scan3A_149 = arith.addi %scan3A_147, %scan3A_148 : i32
      %scan3A_150 = arith.constant 1 : i32
      %scan3A_151 = scf.for %scan3A_205 = %scan3A_147 to %scan3A_149 step %scan3A_150 iter_args(%scan3A_206 = %scan3A_146) -> (i32)  : i32 {
        %mul3A_207 = arith.constant 432 : i32
        %mul3A_208 = arith.muli %scan3A_205, %mul3A_207 : i32
        %parallel_loop3A = arith.constant 0 : i32
        %parallel_loop3A_209 = arith.constant 432 : i32
        %parallel_loop3A_210 = arith.constant 16 : i32
        scf.for %parallel_loop3A_212 = %parallel_loop3A to %parallel_loop3A_209 step %parallel_loop3A_210  : i32 {
          %parallel_loop3A_213 = arith.addi %mul3A_208, %parallel_loop3A_212 : i32
          %parallel_loop3A_214 = arith.index_cast %parallel_loop3A_213 : i32 to index
          %parallel_loop3A_215 = tpu.vector_load %arg6[%parallel_loop3A_214] {strides = array<i32>} : memref<3456xi32, #tpu.memory_space<vmem>>, vector<16xi32>,
          %parallel_loop3A_216 = arith.addi %parallel_loop3A_215, %broadcast_in_dim3A_33 : vector<16xi32>
          %parallel_loop3A_217 = tpu.vector_load_idx %arg5[%parallel_loop3A_216] : memref<48064xf32, #tpu.memory_space<vmem>>[vector<16xi32>], vector<16xf32>,
          %parallel_loop3A_218 = arith.constant 0 : i32
          %parallel_loop3A_219 = arith.index_cast %parallel_loop3A_218 : i32 to index
          %parallel_loop3A_220 = arith.index_cast %scan3A_205 : i32 to index
          %parallel_loop3A_221 = arith.index_cast %parallel_loop3A_212 : i32 to index
          %parallel_loop3A_222 = tpu.vector_load %arg8[%parallel_loop3A_219, %parallel_loop3A_220, %parallel_loop3A_221] {strides = array<i32>} : memref<4x8x496xf32, #tpu.memory_space<vmem>>, vector<16xf32>,
          tpu.vector_store %arg8[%parallel_loop3A_219, %parallel_loop3A_220, %parallel_loop3A_221], %parallel_loop3A_217 {strides = array<i32>} : memref<4x8x496xf32, #tpu.memory_space<vmem>>, vector<16xf32>,
          %parallel_loop3A_223 = arith.addi %parallel_loop3A_215, %broadcast_in_dim3A_35 : vector<16xi32>
          %parallel_loop3A_224 = tpu.vector_load_idx %arg5[%parallel_loop3A_223] : memref<48064xf32, #tpu.memory_space<vmem>>[vector<16xi32>], vector<16xf32>,
          %parallel_loop3A_225 = arith.constant 1 : i32
          %parallel_loop3A_226 = arith.index_cast %parallel_loop3A_225 : i32 to index
          %parallel_loop3A_227 = arith.index_cast %scan3A_205 : i32 to index
          %parallel_loop3A_228 = arith.index_cast %parallel_loop3A_212 : i32 to index
          %parallel_loop3A_229 = tpu.vector_load %arg8[%parallel_loop3A_226, %parallel_loop3A_227, %parallel_loop3A_228] {strides = array<i32>} : memref<4x8x496xf32, #tpu.memory_space<vmem>>, vector<16xf32>,
          tpu.vector_store %arg8[%parallel_loop3A_226, %parallel_loop3A_227, %parallel_loop3A_228], %parallel_loop3A_224 {strides = array<i32>} : memref<4x8x496xf32, #tpu.memory_space<vmem>>, vector<16xf32>,
          %parallel_loop3A_230 = arith.addi %parallel_loop3A_215, %broadcast_in_dim3A_37 : vector<16xi32>
          %parallel_loop3A_231 = tpu.vector_load_idx %arg5[%parallel_loop3A_230] : memref<48064xf32, #tpu.memory_space<vmem>>[vector<16xi32>], vector<16xf32>,
          %parallel_loop3A_232 = arith.constant 2 : i32
          %parallel_loop3A_233 = arith.index_cast %parallel_loop3A_232 : i32 to index
          %parallel_loop3A_234 = arith.index_cast %scan3A_205 : i32 to index
          %parallel_loop3A_235 = arith.index_cast %parallel_loop3A_212 : i32 to index
          %parallel_loop3A_236 = tpu.vector_load %arg8[%parallel_loop3A_233, %parallel_loop3A_234, %parallel_loop3A_235] {strides = array<i32>} : memref<4x8x496xf32, #tpu.memory_space<vmem>>, vector<16xf32>,
          tpu.vector_store %arg8[%parallel_loop3A_233, %parallel_loop3A_234, %parallel_loop3A_235], %parallel_loop3A_231 {strides = array<i32>} : memref<4x8x496xf32, #tpu.memory_space<vmem>>, vector<16xf32>,
          %parallel_loop3A_237 = arith.addi %parallel_loop3A_215, %broadcast_in_dim3A_39 : vector<16xi32>
          %parallel_loop3A_238 = tpu.vector_load_idx %arg5[%parallel_loop3A_237] : memref<48064xf32, #tpu.memory_space<vmem>>[vector<16xi32>], vector<16xf32>,
          %parallel_loop3A_239 = arith.constant 3 : i32
          %parallel_loop3A_240 = arith.index_cast %parallel_loop3A_239 : i32 to index
          %parallel_loop3A_241 = arith.index_cast %scan3A_205 : i32 to index
          %parallel_loop3A_242 = arith.index_cast %parallel_loop3A_212 : i32 to index
          %parallel_loop3A_243 = tpu.vector_load %arg8[%parallel_loop3A_240, %parallel_loop3A_241, %parallel_loop3A_242] {strides = array<i32>} : memref<4x8x496xf32, #tpu.memory_space<vmem>>, vector<16xf32>,
          tpu.vector_store %arg8[%parallel_loop3A_240, %parallel_loop3A_241, %parallel_loop3A_242], %parallel_loop3A_238 {strides = array<i32>} : memref<4x8x496xf32, #tpu.memory_space<vmem>>, vector<16xf32>,
        } {sc.loop_unroll_factor = 3 : i64, sc.parallel_access}
        %scan3A_211 = arith.constant 0 : i32
        scf.yield %scan3A_211 : i32
      }
      %scan3A_152 = arith.constant 8 : i32
      %mul3A_153 = arith.constant 8 : i32
      %mul3A_154 = arith.muli %add3A_138, %mul3A_153 : i32
      %dma_start3A_155 = arith.constant 0 : i32
      %dma_start3A_156 = tpu.memref_slice %arg4[%select_n3A, %add3A_58, %mul3A_154, %dma_start3A_155] : memref<4x64x432x496xf32, #tpu.memory_space<hbm>> -> memref<1x4x8x496xf32, #tpu.memory_space<hbm>>
      %dma_start3A_157 = tpu.memref_squeeze %dma_start3A_156 : memref<1x4x8x496xf32, #tpu.memory_space<hbm>> -> memref<4x8x496xf32, #tpu.memory_space<hbm>>
      %dma_start3A_158 = arith.constant 0 : i32
      %dma_start3A_159 = tpu.memref_slice %arg4[%select_n3A, %add3A_58, %mul3A_154, %dma_start3A_158] : memref<4x64x432x496xf32, #tpu.memory_space<hbm>> -> memref<1x4x8x496xf32, #tpu.memory_space<hbm>>
      %dma_start3A_160 = tpu.memref_squeeze %dma_start3A_159 : memref<1x4x8x496xf32, #tpu.memory_space<hbm>> -> memref<4x8x496xf32, #tpu.memory_space<hbm>>
      tpu.enqueue_dma source(%arg8 : memref<4x8x496xf32, #tpu.memory_space<vmem>>) target(%dma_start3A_160 : memref<4x8x496xf32, #tpu.memory_space<hbm>>) target_semaphore(%arg12 : memref<!tpu.dma_semaphore, #tpu.memory_space<semaphore_mem>>)
      %add3A_161 = arith.constant 2 : i32
      %add3A_162 = arith.addi %add3A_138, %add3A_161 : i32
      %lt3A_163 = arith.constant 54 : i32
      %lt3A_164 = arith.cmpi slt, %add3A_162, %lt3A_163 : i32
      %convert_element_type3A_165 = arith.extui %lt3A_164 : i1 to i32
      %cond3A_166 = arith.constant 0 : i32
      %cond3A_167 = arith.cmpi ne, %convert_element_type3A_165, %cond3A_166 : i32
      scf.if %cond3A_167 {
        %add3A_205 = arith.constant 2 : i32
        %add3A_206 = arith.addi %add3A_138, %add3A_205 : i32
        %mul3A_207 = arith.constant 3456 : i32
        %mul3A_208 = arith.muli %add3A_206, %mul3A_207 : i32
        %add3A_209 = arith.addi %mul3A_32, %mul3A_208 : i32
        %dma_start3A_210 = tpu.memref_slice %arg3[%add3A_209] : memref<746496xi32, #tpu.memory_space<hbm>> -> memref<3456xi32, #tpu.memory_space<hbm>>
        %dma_start3A_211 = tpu.memref_slice %arg3[%add3A_209] : memref<746496xi32, #tpu.memory_space<hbm>> -> memref<3456xi32, #tpu.memory_space<hbm>>
        tpu.enqueue_dma source(%dma_start3A_211 : memref<3456xi32, #tpu.memory_space<hbm>>) target(%arg6 : memref<3456xi32, #tpu.memory_space<vmem>>) target_semaphore(%arg10 : memref<!tpu.dma_semaphore, #tpu.memory_space<semaphore_mem>>)
      } else {
      }
      %mul3A_168 = arith.constant 2 : i32
      %mul3A_169 = arith.muli %scan3A_133, %mul3A_168 : i32
      %add3A_170 = arith.constant 1 : i32
      %add3A_171 = arith.addi %mul3A_169, %add3A_170 : i32
      %mul3A_172 = arith.constant 3456 : i32
      %mul3A_173 = arith.muli %add3A_171, %mul3A_172 : i32
      %add3A_174 = arith.addi %mul3A_32, %mul3A_173 : i32
      %dma_wait3A_175 = tpu.memref_slice %arg3[%add3A_174] : memref<746496xi32, #tpu.memory_space<hbm>> -> memref<3456xi32, #tpu.memory_space<hbm>>
      %dma_wait3A_176 = tpu.memref_slice %arg3[%add3A_174] : memref<746496xi32, #tpu.memory_space<hbm>> -> memref<3456xi32, #tpu.memory_space<hbm>>
      tpu.wait_dma2 semaphore(%arg11 : memref<!tpu.dma_semaphore, #tpu.memory_space<semaphore_mem>>) src(%dma_wait3A_176 : memref<3456xi32, #tpu.memory_space<hbm>>) dst(%arg7 : memref<3456xi32, #tpu.memory_space<vmem>>)
      %ge3A_177 = arith.constant 2 : i32
      %ge3A_178 = arith.cmpi sge, %add3A_171, %ge3A_177 : i32
      %convert_element_type3A_179 = arith.extui %ge3A_178 : i1 to i32
      %cond3A_180 = arith.constant 0 : i32
      %cond3A_181 = arith.cmpi ne, %convert_element_type3A_179, %cond3A_180 : i32
      scf.if %cond3A_181 {
        %sub3A_205 = arith.constant 2 : i32
        %sub3A_206 = arith.subi %add3A_171, %sub3A_205 : i32
        %mul3A_207 = arith.constant 8 : i32
        %mul3A_208 = arith.muli %sub3A_206, %mul3A_207 : i32
        %dma_wait3A_209 = arith.constant 0 : i32
        %dma_wait3A_210 = tpu.memref_slice %arg4[%select_n3A, %add3A_58, %mul3A_208, %dma_wait3A_209] : memref<4x64x432x496xf32, #tpu.memory_space<hbm>> -> memref<1x4x8x496xf32, #tpu.memory_space<hbm>>
        %dma_wait3A_211 = tpu.memref_squeeze %dma_wait3A_210 : memref<1x4x8x496xf32, #tpu.memory_space<hbm>> -> memref<4x8x496xf32, #tpu.memory_space<hbm>>
        %dma_wait3A_212 = arith.constant 0 : i32
        %dma_wait3A_213 = tpu.memref_slice %arg4[%select_n3A, %add3A_58, %mul3A_208, %dma_wait3A_212] : memref<4x64x432x496xf32, #tpu.memory_space<hbm>> -> memref<1x4x8x496xf32, #tpu.memory_space<hbm>>
        %dma_wait3A_214 = tpu.memref_squeeze %dma_wait3A_213 : memref<1x4x8x496xf32, #tpu.memory_space<hbm>> -> memref<4x8x496xf32, #tpu.memory_space<hbm>>
        tpu.wait_dma2 semaphore(%arg13 : memref<!tpu.dma_semaphore, #tpu.memory_space<semaphore_mem>>) src(%arg9 : memref<4x8x496xf32, #tpu.memory_space<vmem>>) dst(%dma_wait3A_214 : memref<4x8x496xf32, #tpu.memory_space<hbm>>)
      } else {
      }
      %scan3A_182 = arith.constant 0 : i32
      %scan3A_183 = arith.constant 0 : i32
      %scan3A_184 = arith.constant 8 : i32
      %scan3A_185 = arith.addi %scan3A_183, %scan3A_184 : i32
      %scan3A_186 = arith.constant 1 : i32
      %scan3A_187 = scf.for %scan3A_205 = %scan3A_183 to %scan3A_185 step %scan3A_186 iter_args(%scan3A_206 = %scan3A_182) -> (i32)  : i32 {
        %mul3A_207 = arith.constant 432 : i32
        %mul3A_208 = arith.muli %scan3A_205, %mul3A_207 : i32
        %parallel_loop3A = arith.constant 0 : i32
        %parallel_loop3A_209 = arith.constant 432 : i32
        %parallel_loop3A_210 = arith.constant 16 : i32
        scf.for %parallel_loop3A_212 = %parallel_loop3A to %parallel_loop3A_209 step %parallel_loop3A_210  : i32 {
          %parallel_loop3A_213 = arith.addi %mul3A_208, %parallel_loop3A_212 : i32
          %parallel_loop3A_214 = arith.index_cast %parallel_loop3A_213 : i32 to index
          %parallel_loop3A_215 = tpu.vector_load %arg7[%parallel_loop3A_214] {strides = array<i32>} : memref<3456xi32, #tpu.memory_space<vmem>>, vector<16xi32>,
          %parallel_loop3A_216 = arith.addi %parallel_loop3A_215, %broadcast_in_dim3A_33 : vector<16xi32>
          %parallel_loop3A_217 = tpu.vector_load_idx %arg5[%parallel_loop3A_216] : memref<48064xf32, #tpu.memory_space<vmem>>[vector<16xi32>], vector<16xf32>,
          %parallel_loop3A_218 = arith.constant 0 : i32
          %parallel_loop3A_219 = arith.index_cast %parallel_loop3A_218 : i32 to index
          %parallel_loop3A_220 = arith.index_cast %scan3A_205 : i32 to index
          %parallel_loop3A_221 = arith.index_cast %parallel_loop3A_212 : i32 to index
          %parallel_loop3A_222 = tpu.vector_load %arg9[%parallel_loop3A_219, %parallel_loop3A_220, %parallel_loop3A_221] {strides = array<i32>} : memref<4x8x496xf32, #tpu.memory_space<vmem>>, vector<16xf32>,
          tpu.vector_store %arg9[%parallel_loop3A_219, %parallel_loop3A_220, %parallel_loop3A_221], %parallel_loop3A_217 {strides = array<i32>} : memref<4x8x496xf32, #tpu.memory_space<vmem>>, vector<16xf32>,
          %parallel_loop3A_223 = arith.addi %parallel_loop3A_215, %broadcast_in_dim3A_35 : vector<16xi32>
          %parallel_loop3A_224 = tpu.vector_load_idx %arg5[%parallel_loop3A_223] : memref<48064xf32, #tpu.memory_space<vmem>>[vector<16xi32>], vector<16xf32>,
          %parallel_loop3A_225 = arith.constant 1 : i32
          %parallel_loop3A_226 = arith.index_cast %parallel_loop3A_225 : i32 to index
          %parallel_loop3A_227 = arith.index_cast %scan3A_205 : i32 to index
          %parallel_loop3A_228 = arith.index_cast %parallel_loop3A_212 : i32 to index
          %parallel_loop3A_229 = tpu.vector_load %arg9[%parallel_loop3A_226, %parallel_loop3A_227, %parallel_loop3A_228] {strides = array<i32>} : memref<4x8x496xf32, #tpu.memory_space<vmem>>, vector<16xf32>,
          tpu.vector_store %arg9[%parallel_loop3A_226, %parallel_loop3A_227, %parallel_loop3A_228], %parallel_loop3A_224 {strides = array<i32>} : memref<4x8x496xf32, #tpu.memory_space<vmem>>, vector<16xf32>,
          %parallel_loop3A_230 = arith.addi %parallel_loop3A_215, %broadcast_in_dim3A_37 : vector<16xi32>
          %parallel_loop3A_231 = tpu.vector_load_idx %arg5[%parallel_loop3A_230] : memref<48064xf32, #tpu.memory_space<vmem>>[vector<16xi32>], vector<16xf32>,
          %parallel_loop3A_232 = arith.constant 2 : i32
          %parallel_loop3A_233 = arith.index_cast %parallel_loop3A_232 : i32 to index
          %parallel_loop3A_234 = arith.index_cast %scan3A_205 : i32 to index
          %parallel_loop3A_235 = arith.index_cast %parallel_loop3A_212 : i32 to index
          %parallel_loop3A_236 = tpu.vector_load %arg9[%parallel_loop3A_233, %parallel_loop3A_234, %parallel_loop3A_235] {strides = array<i32>} : memref<4x8x496xf32, #tpu.memory_space<vmem>>, vector<16xf32>,
          tpu.vector_store %arg9[%parallel_loop3A_233, %parallel_loop3A_234, %parallel_loop3A_235], %parallel_loop3A_231 {strides = array<i32>} : memref<4x8x496xf32, #tpu.memory_space<vmem>>, vector<16xf32>,
          %parallel_loop3A_237 = arith.addi %parallel_loop3A_215, %broadcast_in_dim3A_39 : vector<16xi32>
          %parallel_loop3A_238 = tpu.vector_load_idx %arg5[%parallel_loop3A_237] : memref<48064xf32, #tpu.memory_space<vmem>>[vector<16xi32>], vector<16xf32>,
          %parallel_loop3A_239 = arith.constant 3 : i32
          %parallel_loop3A_240 = arith.index_cast %parallel_loop3A_239 : i32 to index
          %parallel_loop3A_241 = arith.index_cast %scan3A_205 : i32 to index
          %parallel_loop3A_242 = arith.index_cast %parallel_loop3A_212 : i32 to index
          %parallel_loop3A_243 = tpu.vector_load %arg9[%parallel_loop3A_240, %parallel_loop3A_241, %parallel_loop3A_242] {strides = array<i32>} : memref<4x8x496xf32, #tpu.memory_space<vmem>>, vector<16xf32>,
          tpu.vector_store %arg9[%parallel_loop3A_240, %parallel_loop3A_241, %parallel_loop3A_242], %parallel_loop3A_238 {strides = array<i32>} : memref<4x8x496xf32, #tpu.memory_space<vmem>>, vector<16xf32>,
        } {sc.loop_unroll_factor = 3 : i64, sc.parallel_access}
        %scan3A_211 = arith.constant 0 : i32
        scf.yield %scan3A_211 : i32
      }
      %scan3A_188 = arith.constant 8 : i32
      %mul3A_189 = arith.constant 8 : i32
      %mul3A_190 = arith.muli %add3A_171, %mul3A_189 : i32
      %dma_start3A_191 = arith.constant 0 : i32
      %dma_start3A_192 = tpu.memref_slice %arg4[%select_n3A, %add3A_58, %mul3A_190, %dma_start3A_191] : memref<4x64x432x496xf32, #tpu.memory_space<hbm>> -> memref<1x4x8x496xf32, #tpu.memory_space<hbm>>
      %dma_start3A_193 = tpu.memref_squeeze %dma_start3A_192 : memref<1x4x8x496xf32, #tpu.memory_space<hbm>> -> memref<4x8x496xf32, #tpu.memory_space<hbm>>
      %dma_start3A_194 = arith.constant 0 : i32
      %dma_start3A_195 = tpu.memref_slice %arg4[%select_n3A, %add3A_58, %mul3A_190, %dma_start3A_194] : memref<4x64x432x496xf32, #tpu.memory_space<hbm>> -> memref<1x4x8x496xf32, #tpu.memory_space<hbm>>
      %dma_start3A_196 = tpu.memref_squeeze %dma_start3A_195 : memref<1x4x8x496xf32, #tpu.memory_space<hbm>> -> memref<4x8x496xf32, #tpu.memory_space<hbm>>
      tpu.enqueue_dma source(%arg9 : memref<4x8x496xf32, #tpu.memory_space<vmem>>) target(%dma_start3A_196 : memref<4x8x496xf32, #tpu.memory_space<hbm>>) target_semaphore(%arg13 : memref<!tpu.dma_semaphore, #tpu.memory_space<semaphore_mem>>)
      %add3A_197 = arith.constant 2 : i32
      %add3A_198 = arith.addi %add3A_171, %add3A_197 : i32
      %lt3A_199 = arith.constant 54 : i32
      %lt3A_200 = arith.cmpi slt, %add3A_198, %lt3A_199 : i32
      %convert_element_type3A_201 = arith.extui %lt3A_200 : i1 to i32
      %cond3A_202 = arith.constant 0 : i32
      %cond3A_203 = arith.cmpi ne, %convert_element_type3A_201, %cond3A_202 : i32
      scf.if %cond3A_203 {
        %add3A_205 = arith.constant 2 : i32
        %add3A_206 = arith.addi %add3A_171, %add3A_205 : i32
        %mul3A_207 = arith.constant 3456 : i32
        %mul3A_208 = arith.muli %add3A_206, %mul3A_207 : i32
        %add3A_209 = arith.addi %mul3A_32, %mul3A_208 : i32
        %dma_start3A_210 = tpu.memref_slice %arg3[%add3A_209] : memref<746496xi32, #tpu.memory_space<hbm>> -> memref<3456xi32, #tpu.memory_space<hbm>>
        %dma_start3A_211 = tpu.memref_slice %arg3[%add3A_209] : memref<746496xi32, #tpu.memory_space<hbm>> -> memref<3456xi32, #tpu.memory_space<hbm>>
        tpu.enqueue_dma source(%dma_start3A_211 : memref<3456xi32, #tpu.memory_space<hbm>>) target(%arg7 : memref<3456xi32, #tpu.memory_space<vmem>>) target_semaphore(%arg11 : memref<!tpu.dma_semaphore, #tpu.memory_space<semaphore_mem>>)
      } else {
      }
      %scan3A_204 = arith.constant 0 : i32
      scf.yield %scan3A_204 : i32
    }
    %scan3A_77 = arith.constant 27 : i32
    %dma_wait3A = arith.constant 416 : i32
    %dma_wait3A_78 = arith.constant 0 : i32
    %dma_wait3A_79 = tpu.memref_slice %arg4[%select_n3A, %add3A_58, %dma_wait3A, %dma_wait3A_78] : memref<4x64x432x496xf32, #tpu.memory_space<hbm>> -> memref<1x4x8x496xf32, #tpu.memory_space<hbm>>
    %dma_wait3A_80 = tpu.memref_squeeze %dma_wait3A_79 : memref<1x4x8x496xf32, #tpu.memory_space<hbm>> -> memref<4x8x496xf32, #tpu.memory_space<hbm>>
    %dma_wait3A_81 = arith.constant 416 : i32
    %dma_wait3A_82 = arith.constant 0 : i32
    %dma_wait3A_83 = tpu.memref_slice %arg4[%select_n3A, %add3A_58, %dma_wait3A_81, %dma_wait3A_82] : memref<4x64x432x496xf32, #tpu.memory_space<hbm>> -> memref<1x4x8x496xf32, #tpu.memory_space<hbm>>
    %dma_wait3A_84 = tpu.memref_squeeze %dma_wait3A_83 : memref<1x4x8x496xf32, #tpu.memory_space<hbm>> -> memref<4x8x496xf32, #tpu.memory_space<hbm>>
    tpu.wait_dma2 semaphore(%arg12 : memref<!tpu.dma_semaphore, #tpu.memory_space<semaphore_mem>>) src(%arg8 : memref<4x8x496xf32, #tpu.memory_space<vmem>>) dst(%dma_wait3A_84 : memref<4x8x496xf32, #tpu.memory_space<hbm>>)
    %dma_wait3A_85 = arith.constant 424 : i32
    %dma_wait3A_86 = arith.constant 0 : i32
    %dma_wait3A_87 = tpu.memref_slice %arg4[%select_n3A, %add3A_58, %dma_wait3A_85, %dma_wait3A_86] : memref<4x64x432x496xf32, #tpu.memory_space<hbm>> -> memref<1x4x8x496xf32, #tpu.memory_space<hbm>>
    %dma_wait3A_88 = tpu.memref_squeeze %dma_wait3A_87 : memref<1x4x8x496xf32, #tpu.memory_space<hbm>> -> memref<4x8x496xf32, #tpu.memory_space<hbm>>
    %dma_wait3A_89 = arith.constant 424 : i32
    %dma_wait3A_90 = arith.constant 0 : i32
    %dma_wait3A_91 = tpu.memref_slice %arg4[%select_n3A, %add3A_58, %dma_wait3A_89, %dma_wait3A_90] : memref<4x64x432x496xf32, #tpu.memory_space<hbm>> -> memref<1x4x8x496xf32, #tpu.memory_space<hbm>>
    %dma_wait3A_92 = tpu.memref_squeeze %dma_wait3A_91 : memref<1x4x8x496xf32, #tpu.memory_space<hbm>> -> memref<4x8x496xf32, #tpu.memory_space<hbm>>
    tpu.wait_dma2 semaphore(%arg13 : memref<!tpu.dma_semaphore, #tpu.memory_space<semaphore_mem>>) src(%arg9 : memref<4x8x496xf32, #tpu.memory_space<vmem>>) dst(%dma_wait3A_92 : memref<4x8x496xf32, #tpu.memory_space<hbm>>)
    %mul3A_93 = arith.constant 8 : i32
    %mul3A_94 = arith.muli %select_n3A_30, %mul3A_93 : i32
    %add3A_95 = arith.constant 4 : i32
    %add3A_96 = arith.addi %mul3A_94, %add3A_95 : i32
    %mul3A_97 = arith.constant 64 : i32
    %mul3A_98 = arith.muli %select_n3A, %mul3A_97 : i32
    %add3A_99 = arith.addi %mul3A_98, %add3A_96 : i32
    %mul3A_100 = arith.constant 12016 : i32
    %mul3A_101 = arith.muli %add3A_99, %mul3A_100 : i32
    "tpu.region"() ({
      %run_scoped3A = tpu.sem_alloc : memref<!tpu.dma_semaphore, #tpu.memory_space<semaphore_mem>>
      %dma_start3A_133 = tpu.memref_slice %arg2[%mul3A_101] : memref<3076096xf32, #tpu.memory_space<hbm>> -> memref<48064xf32, #tpu.memory_space<hbm>>
      %dma_start3A_134 = tpu.memref_slice %arg2[%mul3A_101] : memref<3076096xf32, #tpu.memory_space<hbm>> -> memref<48064xf32, #tpu.memory_space<hbm>>
      tpu.enqueue_dma source(%dma_start3A_134 : memref<48064xf32, #tpu.memory_space<hbm>>) target(%arg5 : memref<48064xf32, #tpu.memory_space<vmem>>) target_semaphore(%run_scoped3A : memref<!tpu.dma_semaphore, #tpu.memory_space<semaphore_mem>>)
      %dma_wait3A_135 = tpu.memref_slice %arg2[%mul3A_101] : memref<3076096xf32, #tpu.memory_space<hbm>> -> memref<48064xf32, #tpu.memory_space<hbm>>
      %dma_wait3A_136 = tpu.memref_slice %arg2[%mul3A_101] : memref<3076096xf32, #tpu.memory_space<hbm>> -> memref<48064xf32, #tpu.memory_space<hbm>>
      tpu.wait_dma2 semaphore(%run_scoped3A : memref<!tpu.dma_semaphore, #tpu.memory_space<semaphore_mem>>) src(%dma_wait3A_136 : memref<48064xf32, #tpu.memory_space<hbm>>) dst(%arg5 : memref<48064xf32, #tpu.memory_space<vmem>>)
      tpu.yield
    }) : () -> ()
    %add3A_102 = arith.constant 0 : i32
    %add3A_103 = arith.addi %mul3A_32, %add3A_102 : i32
    %dma_start3A_104 = tpu.memref_slice %arg3[%add3A_103] : memref<746496xi32, #tpu.memory_space<hbm>> -> memref<3456xi32, #tpu.memory_space<hbm>>
    %dma_start3A_105 = tpu.memref_slice %arg3[%add3A_103] : memref<746496xi32, #tpu.memory_space<hbm>> -> memref<3456xi32, #tpu.memory_space<hbm>>
    tpu.enqueue_dma source(%dma_start3A_105 : memref<3456xi32, #tpu.memory_space<hbm>>) target(%arg6 : memref<3456xi32, #tpu.memory_space<vmem>>) target_semaphore(%arg10 : memref<!tpu.dma_semaphore, #tpu.memory_space<semaphore_mem>>)
    %add3A_106 = arith.constant 3456 : i32
    %add3A_107 = arith.addi %mul3A_32, %add3A_106 : i32
    %dma_start3A_108 = tpu.memref_slice %arg3[%add3A_107] : memref<746496xi32, #tpu.memory_space<hbm>> -> memref<3456xi32, #tpu.memory_space<hbm>>
    %dma_start3A_109 = tpu.memref_slice %arg3[%add3A_107] : memref<746496xi32, #tpu.memory_space<hbm>> -> memref<3456xi32, #tpu.memory_space<hbm>>
    tpu.enqueue_dma source(%dma_start3A_109 : memref<3456xi32, #tpu.memory_space<hbm>>) target(%arg7 : memref<3456xi32, #tpu.memory_space<vmem>>) target_semaphore(%arg11 : memref<!tpu.dma_semaphore, #tpu.memory_space<semaphore_mem>>)
    %scan3A_110 = arith.constant 0 : i32
    %scan3A_111 = arith.constant 0 : i32
    %scan3A_112 = arith.constant 27 : i32
    %scan3A_113 = arith.addi %scan3A_111, %scan3A_112 : i32
    %scan3A_114 = arith.constant 1 : i32
    %scan3A_115 = scf.for %scan3A_133 = %scan3A_111 to %scan3A_113 step %scan3A_114 iter_args(%scan3A_134 = %scan3A_110) -> (i32)  : i32 {
      %mul3A_135 = arith.constant 2 : i32
      %mul3A_136 = arith.muli %scan3A_133, %mul3A_135 : i32
      %add3A_137 = arith.constant 0 : i32
      %add3A_138 = arith.addi %mul3A_136, %add3A_137 : i32
      %mul3A_139 = arith.constant 3456 : i32
      %mul3A_140 = arith.muli %add3A_138, %mul3A_139 : i32
      %add3A_141 = arith.addi %mul3A_32, %mul3A_140 : i32
      %dma_wait3A_142 = tpu.memref_slice %arg3[%add3A_141] : memref<746496xi32, #tpu.memory_space<hbm>> -> memref<3456xi32, #tpu.memory_space<hbm>>
      %dma_wait3A_143 = tpu.memref_slice %arg3[%add3A_141] : memref<746496xi32, #tpu.memory_space<hbm>> -> memref<3456xi32, #tpu.memory_space<hbm>>
      tpu.wait_dma2 semaphore(%arg10 : memref<!tpu.dma_semaphore, #tpu.memory_space<semaphore_mem>>) src(%dma_wait3A_143 : memref<3456xi32, #tpu.memory_space<hbm>>) dst(%arg6 : memref<3456xi32, #tpu.memory_space<vmem>>)
      %ge3A = arith.constant 2 : i32
      %ge3A_144 = arith.cmpi sge, %add3A_138, %ge3A : i32
      %convert_element_type3A = arith.extui %ge3A_144 : i1 to i32
      %cond3A = arith.constant 0 : i32
      %cond3A_145 = arith.cmpi ne, %convert_element_type3A, %cond3A : i32
      scf.if %cond3A_145 {
        %sub3A_205 = arith.constant 2 : i32
        %sub3A_206 = arith.subi %add3A_138, %sub3A_205 : i32
        %mul3A_207 = arith.constant 8 : i32
        %mul3A_208 = arith.muli %sub3A_206, %mul3A_207 : i32
        %dma_wait3A_209 = arith.constant 0 : i32
        %dma_wait3A_210 = tpu.memref_slice %arg4[%select_n3A, %add3A_96, %mul3A_208, %dma_wait3A_209] : memref<4x64x432x496xf32, #tpu.memory_space<hbm>> -> memref<1x4x8x496xf32, #tpu.memory_space<hbm>>
        %dma_wait3A_211 = tpu.memref_squeeze %dma_wait3A_210 : memref<1x4x8x496xf32, #tpu.memory_space<hbm>> -> memref<4x8x496xf32, #tpu.memory_space<hbm>>
        %dma_wait3A_212 = arith.constant 0 : i32
        %dma_wait3A_213 = tpu.memref_slice %arg4[%select_n3A, %add3A_96, %mul3A_208, %dma_wait3A_212] : memref<4x64x432x496xf32, #tpu.memory_space<hbm>> -> memref<1x4x8x496xf32, #tpu.memory_space<hbm>>
        %dma_wait3A_214 = tpu.memref_squeeze %dma_wait3A_213 : memref<1x4x8x496xf32, #tpu.memory_space<hbm>> -> memref<4x8x496xf32, #tpu.memory_space<hbm>>
        tpu.wait_dma2 semaphore(%arg12 : memref<!tpu.dma_semaphore, #tpu.memory_space<semaphore_mem>>) src(%arg8 : memref<4x8x496xf32, #tpu.memory_space<vmem>>) dst(%dma_wait3A_214 : memref<4x8x496xf32, #tpu.memory_space<hbm>>)
      } else {
      }
      %scan3A_146 = arith.constant 0 : i32
      %scan3A_147 = arith.constant 0 : i32
      %scan3A_148 = arith.constant 8 : i32
      %scan3A_149 = arith.addi %scan3A_147, %scan3A_148 : i32
      %scan3A_150 = arith.constant 1 : i32
      %scan3A_151 = scf.for %scan3A_205 = %scan3A_147 to %scan3A_149 step %scan3A_150 iter_args(%scan3A_206 = %scan3A_146) -> (i32)  : i32 {
        %mul3A_207 = arith.constant 432 : i32
        %mul3A_208 = arith.muli %scan3A_205, %mul3A_207 : i32
        %parallel_loop3A = arith.constant 0 : i32
        %parallel_loop3A_209 = arith.constant 432 : i32
        %parallel_loop3A_210 = arith.constant 16 : i32
        scf.for %parallel_loop3A_212 = %parallel_loop3A to %parallel_loop3A_209 step %parallel_loop3A_210  : i32 {
          %parallel_loop3A_213 = arith.addi %mul3A_208, %parallel_loop3A_212 : i32
          %parallel_loop3A_214 = arith.index_cast %parallel_loop3A_213 : i32 to index
          %parallel_loop3A_215 = tpu.vector_load %arg6[%parallel_loop3A_214] {strides = array<i32>} : memref<3456xi32, #tpu.memory_space<vmem>>, vector<16xi32>,
          %parallel_loop3A_216 = arith.addi %parallel_loop3A_215, %broadcast_in_dim3A_33 : vector<16xi32>
          %parallel_loop3A_217 = tpu.vector_load_idx %arg5[%parallel_loop3A_216] : memref<48064xf32, #tpu.memory_space<vmem>>[vector<16xi32>], vector<16xf32>,
          %parallel_loop3A_218 = arith.constant 0 : i32
          %parallel_loop3A_219 = arith.index_cast %parallel_loop3A_218 : i32 to index
          %parallel_loop3A_220 = arith.index_cast %scan3A_205 : i32 to index
          %parallel_loop3A_221 = arith.index_cast %parallel_loop3A_212 : i32 to index
          %parallel_loop3A_222 = tpu.vector_load %arg8[%parallel_loop3A_219, %parallel_loop3A_220, %parallel_loop3A_221] {strides = array<i32>} : memref<4x8x496xf32, #tpu.memory_space<vmem>>, vector<16xf32>,
          tpu.vector_store %arg8[%parallel_loop3A_219, %parallel_loop3A_220, %parallel_loop3A_221], %parallel_loop3A_217 {strides = array<i32>} : memref<4x8x496xf32, #tpu.memory_space<vmem>>, vector<16xf32>,
          %parallel_loop3A_223 = arith.addi %parallel_loop3A_215, %broadcast_in_dim3A_35 : vector<16xi32>
          %parallel_loop3A_224 = tpu.vector_load_idx %arg5[%parallel_loop3A_223] : memref<48064xf32, #tpu.memory_space<vmem>>[vector<16xi32>], vector<16xf32>,
          %parallel_loop3A_225 = arith.constant 1 : i32
          %parallel_loop3A_226 = arith.index_cast %parallel_loop3A_225 : i32 to index
          %parallel_loop3A_227 = arith.index_cast %scan3A_205 : i32 to index
          %parallel_loop3A_228 = arith.index_cast %parallel_loop3A_212 : i32 to index
          %parallel_loop3A_229 = tpu.vector_load %arg8[%parallel_loop3A_226, %parallel_loop3A_227, %parallel_loop3A_228] {strides = array<i32>} : memref<4x8x496xf32, #tpu.memory_space<vmem>>, vector<16xf32>,
          tpu.vector_store %arg8[%parallel_loop3A_226, %parallel_loop3A_227, %parallel_loop3A_228], %parallel_loop3A_224 {strides = array<i32>} : memref<4x8x496xf32, #tpu.memory_space<vmem>>, vector<16xf32>,
          %parallel_loop3A_230 = arith.addi %parallel_loop3A_215, %broadcast_in_dim3A_37 : vector<16xi32>
          %parallel_loop3A_231 = tpu.vector_load_idx %arg5[%parallel_loop3A_230] : memref<48064xf32, #tpu.memory_space<vmem>>[vector<16xi32>], vector<16xf32>,
          %parallel_loop3A_232 = arith.constant 2 : i32
          %parallel_loop3A_233 = arith.index_cast %parallel_loop3A_232 : i32 to index
          %parallel_loop3A_234 = arith.index_cast %scan3A_205 : i32 to index
          %parallel_loop3A_235 = arith.index_cast %parallel_loop3A_212 : i32 to index
          %parallel_loop3A_236 = tpu.vector_load %arg8[%parallel_loop3A_233, %parallel_loop3A_234, %parallel_loop3A_235] {strides = array<i32>} : memref<4x8x496xf32, #tpu.memory_space<vmem>>, vector<16xf32>,
          tpu.vector_store %arg8[%parallel_loop3A_233, %parallel_loop3A_234, %parallel_loop3A_235], %parallel_loop3A_231 {strides = array<i32>} : memref<4x8x496xf32, #tpu.memory_space<vmem>>, vector<16xf32>,
          %parallel_loop3A_237 = arith.addi %parallel_loop3A_215, %broadcast_in_dim3A_39 : vector<16xi32>
          %parallel_loop3A_238 = tpu.vector_load_idx %arg5[%parallel_loop3A_237] : memref<48064xf32, #tpu.memory_space<vmem>>[vector<16xi32>], vector<16xf32>,
          %parallel_loop3A_239 = arith.constant 3 : i32
          %parallel_loop3A_240 = arith.index_cast %parallel_loop3A_239 : i32 to index
          %parallel_loop3A_241 = arith.index_cast %scan3A_205 : i32 to index
          %parallel_loop3A_242 = arith.index_cast %parallel_loop3A_212 : i32 to index
          %parallel_loop3A_243 = tpu.vector_load %arg8[%parallel_loop3A_240, %parallel_loop3A_241, %parallel_loop3A_242] {strides = array<i32>} : memref<4x8x496xf32, #tpu.memory_space<vmem>>, vector<16xf32>,
          tpu.vector_store %arg8[%parallel_loop3A_240, %parallel_loop3A_241, %parallel_loop3A_242], %parallel_loop3A_238 {strides = array<i32>} : memref<4x8x496xf32, #tpu.memory_space<vmem>>, vector<16xf32>,
        } {sc.loop_unroll_factor = 3 : i64, sc.parallel_access}
        %scan3A_211 = arith.constant 0 : i32
        scf.yield %scan3A_211 : i32
      }
      %scan3A_152 = arith.constant 8 : i32
      %mul3A_153 = arith.constant 8 : i32
      %mul3A_154 = arith.muli %add3A_138, %mul3A_153 : i32
      %dma_start3A_155 = arith.constant 0 : i32
      %dma_start3A_156 = tpu.memref_slice %arg4[%select_n3A, %add3A_96, %mul3A_154, %dma_start3A_155] : memref<4x64x432x496xf32, #tpu.memory_space<hbm>> -> memref<1x4x8x496xf32, #tpu.memory_space<hbm>>
      %dma_start3A_157 = tpu.memref_squeeze %dma_start3A_156 : memref<1x4x8x496xf32, #tpu.memory_space<hbm>> -> memref<4x8x496xf32, #tpu.memory_space<hbm>>
      %dma_start3A_158 = arith.constant 0 : i32
      %dma_start3A_159 = tpu.memref_slice %arg4[%select_n3A, %add3A_96, %mul3A_154, %dma_start3A_158] : memref<4x64x432x496xf32, #tpu.memory_space<hbm>> -> memref<1x4x8x496xf32, #tpu.memory_space<hbm>>
      %dma_start3A_160 = tpu.memref_squeeze %dma_start3A_159 : memref<1x4x8x496xf32, #tpu.memory_space<hbm>> -> memref<4x8x496xf32, #tpu.memory_space<hbm>>
      tpu.enqueue_dma source(%arg8 : memref<4x8x496xf32, #tpu.memory_space<vmem>>) target(%dma_start3A_160 : memref<4x8x496xf32, #tpu.memory_space<hbm>>) target_semaphore(%arg12 : memref<!tpu.dma_semaphore, #tpu.memory_space<semaphore_mem>>)
      %add3A_161 = arith.constant 2 : i32
      %add3A_162 = arith.addi %add3A_138, %add3A_161 : i32
      %lt3A_163 = arith.constant 54 : i32
      %lt3A_164 = arith.cmpi slt, %add3A_162, %lt3A_163 : i32
      %convert_element_type3A_165 = arith.extui %lt3A_164 : i1 to i32
      %cond3A_166 = arith.constant 0 : i32
      %cond3A_167 = arith.cmpi ne, %convert_element_type3A_165, %cond3A_166 : i32
      scf.if %cond3A_167 {
        %add3A_205 = arith.constant 2 : i32
        %add3A_206 = arith.addi %add3A_138, %add3A_205 : i32
        %mul3A_207 = arith.constant 3456 : i32
        %mul3A_208 = arith.muli %add3A_206, %mul3A_207 : i32
        %add3A_209 = arith.addi %mul3A_32, %mul3A_208 : i32
        %dma_start3A_210 = tpu.memref_slice %arg3[%add3A_209] : memref<746496xi32, #tpu.memory_space<hbm>> -> memref<3456xi32, #tpu.memory_space<hbm>>
        %dma_start3A_211 = tpu.memref_slice %arg3[%add3A_209] : memref<746496xi32, #tpu.memory_space<hbm>> -> memref<3456xi32, #tpu.memory_space<hbm>>
        tpu.enqueue_dma source(%dma_start3A_211 : memref<3456xi32, #tpu.memory_space<hbm>>) target(%arg6 : memref<3456xi32, #tpu.memory_space<vmem>>) target_semaphore(%arg10 : memref<!tpu.dma_semaphore, #tpu.memory_space<semaphore_mem>>)
      } else {
      }
      %mul3A_168 = arith.constant 2 : i32
      %mul3A_169 = arith.muli %scan3A_133, %mul3A_168 : i32
      %add3A_170 = arith.constant 1 : i32
      %add3A_171 = arith.addi %mul3A_169, %add3A_170 : i32
      %mul3A_172 = arith.constant 3456 : i32
      %mul3A_173 = arith.muli %add3A_171, %mul3A_172 : i32
      %add3A_174 = arith.addi %mul3A_32, %mul3A_173 : i32
      %dma_wait3A_175 = tpu.memref_slice %arg3[%add3A_174] : memref<746496xi32, #tpu.memory_space<hbm>> -> memref<3456xi32, #tpu.memory_space<hbm>>
      %dma_wait3A_176 = tpu.memref_slice %arg3[%add3A_174] : memref<746496xi32, #tpu.memory_space<hbm>> -> memref<3456xi32, #tpu.memory_space<hbm>>
      tpu.wait_dma2 semaphore(%arg11 : memref<!tpu.dma_semaphore, #tpu.memory_space<semaphore_mem>>) src(%dma_wait3A_176 : memref<3456xi32, #tpu.memory_space<hbm>>) dst(%arg7 : memref<3456xi32, #tpu.memory_space<vmem>>)
      %ge3A_177 = arith.constant 2 : i32
      %ge3A_178 = arith.cmpi sge, %add3A_171, %ge3A_177 : i32
      %convert_element_type3A_179 = arith.extui %ge3A_178 : i1 to i32
      %cond3A_180 = arith.constant 0 : i32
      %cond3A_181 = arith.cmpi ne, %convert_element_type3A_179, %cond3A_180 : i32
      scf.if %cond3A_181 {
        %sub3A_205 = arith.constant 2 : i32
        %sub3A_206 = arith.subi %add3A_171, %sub3A_205 : i32
        %mul3A_207 = arith.constant 8 : i32
        %mul3A_208 = arith.muli %sub3A_206, %mul3A_207 : i32
        %dma_wait3A_209 = arith.constant 0 : i32
        %dma_wait3A_210 = tpu.memref_slice %arg4[%select_n3A, %add3A_96, %mul3A_208, %dma_wait3A_209] : memref<4x64x432x496xf32, #tpu.memory_space<hbm>> -> memref<1x4x8x496xf32, #tpu.memory_space<hbm>>
        %dma_wait3A_211 = tpu.memref_squeeze %dma_wait3A_210 : memref<1x4x8x496xf32, #tpu.memory_space<hbm>> -> memref<4x8x496xf32, #tpu.memory_space<hbm>>
        %dma_wait3A_212 = arith.constant 0 : i32
        %dma_wait3A_213 = tpu.memref_slice %arg4[%select_n3A, %add3A_96, %mul3A_208, %dma_wait3A_212] : memref<4x64x432x496xf32, #tpu.memory_space<hbm>> -> memref<1x4x8x496xf32, #tpu.memory_space<hbm>>
        %dma_wait3A_214 = tpu.memref_squeeze %dma_wait3A_213 : memref<1x4x8x496xf32, #tpu.memory_space<hbm>> -> memref<4x8x496xf32, #tpu.memory_space<hbm>>
        tpu.wait_dma2 semaphore(%arg13 : memref<!tpu.dma_semaphore, #tpu.memory_space<semaphore_mem>>) src(%arg9 : memref<4x8x496xf32, #tpu.memory_space<vmem>>) dst(%dma_wait3A_214 : memref<4x8x496xf32, #tpu.memory_space<hbm>>)
      } else {
      }
      %scan3A_182 = arith.constant 0 : i32
      %scan3A_183 = arith.constant 0 : i32
      %scan3A_184 = arith.constant 8 : i32
      %scan3A_185 = arith.addi %scan3A_183, %scan3A_184 : i32
      %scan3A_186 = arith.constant 1 : i32
      %scan3A_187 = scf.for %scan3A_205 = %scan3A_183 to %scan3A_185 step %scan3A_186 iter_args(%scan3A_206 = %scan3A_182) -> (i32)  : i32 {
        %mul3A_207 = arith.constant 432 : i32
        %mul3A_208 = arith.muli %scan3A_205, %mul3A_207 : i32
        %parallel_loop3A = arith.constant 0 : i32
        %parallel_loop3A_209 = arith.constant 432 : i32
        %parallel_loop3A_210 = arith.constant 16 : i32
        scf.for %parallel_loop3A_212 = %parallel_loop3A to %parallel_loop3A_209 step %parallel_loop3A_210  : i32 {
          %parallel_loop3A_213 = arith.addi %mul3A_208, %parallel_loop3A_212 : i32
          %parallel_loop3A_214 = arith.index_cast %parallel_loop3A_213 : i32 to index
          %parallel_loop3A_215 = tpu.vector_load %arg7[%parallel_loop3A_214] {strides = array<i32>} : memref<3456xi32, #tpu.memory_space<vmem>>, vector<16xi32>,
          %parallel_loop3A_216 = arith.addi %parallel_loop3A_215, %broadcast_in_dim3A_33 : vector<16xi32>
          %parallel_loop3A_217 = tpu.vector_load_idx %arg5[%parallel_loop3A_216] : memref<48064xf32, #tpu.memory_space<vmem>>[vector<16xi32>], vector<16xf32>,
          %parallel_loop3A_218 = arith.constant 0 : i32
          %parallel_loop3A_219 = arith.index_cast %parallel_loop3A_218 : i32 to index
          %parallel_loop3A_220 = arith.index_cast %scan3A_205 : i32 to index
          %parallel_loop3A_221 = arith.index_cast %parallel_loop3A_212 : i32 to index
          %parallel_loop3A_222 = tpu.vector_load %arg9[%parallel_loop3A_219, %parallel_loop3A_220, %parallel_loop3A_221] {strides = array<i32>} : memref<4x8x496xf32, #tpu.memory_space<vmem>>, vector<16xf32>,
          tpu.vector_store %arg9[%parallel_loop3A_219, %parallel_loop3A_220, %parallel_loop3A_221], %parallel_loop3A_217 {strides = array<i32>} : memref<4x8x496xf32, #tpu.memory_space<vmem>>, vector<16xf32>,
          %parallel_loop3A_223 = arith.addi %parallel_loop3A_215, %broadcast_in_dim3A_35 : vector<16xi32>
          %parallel_loop3A_224 = tpu.vector_load_idx %arg5[%parallel_loop3A_223] : memref<48064xf32, #tpu.memory_space<vmem>>[vector<16xi32>], vector<16xf32>,
          %parallel_loop3A_225 = arith.constant 1 : i32
          %parallel_loop3A_226 = arith.index_cast %parallel_loop3A_225 : i32 to index
          %parallel_loop3A_227 = arith.index_cast %scan3A_205 : i32 to index
          %parallel_loop3A_228 = arith.index_cast %parallel_loop3A_212 : i32 to index
          %parallel_loop3A_229 = tpu.vector_load %arg9[%parallel_loop3A_226, %parallel_loop3A_227, %parallel_loop3A_228] {strides = array<i32>} : memref<4x8x496xf32, #tpu.memory_space<vmem>>, vector<16xf32>,
          tpu.vector_store %arg9[%parallel_loop3A_226, %parallel_loop3A_227, %parallel_loop3A_228], %parallel_loop3A_224 {strides = array<i32>} : memref<4x8x496xf32, #tpu.memory_space<vmem>>, vector<16xf32>,
          %parallel_loop3A_230 = arith.addi %parallel_loop3A_215, %broadcast_in_dim3A_37 : vector<16xi32>
          %parallel_loop3A_231 = tpu.vector_load_idx %arg5[%parallel_loop3A_230] : memref<48064xf32, #tpu.memory_space<vmem>>[vector<16xi32>], vector<16xf32>,
          %parallel_loop3A_232 = arith.constant 2 : i32
          %parallel_loop3A_233 = arith.index_cast %parallel_loop3A_232 : i32 to index
          %parallel_loop3A_234 = arith.index_cast %scan3A_205 : i32 to index
          %parallel_loop3A_235 = arith.index_cast %parallel_loop3A_212 : i32 to index
          %parallel_loop3A_236 = tpu.vector_load %arg9[%parallel_loop3A_233, %parallel_loop3A_234, %parallel_loop3A_235] {strides = array<i32>} : memref<4x8x496xf32, #tpu.memory_space<vmem>>, vector<16xf32>,
          tpu.vector_store %arg9[%parallel_loop3A_233, %parallel_loop3A_234, %parallel_loop3A_235], %parallel_loop3A_231 {strides = array<i32>} : memref<4x8x496xf32, #tpu.memory_space<vmem>>, vector<16xf32>,
          %parallel_loop3A_237 = arith.addi %parallel_loop3A_215, %broadcast_in_dim3A_39 : vector<16xi32>
          %parallel_loop3A_238 = tpu.vector_load_idx %arg5[%parallel_loop3A_237] : memref<48064xf32, #tpu.memory_space<vmem>>[vector<16xi32>], vector<16xf32>,
          %parallel_loop3A_239 = arith.constant 3 : i32
          %parallel_loop3A_240 = arith.index_cast %parallel_loop3A_239 : i32 to index
          %parallel_loop3A_241 = arith.index_cast %scan3A_205 : i32 to index
          %parallel_loop3A_242 = arith.index_cast %parallel_loop3A_212 : i32 to index
          %parallel_loop3A_243 = tpu.vector_load %arg9[%parallel_loop3A_240, %parallel_loop3A_241, %parallel_loop3A_242] {strides = array<i32>} : memref<4x8x496xf32, #tpu.memory_space<vmem>>, vector<16xf32>,
          tpu.vector_store %arg9[%parallel_loop3A_240, %parallel_loop3A_241, %parallel_loop3A_242], %parallel_loop3A_238 {strides = array<i32>} : memref<4x8x496xf32, #tpu.memory_space<vmem>>, vector<16xf32>,
        } {sc.loop_unroll_factor = 3 : i64, sc.parallel_access}
        %scan3A_211 = arith.constant 0 : i32
        scf.yield %scan3A_211 : i32
      }
      %scan3A_188 = arith.constant 8 : i32
      %mul3A_189 = arith.constant 8 : i32
      %mul3A_190 = arith.muli %add3A_171, %mul3A_189 : i32
      %dma_start3A_191 = arith.constant 0 : i32
      %dma_start3A_192 = tpu.memref_slice %arg4[%select_n3A, %add3A_96, %mul3A_190, %dma_start3A_191] : memref<4x64x432x496xf32, #tpu.memory_space<hbm>> -> memref<1x4x8x496xf32, #tpu.memory_space<hbm>>
      %dma_start3A_193 = tpu.memref_squeeze %dma_start3A_192 : memref<1x4x8x496xf32, #tpu.memory_space<hbm>> -> memref<4x8x496xf32, #tpu.memory_space<hbm>>
      %dma_start3A_194 = arith.constant 0 : i32
      %dma_start3A_195 = tpu.memref_slice %arg4[%select_n3A, %add3A_96, %mul3A_190, %dma_start3A_194] : memref<4x64x432x496xf32, #tpu.memory_space<hbm>> -> memref<1x4x8x496xf32, #tpu.memory_space<hbm>>
      %dma_start3A_196 = tpu.memref_squeeze %dma_start3A_195 : memref<1x4x8x496xf32, #tpu.memory_space<hbm>> -> memref<4x8x496xf32, #tpu.memory_space<hbm>>
      tpu.enqueue_dma source(%arg9 : memref<4x8x496xf32, #tpu.memory_space<vmem>>) target(%dma_start3A_196 : memref<4x8x496xf32, #tpu.memory_space<hbm>>) target_semaphore(%arg13 : memref<!tpu.dma_semaphore, #tpu.memory_space<semaphore_mem>>)
      %add3A_197 = arith.constant 2 : i32
      %add3A_198 = arith.addi %add3A_171, %add3A_197 : i32
      %lt3A_199 = arith.constant 54 : i32
      %lt3A_200 = arith.cmpi slt, %add3A_198, %lt3A_199 : i32
      %convert_element_type3A_201 = arith.extui %lt3A_200 : i1 to i32
      %cond3A_202 = arith.constant 0 : i32
      %cond3A_203 = arith.cmpi ne, %convert_element_type3A_201, %cond3A_202 : i32
      scf.if %cond3A_203 {
        %add3A_205 = arith.constant 2 : i32
        %add3A_206 = arith.addi %add3A_171, %add3A_205 : i32
        %mul3A_207 = arith.constant 3456 : i32
        %mul3A_208 = arith.muli %add3A_206, %mul3A_207 : i32
        %add3A_209 = arith.addi %mul3A_32, %mul3A_208 : i32
        %dma_start3A_210 = tpu.memref_slice %arg3[%add3A_209] : memref<746496xi32, #tpu.memory_space<hbm>> -> memref<3456xi32, #tpu.memory_space<hbm>>
        %dma_start3A_211 = tpu.memref_slice %arg3[%add3A_209] : memref<746496xi32, #tpu.memory_space<hbm>> -> memref<3456xi32, #tpu.memory_space<hbm>>
        tpu.enqueue_dma source(%dma_start3A_211 : memref<3456xi32, #tpu.memory_space<hbm>>) target(%arg7 : memref<3456xi32, #tpu.memory_space<vmem>>) target_semaphore(%arg11 : memref<!tpu.dma_semaphore, #tpu.memory_space<semaphore_mem>>)
      } else {
      }
      %scan3A_204 = arith.constant 0 : i32
      scf.yield %scan3A_204 : i32
    }
    %scan3A_116 = arith.constant 27 : i32
    %dma_wait3A_117 = arith.constant 416 : i32
    %dma_wait3A_118 = arith.constant 0 : i32
    %dma_wait3A_119 = tpu.memref_slice %arg4[%select_n3A, %add3A_96, %dma_wait3A_117, %dma_wait3A_118] : memref<4x64x432x496xf32, #tpu.memory_space<hbm>> -> memref<1x4x8x496xf32, #tpu.memory_space<hbm>>
    %dma_wait3A_120 = tpu.memref_squeeze %dma_wait3A_119 : memref<1x4x8x496xf32, #tpu.memory_space<hbm>> -> memref<4x8x496xf32, #tpu.memory_space<hbm>>
    %dma_wait3A_121 = arith.constant 416 : i32
    %dma_wait3A_122 = arith.constant 0 : i32
    %dma_wait3A_123 = tpu.memref_slice %arg4[%select_n3A, %add3A_96, %dma_wait3A_121, %dma_wait3A_122] : memref<4x64x432x496xf32, #tpu.memory_space<hbm>> -> memref<1x4x8x496xf32, #tpu.memory_space<hbm>>
    %dma_wait3A_124 = tpu.memref_squeeze %dma_wait3A_123 : memref<1x4x8x496xf32, #tpu.memory_space<hbm>> -> memref<4x8x496xf32, #tpu.memory_space<hbm>>
    tpu.wait_dma2 semaphore(%arg12 : memref<!tpu.dma_semaphore, #tpu.memory_space<semaphore_mem>>) src(%arg8 : memref<4x8x496xf32, #tpu.memory_space<vmem>>) dst(%dma_wait3A_124 : memref<4x8x496xf32, #tpu.memory_space<hbm>>)
    %dma_wait3A_125 = arith.constant 424 : i32
    %dma_wait3A_126 = arith.constant 0 : i32
    %dma_wait3A_127 = tpu.memref_slice %arg4[%select_n3A, %add3A_96, %dma_wait3A_125, %dma_wait3A_126] : memref<4x64x432x496xf32, #tpu.memory_space<hbm>> -> memref<1x4x8x496xf32, #tpu.memory_space<hbm>>
    %dma_wait3A_128 = tpu.memref_squeeze %dma_wait3A_127 : memref<1x4x8x496xf32, #tpu.memory_space<hbm>> -> memref<4x8x496xf32, #tpu.memory_space<hbm>>
    %dma_wait3A_129 = arith.constant 424 : i32
    %dma_wait3A_130 = arith.constant 0 : i32
    %dma_wait3A_131 = tpu.memref_slice %arg4[%select_n3A, %add3A_96, %dma_wait3A_129, %dma_wait3A_130] : memref<4x64x432x496xf32, #tpu.memory_space<hbm>> -> memref<1x4x8x496xf32, #tpu.memory_space<hbm>>
    %dma_wait3A_132 = tpu.memref_squeeze %dma_wait3A_131 : memref<1x4x8x496xf32, #tpu.memory_space<hbm>> -> memref<4x8x496xf32, #tpu.memory_space<hbm>>
    tpu.wait_dma2 semaphore(%arg13 : memref<!tpu.dma_semaphore, #tpu.memory_space<semaphore_mem>>) src(%arg9 : memref<4x8x496xf32, #tpu.memory_space<vmem>>) dst(%dma_wait3A_132 : memref<4x8x496xf32, #tpu.memory_space<hbm>>)
    return
  }
}

</mosaic_0001>

<sc_bundles>
// kernel: kernel.4.cloned.1.call-start
scs
__scs_entry_jumppad:
0x0: {  	(pc) =	sbr.rel $0x88, $3  }
0x1: {  	(tag) =	ssettag $0x0;
	lr =	simm.s32 $0x1  }
0x2: {  	[smem:$0x3F9E] =	sst lr;
	_ =	strace $0xD0000000  }
0x3: {  	_ = 	snop  }
0x4: {  	_ = 	snop  }
0x5: {  	_ = 	snop  }
0x6: {  	_ = 	snop  }
0x7: {  	_ = 	snop  }
__scs_overlays_trampoline_lowered:
0x8: {  	[smem:$0x3FAD] =	sst s0  }
0x9: {  	[smem:$0x3FAE] =	sst s1  }
0xa: {  	[smem:$0x3FAF] =	sst s2  }
0xb: {  	[smem:$0x3FB0] =	sst s3  }
0xc: {  	[smem:$0x3FB1] =	sst s4  }
0xd: {  	[smem:$0x3FB2] =	sst s5  }
0xe: {  	[smem:$0x3FB3] =	sst s6  }
0xf: {  	[smem:$0x3FB4] =	sst s7  }
0x10: {  	[smem:$0x3FB5] =	sst s8  }
0x11: {  	[smem:$0x3FB6] =	sst s9;
	s0 =	simm.s32 @!p0 $0x0  }
0x12: {  	s1 =	sld [smem:$0x3F9C];
	s0 =	simm.s32 @p0 $0x1  }
0x13: {  	[smem:$0x3FB7] =	sst s0;
	s0 =	simm.s32 @!p1 $0x0  }
0x14: {  	s2 =	sld [smem:$0x3F9B];
	s0 =	simm.s32 @p1 $0x1  }
0x15: {  	[smem:$0x3FB8] =	sst s0;
	s0 =	simm.s32 @!p2 $0x0  }
0x16: {  	s3 =	sld [smem:$0x3FDB];
	s0 =	simm.s32 @p2 $0x1  }
0x17: {  	s4 =	simm.s32 $0x1BF5;
	[smem:$0x3FBA] =	sst s0  }
0x18: {  	s0 =	sld [smem:$0x3F9D];
	_ =	swait.ge [sflag:s4], $0x0  }
0x19: {  	s7 =	sld [smem:$0x3F9E]  }
0x1a: {  	s8 =	sadd.s32 $0xFFFFE003, lr  }
0x1b: {  	s9 =	sadd.s32 $0xFFFFFEF7, lr;
	s5 =	simm.s32 $0xFFFFFFFF;
	p2 =	slt.u32 s8, $0xFFFFF086  }
0x1c: {  	p1 =	slt.u32 s9, $0xF7A;
	s5 =	simm.s32 @!p2 $0x0  }
0x1d: {  	s5 =	simm.s32 @p1 $0x1;
	p0 =	seq.s32 s7, s2  }
0x1e: {  	s7 =	smul.u32 @!p0 $0xF7A, s2;
	p2 =	seq.s32 @!p0 s5, $0x0  }
0x1f: {  	s9 =	smul.u32 $0xF7A, s1;
	s8 =	simm.s32 @!p0 $0x1BF5;
	p2 =	por !p2, p0  }
0x20: {  	[sflag:s8] =	ssyncset.s32 @!p0 $0xFFFFF086;
	s6 =	sadd.s32 @!p0 s3, s7;
	s7 =	simm.s32 @!p0 $0x108  }
0x21: {  	s3 =	sadd.s32 s3, s9;
	s6 =	sadd.s32 @!p0 $0x88, s6;
	s7 =	simm.s32 @p2 $0x1082  }
0x22: {  	[simem:s7], [sflag:s8] =	dma.local @!p0 [hbm:s6], $0xF7A  }
0x23: {  	s9 =	sor.u32 $0xD0000000, s2;
	s6 =	simm.s32 $0x108;
	_ =	swait.ge @!p0 [sflag:s8], $0x0  }
0x24: {  	s3 =	sadd.s32 $0x88, s3;
	s6 =	simm.s32 @!p1 $0x1082;
	[sflag:s4] =	ssyncset.s32 $0xFFFFF086  }
0x25: {  	[simem:s6], [sflag:s4] =	dma.local [hbm:s3], $0xF7A  }
0x26: {  	[smem:$0x3F9E] =	sst s1;
	(tag) =	ssettag s2;
	_ =	strace s9  }
0x27: {  	s1 =	sld [smem:$0x3FAE]  }
0x28: {  	s2 =	sld [smem:$0x3FAF]  }
0x29: {  	s4 =	sld [smem:$0x3FB1]  }
0x2a: {  	p0 =	seq.s32 s5, $0x0;
	s5 =	sld [smem:$0x3FB2]  }
0x2b: {  	s6 =	sld [smem:$0x3FB3]  }
0x2c: {  	s7 =	sld [smem:$0x3FB4]  }
0x2d: {  	s3 =	simm.s32 $0x108;
	s8 =	sld [smem:$0x3FB5]  }
0x2e: {  	s3 =	simm.s32 @!p0 $0x1082;
	s9 =	sld [smem:$0x3FB6]  }
0x2f: {  	lr =	sadd.s32 s0, s3;
	s0 =	sld [smem:$0x3FAD]  }
0x30: {  	s3 =	sld [smem:$0x3FB0]  }
0x31: {  	[smem:$0x3FB9] =	sst s10  }
0x32: {  	s10 =	sld [smem:$0x3FB7];
	_ =	sdelay $0x3  }
0x33: {  	p0 =	seq.s32 s10, $0x1;
	s10 =	sld [smem:$0x3FB9];
	_ =	sdelay $0x3  }
0x34: {  	[smem:$0x3FB9] =	sst s10  }
0x35: {  	s10 =	sld [smem:$0x3FB8];
	_ =	sdelay $0x3  }
0x36: {  	p1 =	seq.s32 s10, $0x1;
	s10 =	sld [smem:$0x3FB9];
	_ =	sdelay $0x3  }
0x37: {  	[smem:$0x3FB9] =	sst s10  }
0x38: {  	s10 =	sld [smem:$0x3FBA]  }
0x39: {  	_ = 	snop;
	(pc) =	sbr.ind lr, $3  }
0x3a: {  	_ = 	snop  }
0x3b: {  	_ = 	snop  }
0x3c: {  	p2 =	seq.s32 s10, $0x1;
	s10 =	sld [smem:$0x3FB9]  }
0x3d: {  	_ =	shalt  }
0x3e: {  	_ =	shalt  }
0x3f: {  	_ =	shalt  }
0x40: {  	_ =	shalt  }
0x41: {  	_ =	shalt  }
0x42: {  	_ =	shalt  }
0x43: {  	_ =	shalt  }
0x44: {  	_ =	shalt  }
0x45: {  	_ =	shalt  }
0x46: {  	_ =	shalt  }
0x47: {  	_ =	shalt  }
0x48: {  	_ =	shalt  }
0x49: {  	_ =	shalt  }
0x4a: {  	_ =	shalt  }
0x4b: {  	_ =	shalt  }
0x4c: {  	_ =	shalt  }
0x4d: {  	_ =	shalt  }
0x4e: {  	_ =	shalt  }
0x4f: {  	_ =	shalt  }
0x50: {  	_ =	shalt  }
0x51: {  	_ =	shalt  }
0x52: {  	_ =	shalt  }
0x53: {  	_ =	shalt  }
0x54: {  	_ =	shalt  }
0x55: {  	_ =	shalt  }
0x56: {  	_ =	shalt  }
0x57: {  	_ =	shalt  }
0x58: {  	_ =	shalt  }
0x59: {  	_ =	shalt  }
0x5a: {  	_ =	shalt  }
0x5b: {  	_ =	shalt  }
0x5c: {  	_ =	shalt  }
0x5d: {  	_ =	shalt  }
0x5e: {  	_ =	shalt  }
0x5f: {  	_ =	shalt  }
0x60: {  	_ =	shalt  }
0x61: {  	_ =	shalt  }
0x62: {  	_ =	shalt  }
0x63: {  	_ =	shalt  }
0x64: {  	_ =	shalt  }
0x65: {  	_ =	shalt  }
0x66: {  	_ =	shalt  }
0x67: {  	_ =	shalt  }
0x68: {  	_ =	shalt  }
0x69: {  	_ =	shalt  }
0x6a: {  	_ =	shalt  }
0x6b: {  	_ =	shalt  }
0x6c: {  	_ =	shalt  }
0x6d: {  	_ =	shalt  }
0x6e: {  	_ =	shalt  }
0x6f: {  	_ =	shalt  }
0x70: {  	_ =	shalt  }
0x71: {  	_ =	shalt  }
0x72: {  	_ =	shalt  }
0x73: {  	_ =	shalt  }
0x74: {  	_ =	shalt  }
0x75: {  	_ =	shalt  }
0x76: {  	_ =	shalt  }
0x77: {  	_ =	shalt  }
0x78: {  	_ =	shalt  }
0x79: {  	_ =	shalt  }
0x7a: {  	_ =	shalt  }
0x7b: {  	_ =	shalt  }
0x7c: {  	_ =	shalt  }
0x7d: {  	_ =	shalt  }
0x7e: {  	_ =	shalt  }
0x7f: {  	_ =	shalt  }
0x80: {  	_ =	shalt  }
0x81: {  	_ =	shalt  }
0x82: {  	_ =	shalt  }
0x83: {  	_ =	shalt  }
0x84: {  	_ =	shalt  }
0x85: {  	_ =	shalt  }
0x86: {  	_ =	shalt  }
0x87: {  	_ =	shalt  }
.Lfunc_end0:
.L_simem_size_0:
called_computation_lowered:
.L_overlay_start_0:
0x88: {  	s2 =	sld [smem:$0x3FD9]  }
0x89: {  	s3 =	sld [smem:$0x3FFE];
	_ =	sdelay $0x1  }
0x8a: {  	s1 =	srdreg.scid  }
0x8b: {  	s0 =	sand.u32 $0x1, s1  }
0x8c: {  	s17 =	sshll.u32 s0, $0xA;
	s2 =	sadd.s32 s3, s2  }
0x8d: {  	s2 =	sadd.s32 s2, s17  }
0x8e: {  	[smem:$0x3FC5] =	sst s2  }
0x8f: {  	_ = 	snop  }
0x90: {  	s2 =	sld [smem:$0x3FD0];
	(tm) =	ssettm $0x1  }
0x91: {  	s18 =	sld [smem:$0x3FFB];
	_ =	sdelay $0x3  }
0x92: {  	_ =	strace s18  }
0x93: {  	s3 =	sld [smem:$0x3FFC];
	_ =	sdelay $0x3  }
0x94: {  	_ =	strace s3  }
0x95: {  	s3 =	sld [smem:$0x3FFD];
	_ =	sdelay $0x3  }
0x96: {  	_ =	strace s3  }
0x97: {  	_ =	strace $0x8FFFFFFF  }
0x98: {  	s19 =	sld [smem:$0x3FDB];
	_ =	sdelay $0x1  }
0x99: {  	s4 =	simm.s32 $_scs_section_size  }
0x9a: {  	s5 =	simm.s32 $_size__tile_overlayer_lowered;
	s6 =	simm.s32 $_tile_overlayer_lowered  }
0x9b: {  	s22 =	simm.s32 $0x1BFF;
	s21 =	sshll.u32 s6, $0x1;
	s3 =	sadd.s32 s4, s19  }
0x9c: {  	s7 =	simm.s32 $0x0;
	s20 =	sshll.u32 s5, $0x1;
	s5 =	sadd.s32 s21, s3  }
0x9d: {  	[timem:s7], [sflag:s22] =	dma.local [hbm:s5], s20  }
0x9e: {  	_ =	swait.ge [sflag:s22], s20  }
0x9f: {  	s4 =	ssub.s32 $0x0, s20;
	[sflag:s22] =	ssyncset.done $0x0  }
0xa0: {  	[sflag:s22] =	ssyncadd.s32 s4;
	_ =	sdelay $0x1  }
0xa1: {  	s23 =	simm.s32 $0x1B8B  }
0xa2: {  	_ =	swait.ge [sflag:s23], $0x1  }
0xa3: {  	[sflag:s23] =	ssyncset.done $0x0  }
0xa4: {  	s25 =	simm.s32 $0x1B8E;
	s24 =	sld [smem:$0x3FFE];
	[sflag:s23] =	ssyncadd.s32 $0xFFFFFFFF  }
0xa5: {  	s26 =	simm.s32 $execute0_lowered;
	[smem:$0x3FD2] =	sst s25  }
0xa6: {  	s5 =	sshll.u32 s26, $0x1;
	_ =	strace $0x80000046;
	[dreg:$0x1] =	wrdreg $0xFFFFFFFF  }
0xa7: {  	s28 =	simm.s32 $_size_execute0_lowered;
	s3 =	sadd.s32 s3, s5;
	[dreg:$0x0] =	wrdreg $0x0  }
0xa8: {  	s5 =	sshll.u32 s28, $0x1;
	[dreg:$0x2] =	wrdreg s3  }
0xa9: {  	[dreg:$0x3] =	wrdreg s5  }
0xaa: {  	[dreg:$0x4] =	wrdreg $0xC0  }
0xab: {  	_ =	task [dreg:s7], $0x5FFFF  }
0xac: {  	[dreg:$0x1] =	wrdreg $0xFFFFFFFF  }
0xad: {  	[dreg:$0x0] =	wrdreg $0x60  }
0xae: {  	[dreg:$0x2] =	wrdreg s2  }
0xaf: {  	[dreg:$0x3] =	wrdreg s24  }
0xb0: {  	[dreg:$0x4] =	wrdreg $0x9  }
0xb1: {  	_ =	task.clear_ibuf [dreg:s7], $0x5FFFF;
	_ =	strace $0x90000046  }
0xb2: {  	s29 =	simm.s32 $0x9;
	_ =	strace $0x80000048  }
0xb3: {  	_ =	swait.ge [sflag:s29], $0x1  }
0xb4: {  	[sflag:s29] =	ssyncadd.s32 $0xFFFFFFFF  }
0xb5: {  	_ =	strace $0x90000048  }
0xb6: {  	_ =	sfence  }
0xb7: {  	s30 =	sld [smem:$0x0];
	_ =	sdelay $0x2  }
0xb8: {  	s31 =	sshll.u32 s1, $0xD;
	s1 =	sshrl.u32 s1, $0x2  }
0xb9: {  	s3 =	sand.u32 $0x4000, s31;
	s1 =	sadd.s32 s1, s30  }
0xba: {  	s0 =	sor.u32 s3, s0;
	s1 =	sshll.u32 s1, $0x11  }
0xbb: {  	s0 =	sor.u32 s1, s0  }
0xbc: {  	s0 =	sadd.s32 $0x8F2B, s0  }
0xbd: {  	[sflag:s0] =	ssyncadd.remote.s32 $0x1  }
0xbe: {  	_ =	sfence.sel $0xFFFF  }
0xbf: {  	[dreg:$0x0] =	wrdreg $0xFFFFFFFF;
	(pc) =	sbr.abs _section_cstart, $3  }
0xc0: {  	[dreg:$0x1] =	wrdreg $0xFFFFFFFF  }
0xc1: {  	_ =	task.clear_ibuf [dreg:s7], $0x2FFFF;
	_ =	strace $0x9FFFFFFF  }
0xc2: {  	(tm) =	ssettm $0x7FFFFFFF  }
0xc3: {  	_ =	shalt  }
tec
execute0_lowered:
.L_overlay_start_1:
0x0: {  	(tag) =	ssettag $0x1  }
0x1: {  	v3 =	vimm.s32 $0xFEDCBA9;
	v2 =	vlaneseq.u32;
	v4 =	vimm.s32 $0x10FEDCBA  }
0x2: {  	v7 =	vimm.s32 $0x98765432;
	vm0 =	vmmov $0x7fff;
	v9 =	vimm.s32 $0x0  }
0x3: {  	v10 =	vimm.s32 $0x210FEDCB;
	v11 =	vimm.s32 $0xA9876543;
	v12 =	vimm.s32 $0x3210FEDC  }
0x4: {  	v13 =	vimm.s32 $0xBA987654;
	v14 =	vimm.s32 $0x43210FED;
	v15 =	vimm.s32 $0xCBA98765  }
0x5: {  	vm3 =	vmmov $0xfff;
	vm4 =	vmmov $0x7ff;
	v26 =	vimm.s32 $0xFEDCBA98  }
0x6: {  	v27 =	vimm.s32 $0xEDCBA987;
	v28 =	vimm.s32 $0x76543210;
	vm5 =	vmmov $0x3ff  }
0x7: {  	vm6 =	vmmov $0x1ff;
	vm7 =	vmmov $0xff;
	vm8 =	vmmov $0x7f  }
0x8: {  	vm9 =	vmmov $0x3f;
	vm10 =	vmmov $0x1f;
	vm11 =	vmmov $0xf  }
0x9: {  	vm12 =	vmmov $0x7;
	vm13 =	vmmov $0x3;
	vm14 =	vmmov $0x1  }
0xa: {  	v5 =	vunpack.c.l.s4.s8 v3;
	v3 =	vimm.s32 $0x87654321;
	v8 =	vunpack.c.l.s4.s8 v4  }
0xb: {  	v7 =	vunpack.c.l.s4.s8 v7;
	v4 =	vor.u32 $0x5B20, v2;
	v9 =	vsel vm0, $0xFFFFFFFF, v9  }
0xc: {  	v10 =	vunpack.c.l.s4.s8 v10;
	v11 =	vunpack.c.l.s4.s8 v11;
	v12 =	vunpack.c.l.s4.s8 v12  }
0xd: {  	v13 =	vunpack.c.l.s4.s8 v13;
	vm0 =	vmmov $0x3fff;
	v26 =	vunpack.c.l.s4.s8 v26  }
0xe: {  	v27 =	vunpack.c.l.s4.s8 v27;
	v28 =	vunpack.c.l.s4.s8 v28;
	v6 =	vunpack.c.l.s4.s8 v3  }
0xf: {  	v3 =	vor.u32 $0x2EE0, v2;
	v16 =	vunpack.c.0.s8.s32 v5;
	v5 =	vor.u32 $0x10, v2  }
0x10: {  	v18 =	vunpack.c.0.s8.s32 v8;
	v19 =	vunpack.c.0.s8.s32 v7;
	v7 =	vimm.f32 $0.0e+00  }
0x11: {  	v20 =	vunpack.c.0.s8.s32 v10;
	v10 =	vunpack.c.l.s4.s8 v14;
	v14 =	vunpack.c.l.s4.s8 v15  }
0x12: {  	s0 =	stileid.u32;
	v21 =	vunpack.c.0.s8.s32 v11;
	v22 =	vunpack.c.0.s8.s32 v12;
	v23 =	vunpack.c.0.s8.s32 v13  }
0x13: {  	s1 =	srdreg.scid;
	s2 =	sshll.u32 s0, $0x1;
	v11 =	vimm.s32 $0x0;
	v13 =	vimm.s32 $0x543210FE;
	v15 =	vimm.s32 $0x6543210F  }
0x14: {  	s5 =	rddreg [dreg:$0x0];
	s3 =	sand.u32 $0x1, s1;
	s29 =	sand.u32 $0x6, s2;
	v27 =	vunpack.c.0.s8.s32 v27;
	v17 =	vunpack.c.0.s8.s32 v6;
	v11 =	vsel vm0, $0xFFFFFFFF, v11  }
0x15: {  	s7 =	rddreg [dreg:$0x1];
	s10 =	simm.s32 $0x1;
	s1 =	sor.u32 s3, s29;
	vm0 =	vmmov $0x1fff;
	v13 =	vunpack.c.l.s4.s8 v13;
	v15 =	vunpack.c.l.s4.s8 v15  }
0x16: {  	s11 =	simm.s32 $0x2;
	s6 =	sshrl.u32 s0, $0x2;
	[tilespmem:$0x1FFD0] =	vst v9;
	s4 =	smul.u32 $0x5B20, s1;
	v9 =	vcombine.low v19, v18;
	v24 =	vunpack.c.0.s8.s32 v10;
	v25 =	vunpack.c.0.s8.s32 v14  }
0x17: {  	s12 =	simm.s32 $0x3;
	s13 =	simm.s32 $0xE880;
	s8 =	smul.u32 $0x2D900, s6;
	[tilespmem:$0x1FFE0] =	vst v11;
	v10 =	vcombine.low v21, v20;
	v11 =	vimm.s32 $0x0;
	v14 =	vimm.s32 $0xDCBA9876  }
0x18: {  	s14 =	simm.s32 $0x8D00;
	s15 =	simm.s32 $0x4;
	s6 =	smul.u32 $0x5DC, s6;
	v0 =	vmov s4;
	v8 =	vcombine.low v17, v16;
	v11 =	vsel vm0, $0xFFFFFFFF, v11  }
0x19: {  	s16 =	simm.s32 $0x0;
	s2 =	simm.s32 $0x0;
	s3 =	ssub.s32 $0x2, s3;
	v14 =	vunpack.c.l.s4.s8 v14;
	v29 =	vunpack.c.0.s8.s32 v13;
	v16 =	vcombine.low v16, v17  }
0x1a: {  	[smem:$0x7FF] =	sst s2;
	s30 =	sadd.s32 s6, s7;
	s31 =	sshrl.u32 s3, $0x1;
	v62 =	vunpack.c.0.s8.s32 v15;
	v17 =	vcombine.low v18, v19;
	v18 =	vcombine.low v20, v21  }
.Ltmp0:
0x1b: {  	s9 =	ssub.s32 s3, s31;
	s3 =	sadd.s32 s5, s6;
	v15 =	vunpack.c.0.s8.s32 v28;
	v19 =	vcombine.low v22, v23;
	[tilespmem:$0x1FFF0] =	vst v11;
	v11 =	vcombine.low v23, v22;
	(pc) =	sbr.rel .LBB2_1-.Ltmp0, $4  }
0x1c: {  	s5 =	sadd.s32 $0x200, s30;
	s1 =	sadd.s32 $0x5B20, s4;
	s4 =	sadd.s32 s8, s4;
	v12 =	vcombine.low v25, v24;
	v30 =	vunpack.c.0.s8.s32 v14;
	v14 =	vunpack.c.0.s8.s32 v26  }
0x1d: {  	s8 =	simm.s32 $0x2F00;
	v1 =	vmov s1;
	s1 =	rddreg [dreg:$0x2];
	s4 =	sshrl.u32 s4, $0x3;
	v20 =	vcombine.low v24, v25;
	v22 =	vcombine.low v62, v27  }
0x1e: {  	_ =	strace $0x80000047;
	s7 =	sadd.s32 s4, s7;
	s4 =	sadd.s32 $0x1A00, s30;
	v13 =	vcombine.low v30, v29;
	v63 =	vand.u32 $0xF, v14;
	v14 =	vcombine.low v27, v62  }
0x1f: {  	v6 =	vor.u32 $0x20, v2;
	s6 =	sadd.s32 $0x3200, s7;
	s7 =	smax.u32 s9, $0x1;
	s9 =	simm.s32 $0x5E00;
	v21 =	vcombine.low v29, v30;
	v15 =	vcombine.low v63, v15  }
.LBB2_12:
0x20: {  	s16 =	sadd.s32 $0x1, s16  }
0x21: {  	p0 =	sne.s32 s16, s7  }
.Ltmp1:
0x22: {  	_ = 	snop;
	(pc) =	sbr.rel @!p0 .LBB2_13-.Ltmp1, $4  }
0x23: {  	[hbm4b:s6+s2] =	stream.linear.scatter [tilespmem:s14], [sflag:$0x4], $0x5B20, $0x38;
	[tilespmem:$0x16880] =	vst v63  }
0x24: {  	_ =	swait.ge [sflag:s15], $0x5B20  }
0x25: {  	[sflag:s15] =	ssyncset.done $0x0  }
0x26: {  	[sflag:s15] =	ssyncadd.s32 $0xFFFFA4E0  }
.LBB2_1:
0x27: {  	[tilespmem:s2], [sflag:$0x1] =	stream.linear.gather [hbm4b:s3+s2], $0x2EE0, $0x38;
	[tilespmem:$0x16880] =	vst v63  }
0x28: {  	_ = 	snop  }
0x29: {  	[tilespmem:s8], [sflag:$0x2] =	stream.linear.gather [hbm4b:s4+s2], $0x2EE0, $0x38;
	[tilespmem:$0x16880] =	vst v63  }
0x2a: {  	_ = 	snop  }
0x2b: {  	[tilespmem:s9], [sflag:$0x3] =	stream.linear.gather [hbm4b:s5+s2], $0x2EE0, $0x38;
	[tilespmem:$0x16880] =	vst v63  }
0x2c: {  	_ =	swait.ge [sflag:s10], $0x2EE0  }
0x2d: {  	[sflag:s10] =	ssyncset.done $0x0  }
0x2e: {  	[sflag:s10] =	ssyncadd.s32 $0xFFFFD120  }
0x2f: {  	_ =	swait.ge [sflag:s11], $0x2EE0  }
0x30: {  	[sflag:s11] =	ssyncset.done $0x0  }
0x31: {  	[sflag:s11] =	ssyncadd.s32 $0xFFFFD120  }
0x32: {  	_ =	swait.ge [sflag:s12], $0x2EE0  }
0x33: {  	[sflag:s12] =	ssyncset.done $0x0  }
0x34: {  	s17 =	simm.s32 $0x8D20;
	[sflag:s12] =	ssyncadd.s32 $0xFFFFD120  }
0x35: {  	[tilespmem:s17+$0xFFFFFFE0] =	vst v3  }
0x36: {  	[tilespmem:s17+$0x10] =	vst v3  }
0x37: {  	s18 =	simm.s32 $0x0;
	s21 =	simm.s32 $0xE800;
	[tilespmem:s17+$0x0] =	vst v3  }
.LBB2_2:
0x38: {  	s18 =	sadd.s32 $0x40, s18  }
0x39: {  	[tilespmem:s17+$0xFFFFFFF0] =	vst v3;
	s17 =	sadd.s32 $0x40, s17;
	s22 =	simm.s32 $0x5AF0;
	p0 =	slt.u32 s18, $0x5AC0  }
.Ltmp2:
0x3a: {  	[tilespmem:s17+$0xFFFFFFE0] =	vst v3;
	(pc) =	sbr.rel @p0 .LBB2_2-.Ltmp2, $3  }
0x3b: {  	_ =	sdelay $0x1  }
0x3c: {  	[tilespmem:s17+$0x10] =	vst v3  }
0x3d: {  	[tilespmem:s17+$0x0] =	vst v3  }
0x3e: {  	[tilespmem:s17+$0xFFFFFFF0] =	vst v3  }
.LBB2_4:
0x3f: {  	s22 =	sadd.s32 $0x10, s22  }
0x40: {  	p0 =	slt.u32 s22, $0x5B10  }
.Ltmp3:
0x41: {  	_ = 	snop;
	(pc) =	sbr.rel @p0 .LBB2_4-.Ltmp3, $3  }
0x42: {  	_ =	sdelay $0x1  }
0x43: {  	[tilespmem:s21+$0x0] =	vst v3;
	s21 =	sadd.s32 $0x10, s21;
	s17 =	simm.s32 $0x20  }
0x44: {  	s18 =	simm.s32 $0x5E20;
	s19 =	simm.s32 $0x2F20;
	s20 =	simm.s32 $0x20  }
.Ltmp4:
0x45: {  	_ = 	snop;
	(pc) =	sbr.rel .LBB2_5-.Ltmp4, $1  }
0x46: {  	_ =	sdelay $0x3  }
.LBB2_11:
0x47: {  	v24 =	vor.u32 s20, v2;
	s20 =	sadd.s32 $0x30, s20  }
0x48: {  	v23 =	vnsel vm15, $0x0, v23;
	p0 =	sne.s32 s20, $0x2F00  }
.Ltmp5:
0x49: {  	_ = 	snop;
	(pc) =	sbr.rel @!p0 .LBB2_12-.Ltmp5, $2  }
0x4a: {  	_ =	sdelay $0x2  }
0x4b: {  	s18 =	sadd.s32 $0x30, s18;
	s17 =	sadd.s32 $0x30, s17;
	s19 =	sadd.s32 $0x30, s19;
	[tilespmem:v23+s14+$0x0] =	vst.idx.msk vm15, v24  }
.LBB2_5:
0x4c: {  	v23 =	vld [tilespmem:s17+$0xFFFFFFE0]  }
0x4d: {  	v24 =	vld [tilespmem:s19+$0xFFFFFFE0]  }
0x4e: {  	v25 =	vld [tilespmem:s17+$0xFFFFFFF0]  }
0x4f: {  	v26 =	vld [tilespmem:s17+$0x0]  }
0x50: {  	v27 =	vld [tilespmem:s19+$0xFFFFFFF0]  }
0x51: {  	v28 =	vld [tilespmem:s19+$0x0]  }
0x52: {  	v23 =	vmul.u32 $0x1B0, v23  }
0x53: {  	v25 =	vmul.u32 $0x1B0, v25  }
0x54: {  	v29 =	vadd.s32 v24, v23;
	v23 =	vmul.u32 $0x1B0, v26  }
0x55: {  	v26 =	vadd.s32 v27, v25;
	v25 =	vand.u32 $0x7FFF, v29  }
0x56: {  	v23 =	vadd.s32 v28, v23;
	v28 =	vand.u32 $0x7FFF, v26  }
0x57: {  	v31 =	vand.u32 $0x7FFF, v23  }
0x58: {  	v30 =	vld [tilespmem:s18+$0xFFFFFFE0]  }
0x59: {  	v27 =	vld [tilespmem:s18+$0xFFFFFFF0]  }
0x5a: {  	v24 =	vld [tilespmem:s18+$0x0];
	[tilespmem:v25+s13+$0x0] =	vst.idx.msk $0xffff, v2  }
0x5b: {  	[tilespmem:v28+s13+$0x0] =	vst.idx.msk $0xffff, v5  }
0x5c: {  	[tilespmem:v31+s13+$0x0] =	vst.idx.msk $0xffff, v6  }
0x5d: {  	v25 =	vld.idx.msk [tilespmem:v25+s13+$0x0], $0xffff;
	_ =	sdelay $0x4  }
0x5e: {  	vm0 =	veq.s32 v25, v2  }
0x5f: {  	v25 =	vsel vm0, $0x3F800000, v7  }
0x60: {  	(xrf0) =	vmin.scan.msk.f32 $0xffff, v25;
	_ =	sdelay $0x5  }
0x61: {  	v25, _, _ =	vpop (xrf0)  }
0x62: {  	(v2sf) =	vpush v25, $0xF;
	_ =	sdelay $0xe  }
0x63: {  	s21 =	spop (v2sf)  }
0x64: {  	p0 =	sgt.f32 s21, $0.0e+00  }
.Ltmp6:
0x65: {  	_ = 	snop;
	(pc) =	sbr.rel @p0 .LBB2_7-.Ltmp6, $4  }
0x66: {  	vm15 =	vge.s32 v29, v0;
	vm0 =	vgt.s32 v30, $0x0  }
0x67: {  	vm0 =	vmand vm0, vm15;
	vm15 =	vlt.s32 v29, v1  }
0x68: {  	vm15 =	vmand vm15, vm0;
	v25 =	vsub.s32 v29, v0;
	v29 =	vld.idx.msk [tilespmem:v28+s13+$0x0], $0xffff  }
0x69: {  	v28 =	vsel vm15, v25, v4;
	v25 =	vld.idx.msk [tilespmem:v31+s13+$0x0], $0xffff  }
0x6a: {  	v32 =	vld [tilespmem:$0x1FFD0];
	_ =	sdelay $0x2  }
0x6b: {  	v30 =	vperm.xlane v28, v8  }
0x6c: {  	v31 =	vperm.xlane v28, v9  }
0x6d: {  	vm0 =	veq.s32 v30, v28;
	vm1 =	vnez.u8 v32  }
0x6e: {  	vm0 =	vmand vm0, vm1;
	vm1 =	veq.s32 v31, v28;
	v31 =	vld [tilespmem:$0x1FFE0];
	_ =	sdelay $0x4  }
0x6f: {  	vm2 =	vnez.u8 v31;
	v31 =	vld [tilespmem:$0x1FFF0];
	_ =	sdelay $0x1  }
0x70: {  	v30 =	vperm.xlane v28, v10;
	_ =	sdelay $0x1  }
0x71: {  	vm1 =	vmand vm1, vm2;
	vm2 =	veq.s32 v30, v28  }
0x72: {  	v30 =	vperm.xlane v28, v11;
	vm0 =	vmor vm0, vm1;
	vm1 =	vnez.u8 v31  }
0x73: {  	v31 =	vperm.xlane v28, v12;
	vm1 =	vmand vm2, vm1  }
0x74: {  	vm0 =	vmor vm0, vm1;
	vm1 =	veq.s32 v30, v28  }
0x75: {  	vm2 =	veq.s32 v31, v28;
	v30 =	vperm.xlane v28, v13;
	vm1 =	vmand vm1, vm3  }
0x76: {  	v31 =	vperm.xlane v28, v14;
	vm0 =	vmor vm0, vm1;
	vm1 =	vmand vm2, vm4  }
0x77: {  	vm0 =	vmor vm0, vm1;
	vm1 =	veq.s32 v30, v28  }
0x78: {  	vm2 =	veq.s32 v31, v28;
	v30 =	vperm.xlane v28, v15;
	vm1 =	vmand vm1, vm5  }
0x79: {  	v31 =	vperm.xlane v28, v16;
	vm0 =	vmor vm0, vm1;
	vm1 =	vmand vm2, vm6  }
0x7a: {  	vm0 =	vmor vm0, vm1;
	vm1 =	veq.s32 v30, v28  }
0x7b: {  	vm2 =	veq.s32 v31, v28;
	v30 =	vperm.xlane v28, v17;
	vm1 =	vmand vm1, vm7  }
0x7c: {  	v31 =	vperm.xlane v28, v18;
	vm0 =	vmor vm0, vm1;
	vm1 =	vmand vm2, vm8  }
0x7d: {  	vm0 =	vmor vm0, vm1;
	vm1 =	veq.s32 v30, v28  }
0x7e: {  	vm2 =	veq.s32 v31, v28;
	v30 =	vperm.xlane v28, v19;
	vm1 =	vmand vm1, vm9  }
0x7f: {  	v31 =	vperm.xlane v28, v20;
	vm0 =	vmor vm0, vm1;
	vm1 =	vmand vm2, vm10  }
0x80: {  	vm0 =	vmor vm0, vm1;
	vm1 =	veq.s32 v30, v28;
	v30 =	vperm.xlane v28, v21  }
0x81: {  	vm2 =	veq.s32 v31, v28;
	v31 =	vperm.xlane v28, v22;
	vm1 =	vmand vm1, vm11  }
0x82: {  	vm2 =	vmand vm2, vm12;
	vm0 =	vmor vm0, vm1;
	vm1 =	veq.s32 v30, v28  }
0x83: {  	vm0 =	vmor vm0, vm2;
	vm1 =	vmand vm1, vm13;
	vm2 =	veq.s32 v31, v28  }
0x84: {  	vm0 =	vmor vm0, vm1;
	vm1 =	vmand vm2, vm14  }
0x85: {  	vm0 =	vmor vm0, vm1  }
0x86: {  	vm0 =	vmneg vm0  }
0x87: {  	vm15 =	vmand vm15, vm0  }
.LBB2_7:
0x88: {  	_ =	sdelay $0x2  }
0x89: {  	vm0 =	veq.s32 v29, v5  }
0x8a: {  	v29 =	vsel vm0, $0x3F800000, v7  }
0x8b: {  	(xrf0) =	vmin.scan.msk.f32 $0xffff, v29;
	_ =	sdelay $0x5  }
0x8c: {  	v29, _, _ =	vpop (xrf0)  }
0x8d: {  	(v2sf) =	vpush v29, $0xF;
	_ =	sdelay $0xe  }
0x8e: {  	s21 =	spop (v2sf)  }
0x8f: {  	v28 =	vnsel vm15, $0x0, v28;
	p0 =	sgt.f32 s21, $0.0e+00  }
.Ltmp7:
0x90: {  	_ = 	snop;
	(pc) =	sbr.rel @p0 .LBB2_9-.Ltmp7, $4  }
0x91: {  	vm1 =	vge.s32 v26, v0;
	vm0 =	vgt.s32 v27, $0x0  }
0x92: {  	s31 =	sadd.s32 $0xFFFFFFE0, s20;
	vm0 =	vmand vm0, vm1;
	vm1 =	vlt.s32 v26, v1  }
0x93: {  	v27 =	vor.u32 s31, v2;
	v26 =	vsub.s32 v26, v0;
	vm0 =	vmand vm1, vm0  }
0x94: {  	[tilespmem:v28+s14+$0x0] =	vst.idx.msk vm15, v27;
	v26 =	vsel vm0, v26, v4  }
0x95: {  	v29 =	vld [tilespmem:$0x1FFD0]  }
0x96: {  	v56 =	vld [tilespmem:$0x1FFE0];
	_ =	sdelay $0x1  }
0x97: {  	v27 =	vperm.xlane v26, v8;
	v57 =	vld [tilespmem:$0x1FFF0]  }
0x98: {  	v28 =	vperm.xlane v26, v9  }
0x99: {  	vm1 =	veq.s32 v27, v26;
	v27 =	vperm.xlane v26, v10;
	vm2 =	vnez.u8 v29  }
0x9a: {  	vm15 =	vnez.u8 v56;
	vm1 =	vmand vm1, vm2;
	vm2 =	veq.s32 v28, v26  }
0x9b: {  	vm2 =	vmand vm2, vm15;
	vm15 =	veq.s32 v27, v26  }
0x9c: {  	v27 =	vperm.xlane v26, v11;
	vm1 =	vmor vm1, vm2;
	vm2 =	vnez.u8 v57  }
0x9d: {  	v58 =	vperm.xlane v26, v12;
	vm2 =	vmand vm15, vm2  }
0x9e: {  	vm1 =	vmor vm1, vm2;
	vm2 =	veq.s32 v27, v26  }
0x9f: {  	vm15 =	veq.s32 v58, v26;
	v27 =	vperm.xlane v26, v13;
	vm2 =	vmand vm2, vm3  }
0xa0: {  	v59 =	vperm.xlane v26, v14;
	vm1 =	vmor vm1, vm2;
	vm2 =	vmand vm15, vm4  }
0xa1: {  	vm1 =	vmor vm1, vm2;
	vm2 =	veq.s32 v27, v26  }
0xa2: {  	vm15 =	veq.s32 v59, v26;
	v27 =	vperm.xlane v26, v15;
	vm2 =	vmand vm2, vm5  }
0xa3: {  	v60 =	vperm.xlane v26, v16;
	vm1 =	vmor vm1, vm2;
	vm2 =	vmand vm15, vm6  }
0xa4: {  	vm1 =	vmor vm1, vm2;
	vm2 =	veq.s32 v27, v26  }
0xa5: {  	vm15 =	veq.s32 v60, v26;
	v27 =	vperm.xlane v26, v17;
	vm2 =	vmand vm2, vm7  }
0xa6: {  	v61 =	vperm.xlane v26, v18;
	vm1 =	vmor vm1, vm2;
	vm2 =	vmand vm15, vm8  }
0xa7: {  	vm1 =	vmor vm1, vm2;
	vm2 =	veq.s32 v27, v26  }
0xa8: {  	vm15 =	veq.s32 v61, v26;
	v27 =	vperm.xlane v26, v19;
	vm2 =	vmand vm2, vm9  }
0xa9: {  	v62 =	vperm.xlane v26, v20;
	vm1 =	vmor vm1, vm2;
	vm2 =	vmand vm15, vm10  }
0xaa: {  	vm1 =	vmor vm1, vm2;
	vm2 =	veq.s32 v27, v26;
	v27 =	vperm.xlane v26, v21  }
0xab: {  	v63 =	vperm.xlane v26, v22;
	vm15 =	veq.s32 v62, v26;
	vm2 =	vmand vm2, vm11  }
0xac: {  	vm15 =	vmand vm15, vm12;
	vm1 =	vmor vm1, vm2;
	vm2 =	veq.s32 v27, v26  }
0xad: {  	vm1 =	vmor vm1, vm15;
	vm2 =	vmand vm2, vm13;
	vm15 =	veq.s32 v63, v26  }
0xae: {  	vm1 =	vmor vm1, vm2;
	vm2 =	vmand vm15, vm14  }
0xaf: {  	vm1 =	vmor vm1, vm2  }
0xb0: {  	vm1 =	vmneg vm1  }
0xb1: {  	vm0 =	vmand vm0, vm1  }
.LBB2_9:
0xb2: {  	vm1 =	veq.s32 v25, v6  }
0xb3: {  	v25 =	vsel vm1, $0x3F800000, v7  }
0xb4: {  	(xrf0) =	vmin.scan.msk.f32 $0xffff, v25;
	_ =	sdelay $0x5  }
0xb5: {  	v25, _, _ =	vpop (xrf0)  }
0xb6: {  	(v2sf) =	vpush v25, $0xF;
	_ =	sdelay $0xe  }
0xb7: {  	s21 =	spop (v2sf)  }
0xb8: {  	v62 =	vnsel vm0, $0x0, v26;
	p0 =	sgt.f32 s21, $0.0e+00  }
.Ltmp8:
0xb9: {  	_ = 	snop;
	(pc) =	sbr.rel @p0 .LBB2_11-.Ltmp8, $4  }
0xba: {  	vm2 =	vge.s32 v23, v0;
	vm1 =	vgt.s32 v24, $0x0  }
0xbb: {  	s31 =	sadd.s32 $0xFFFFFFF0, s20;
	vm1 =	vmand vm1, vm2;
	vm2 =	vlt.s32 v23, v1  }
0xbc: {  	v63 =	vor.u32 s31, v2;
	v23 =	vsub.s32 v23, v0;
	vm15 =	vmand vm2, vm1  }
0xbd: {  	v23 =	vsel vm15, v23, v4;
	[tilespmem:v62+s14+$0x0] =	vst.idx.msk vm0, v63  }
0xbe: {  	v26 =	vld [tilespmem:$0x1FFD0]  }
0xbf: {  	v50 =	vld [tilespmem:$0x1FFE0];
	_ =	sdelay $0x1  }
0xc0: {  	v24 =	vperm.xlane v23, v8;
	v52 =	vld [tilespmem:$0x1FFF0]  }
0xc1: {  	v25 =	vperm.xlane v23, v9  }
0xc2: {  	v49 =	vperm.xlane v23, v10;
	vm0 =	veq.s32 v24, v23;
	vm1 =	vnez.u8 v26  }
0xc3: {  	vm2 =	vnez.u8 v50;
	vm0 =	vmand vm0, vm1;
	vm1 =	veq.s32 v25, v23  }
0xc4: {  	v51 =	vperm.xlane v23, v11;
	vm1 =	vmand vm1, vm2  }
0xc5: {  	vm2 =	veq.s32 v49, v23;
	vm0 =	vmor vm0, vm1;
	vm1 =	vnez.u8 v52  }
0xc6: {  	v53 =	vperm.xlane v23, v12;
	vm1 =	vmand vm2, vm1  }
0xc7: {  	vm0 =	vmor vm0, vm1;
	vm1 =	veq.s32 v51, v23  }
0xc8: {  	v54 =	vperm.xlane v23, v13;
	vm2 =	veq.s32 v53, v23;
	vm1 =	vmand vm1, vm3  }
0xc9: {  	v55 =	vperm.xlane v23, v14;
	vm0 =	vmor vm0, vm1;
	vm1 =	vmand vm2, vm4  }
0xca: {  	vm0 =	vmor vm0, vm1;
	vm1 =	veq.s32 v54, v23  }
0xcb: {  	v56 =	vperm.xlane v23, v15;
	vm2 =	veq.s32 v55, v23;
	vm1 =	vmand vm1, vm5  }
0xcc: {  	v57 =	vperm.xlane v23, v16;
	vm0 =	vmor vm0, vm1;
	vm1 =	vmand vm2, vm6  }
0xcd: {  	vm0 =	vmor vm0, vm1;
	vm1 =	veq.s32 v56, v23  }
0xce: {  	v58 =	vperm.xlane v23, v17;
	vm2 =	veq.s32 v57, v23;
	vm1 =	vmand vm1, vm7  }
0xcf: {  	v59 =	vperm.xlane v23, v18;
	vm0 =	vmor vm0, vm1;
	vm1 =	vmand vm2, vm8  }
0xd0: {  	vm0 =	vmor vm0, vm1;
	vm1 =	veq.s32 v58, v23  }
0xd1: {  	v60 =	vperm.xlane v23, v19;
	vm2 =	veq.s32 v59, v23;
	vm1 =	vmand vm1, vm9  }
0xd2: {  	v61 =	vperm.xlane v23, v20;
	vm0 =	vmor vm0, vm1;
	vm1 =	vmand vm2, vm10  }
0xd3: {  	v62 =	vperm.xlane v23, v21;
	vm0 =	vmor vm0, vm1;
	vm1 =	veq.s32 v60, v23  }
0xd4: {  	v63 =	vperm.xlane v23, v22;
	vm2 =	veq.s32 v61, v23;
	vm1 =	vmand vm1, vm11  }
0xd5: {  	vm2 =	vmand vm2, vm12;
	vm0 =	vmor vm0, vm1;
	vm1 =	veq.s32 v62, v23  }
.Ltmp9:
0xd6: {  	vm0 =	vmor vm0, vm2;
	vm1 =	vmand vm1, vm13;
	vm2 =	veq.s32 v63, v23;
	(pc) =	sbr.rel .LBB2_11-.Ltmp9, $4  }
0xd7: {  	vm0 =	vmor vm0, vm1;
	vm1 =	vmand vm2, vm14  }
0xd8: {  	vm0 =	vmor vm0, vm1  }
0xd9: {  	vm0 =	vmneg vm0  }
0xda: {  	vm15 =	vmand vm15, vm0  }
.LBB2_13:
0xdb: {  	_ =	sfence.sel $0x180000  }
0xdc: {  	[bflag:$0x0] =	sbarrier.arrive $0xFFFF  }
0xdd: {  	p0 =	sne.s32 s0, $0x0;
	_ =	strace $0x90000047  }
0xde: {  	s0 =	sadd.s32 @!p0 $0x100000, s1;
	[bflag:$0x2] =	sbarrier.arrive $0xFFFF  }
0xdf: {  	[sflag:s0] =	ssyncadd.tile.s32 @!p0 $0x1;
	_ =	shalt  }
.Lfunc_end2:
_tile_overlayer_lowered:
.L_overlay_start_2:
0xe0: {  	(tag) =	ssettag $0x2  }
0xe1: {  	s0 =	rddreg [dreg:$0x0];
	s2 =	stileid.u32  }
0xe2: {  	s1 =	rddreg [dreg:$0x1];
	p0 =	sne.s32 s2, $0x0  }
0xe3: {  	s3 =	rddreg [dreg:$0x2];
	[bflag:$0x3] =	sbarrier.arrive $0xFFFF;
	s2 =	simm.s32 @!p0 $0x1C04  }
0xe4: {  	[timem:s3], [sflag:s2] =	dma.local @!p0 [hbm:s0], s1  }
0xe5: {  	s0 =	simm.s32 @!p0 $0x4  }
0xe6: {  	_ =	swait.ge @!p0 [sflag:s0], s1  }
0xe7: {  	s1 =	ssub.s32 @!p0 $0x0, s1;
	[sflag:s0] =	ssyncset.done @!p0 $0x0  }
0xe8: {  	[sflag:s0] =	ssyncadd.s32 @!p0 s1  }
0xe9: {  	[bflag:$0x3] =	sbarrier.arrive $0xFFFF  }
0xea: {  	_ =	shalt  }

// kernel: kernel.7.cloned.1.call-start
scs
__scs_entry_jumppad:
0x0: {  	(pc) =	sbr.rel $0x88, $3  }
0x1: {  	(tag) =	ssettag $0x0;
	lr =	simm.s32 $0x1  }
0x2: {  	[smem:$0x3F9E] =	sst lr;
	_ =	strace $0xD0000000  }
0x3: {  	_ = 	snop  }
0x4: {  	_ = 	snop  }
0x5: {  	_ = 	snop  }
0x6: {  	_ = 	snop  }
0x7: {  	_ = 	snop  }
__scs_overlays_trampoline_lowered:
0x8: {  	[smem:$0x3FAD] =	sst s0  }
0x9: {  	[smem:$0x3FAE] =	sst s1  }
0xa: {  	[smem:$0x3FAF] =	sst s2  }
0xb: {  	[smem:$0x3FB0] =	sst s3  }
0xc: {  	[smem:$0x3FB1] =	sst s4  }
0xd: {  	[smem:$0x3FB2] =	sst s5  }
0xe: {  	[smem:$0x3FB3] =	sst s6  }
0xf: {  	[smem:$0x3FB4] =	sst s7  }
0x10: {  	[smem:$0x3FB5] =	sst s8  }
0x11: {  	[smem:$0x3FB6] =	sst s9;
	s0 =	simm.s32 @!p0 $0x0  }
0x12: {  	s1 =	sld [smem:$0x3F9C];
	s0 =	simm.s32 @p0 $0x1  }
0x13: {  	[smem:$0x3FB7] =	sst s0;
	s0 =	simm.s32 @!p1 $0x0  }
0x14: {  	s2 =	sld [smem:$0x3F9B];
	s0 =	simm.s32 @p1 $0x1  }
0x15: {  	[smem:$0x3FB8] =	sst s0;
	s0 =	simm.s32 @!p2 $0x0  }
0x16: {  	s3 =	sld [smem:$0x3FDB];
	s0 =	simm.s32 @p2 $0x1  }
0x17: {  	s4 =	simm.s32 $0x1BF5;
	[smem:$0x3FBA] =	sst s0  }
0x18: {  	s0 =	sld [smem:$0x3F9D];
	_ =	swait.ge [sflag:s4], $0x0  }
0x19: {  	s7 =	sld [smem:$0x3F9E]  }
0x1a: {  	s8 =	sadd.s32 $0xFFFFE003, lr  }
0x1b: {  	s9 =	sadd.s32 $0xFFFFFEF7, lr;
	s5 =	simm.s32 $0xFFFFFFFF;
	p2 =	slt.u32 s8, $0xFFFFF086  }
0x1c: {  	p1 =	slt.u32 s9, $0xF7A;
	s5 =	simm.s32 @!p2 $0x0  }
0x1d: {  	s5 =	simm.s32 @p1 $0x1;
	p0 =	seq.s32 s7, s2  }
0x1e: {  	s7 =	smul.u32 @!p0 $0xF7A, s2;
	p2 =	seq.s32 @!p0 s5, $0x0  }
0x1f: {  	s9 =	smul.u32 $0xF7A, s1;
	s8 =	simm.s32 @!p0 $0x1BF5;
	p2 =	por !p2, p0  }
0x20: {  	[sflag:s8] =	ssyncset.s32 @!p0 $0xFFFFF086;
	s6 =	sadd.s32 @!p0 s3, s7;
	s7 =	simm.s32 @!p0 $0x108  }
0x21: {  	s3 =	sadd.s32 s3, s9;
	s6 =	sadd.s32 @!p0 $0x88, s6;
	s7 =	simm.s32 @p2 $0x1082  }
0x22: {  	[simem:s7], [sflag:s8] =	dma.local @!p0 [hbm:s6], $0xF7A  }
0x23: {  	s9 =	sor.u32 $0xD0000000, s2;
	s6 =	simm.s32 $0x108;
	_ =	swait.ge @!p0 [sflag:s8], $0x0  }
0x24: {  	s3 =	sadd.s32 $0x88, s3;
	s6 =	simm.s32 @!p1 $0x1082;
	[sflag:s4] =	ssyncset.s32 $0xFFFFF086  }
0x25: {  	[simem:s6], [sflag:s4] =	dma.local [hbm:s3], $0xF7A  }
0x26: {  	[smem:$0x3F9E] =	sst s1;
	(tag) =	ssettag s2;
	_ =	strace s9  }
0x27: {  	s1 =	sld [smem:$0x3FAE]  }
0x28: {  	s2 =	sld [smem:$0x3FAF]  }
0x29: {  	s4 =	sld [smem:$0x3FB1]  }
0x2a: {  	p0 =	seq.s32 s5, $0x0;
	s5 =	sld [smem:$0x3FB2]  }
0x2b: {  	s6 =	sld [smem:$0x3FB3]  }
0x2c: {  	s7 =	sld [smem:$0x3FB4]  }
0x2d: {  	s3 =	simm.s32 $0x108;
	s8 =	sld [smem:$0x3FB5]  }
0x2e: {  	s3 =	simm.s32 @!p0 $0x1082;
	s9 =	sld [smem:$0x3FB6]  }
0x2f: {  	lr =	sadd.s32 s0, s3;
	s0 =	sld [smem:$0x3FAD]  }
0x30: {  	s3 =	sld [smem:$0x3FB0]  }
0x31: {  	[smem:$0x3FB9] =	sst s10  }
0x32: {  	s10 =	sld [smem:$0x3FB7];
	_ =	sdelay $0x3  }
0x33: {  	p0 =	seq.s32 s10, $0x1;
	s10 =	sld [smem:$0x3FB9];
	_ =	sdelay $0x3  }
0x34: {  	[smem:$0x3FB9] =	sst s10  }
0x35: {  	s10 =	sld [smem:$0x3FB8];
	_ =	sdelay $0x3  }
0x36: {  	p1 =	seq.s32 s10, $0x1;
	s10 =	sld [smem:$0x3FB9];
	_ =	sdelay $0x3  }
0x37: {  	[smem:$0x3FB9] =	sst s10  }
0x38: {  	s10 =	sld [smem:$0x3FBA]  }
0x39: {  	_ = 	snop;
	(pc) =	sbr.ind lr, $3  }
0x3a: {  	_ = 	snop  }
0x3b: {  	_ = 	snop  }
0x3c: {  	p2 =	seq.s32 s10, $0x1;
	s10 =	sld [smem:$0x3FB9]  }
0x3d: {  	_ =	shalt  }
0x3e: {  	_ =	shalt  }
0x3f: {  	_ =	shalt  }
0x40: {  	_ =	shalt  }
0x41: {  	_ =	shalt  }
0x42: {  	_ =	shalt  }
0x43: {  	_ =	shalt  }
0x44: {  	_ =	shalt  }
0x45: {  	_ =	shalt  }
0x46: {  	_ =	shalt  }
0x47: {  	_ =	shalt  }
0x48: {  	_ =	shalt  }
0x49: {  	_ =	shalt  }
0x4a: {  	_ =	shalt  }
0x4b: {  	_ =	shalt  }
0x4c: {  	_ =	shalt  }
0x4d: {  	_ =	shalt  }
0x4e: {  	_ =	shalt  }
0x4f: {  	_ =	shalt  }
0x50: {  	_ =	shalt  }
0x51: {  	_ =	shalt  }
0x52: {  	_ =	shalt  }
0x53: {  	_ =	shalt  }
0x54: {  	_ =	shalt  }
0x55: {  	_ =	shalt  }
0x56: {  	_ =	shalt  }
0x57: {  	_ =	shalt  }
0x58: {  	_ =	shalt  }
0x59: {  	_ =	shalt  }
0x5a: {  	_ =	shalt  }
0x5b: {  	_ =	shalt  }
0x5c: {  	_ =	shalt  }
0x5d: {  	_ =	shalt  }
0x5e: {  	_ =	shalt  }
0x5f: {  	_ =	shalt  }
0x60: {  	_ =	shalt  }
0x61: {  	_ =	shalt  }
0x62: {  	_ =	shalt  }
0x63: {  	_ =	shalt  }
0x64: {  	_ =	shalt  }
0x65: {  	_ =	shalt  }
0x66: {  	_ =	shalt  }
0x67: {  	_ =	shalt  }
0x68: {  	_ =	shalt  }
0x69: {  	_ =	shalt  }
0x6a: {  	_ =	shalt  }
0x6b: {  	_ =	shalt  }
0x6c: {  	_ =	shalt  }
0x6d: {  	_ =	shalt  }
0x6e: {  	_ =	shalt  }
0x6f: {  	_ =	shalt  }
0x70: {  	_ =	shalt  }
0x71: {  	_ =	shalt  }
0x72: {  	_ =	shalt  }
0x73: {  	_ =	shalt  }
0x74: {  	_ =	shalt  }
0x75: {  	_ =	shalt  }
0x76: {  	_ =	shalt  }
0x77: {  	_ =	shalt  }
0x78: {  	_ =	shalt  }
0x79: {  	_ =	shalt  }
0x7a: {  	_ =	shalt  }
0x7b: {  	_ =	shalt  }
0x7c: {  	_ =	shalt  }
0x7d: {  	_ =	shalt  }
0x7e: {  	_ =	shalt  }
0x7f: {  	_ =	shalt  }
0x80: {  	_ =	shalt  }
0x81: {  	_ =	shalt  }
0x82: {  	_ =	shalt  }
0x83: {  	_ =	shalt  }
0x84: {  	_ =	shalt  }
0x85: {  	_ =	shalt  }
0x86: {  	_ =	shalt  }
0x87: {  	_ =	shalt  }
.Lfunc_end0:
.L_simem_size_0:
called_computation.1_lowered:
.L_overlay_start_0:
0x88: {  	s2 =	sld [smem:$0x3FD9]  }
0x89: {  	s3 =	sld [smem:$0x3FFE];
	_ =	sdelay $0x1  }
0x8a: {  	s1 =	srdreg.scid  }
0x8b: {  	s0 =	sand.u32 $0x1, s1  }
0x8c: {  	s17 =	sshll.u32 s0, $0xA;
	s2 =	sadd.s32 s3, s2  }
0x8d: {  	s2 =	sadd.s32 s2, s17  }
0x8e: {  	[smem:$0x3FC5] =	sst s2  }
0x8f: {  	_ = 	snop  }
0x90: {  	s2 =	sld [smem:$0x3FD0];
	(tm) =	ssettm $0x1  }
0x91: {  	s18 =	sld [smem:$0x3FFB];
	_ =	sdelay $0x3  }
0x92: {  	_ =	strace s18  }
0x93: {  	s3 =	sld [smem:$0x3FFC];
	_ =	sdelay $0x3  }
0x94: {  	_ =	strace s3  }
0x95: {  	s3 =	sld [smem:$0x3FFD];
	_ =	sdelay $0x3  }
0x96: {  	_ =	strace s3  }
0x97: {  	_ =	strace $0x8FFFFFFF  }
0x98: {  	s19 =	sld [smem:$0x3FDB];
	_ =	sdelay $0x1  }
0x99: {  	s4 =	simm.s32 $_scs_section_size  }
0x9a: {  	s5 =	simm.s32 $_size__tile_overlayer_lowered;
	s6 =	simm.s32 $_tile_overlayer_lowered  }
0x9b: {  	s22 =	simm.s32 $0x1BFF;
	s21 =	sshll.u32 s6, $0x1;
	s3 =	sadd.s32 s4, s19  }
0x9c: {  	s7 =	simm.s32 $0x0;
	s20 =	sshll.u32 s5, $0x1;
	s5 =	sadd.s32 s21, s3  }
0x9d: {  	[timem:s7], [sflag:s22] =	dma.local [hbm:s5], s20  }
0x9e: {  	_ =	swait.ge [sflag:s22], s20  }
0x9f: {  	s4 =	ssub.s32 $0x0, s20;
	[sflag:s22] =	ssyncset.done $0x0  }
0xa0: {  	[sflag:s22] =	ssyncadd.s32 s4;
	_ =	sdelay $0x1  }
0xa1: {  	s23 =	simm.s32 $0x1B8B  }
0xa2: {  	_ =	swait.ge [sflag:s23], $0x1  }
0xa3: {  	[sflag:s23] =	ssyncset.done $0x0  }
0xa4: {  	s25 =	simm.s32 $0x1B8E;
	s24 =	sld [smem:$0x3FFE];
	[sflag:s23] =	ssyncadd.s32 $0xFFFFFFFF  }
0xa5: {  	s26 =	simm.s32 $execute0_lowered;
	[smem:$0x3FD2] =	sst s25  }
0xa6: {  	s5 =	sshll.u32 s26, $0x1;
	_ =	strace $0x80000049;
	[dreg:$0x1] =	wrdreg $0xFFFFFFFF  }
0xa7: {  	s28 =	simm.s32 $_size_execute0_lowered;
	s3 =	sadd.s32 s3, s5;
	[dreg:$0x0] =	wrdreg $0x0  }
0xa8: {  	s5 =	sshll.u32 s28, $0x1;
	[dreg:$0x2] =	wrdreg s3  }
0xa9: {  	[dreg:$0x3] =	wrdreg s5  }
0xaa: {  	[dreg:$0x4] =	wrdreg $0xC0  }
0xab: {  	_ =	task [dreg:s7], $0x5FFFF  }
0xac: {  	[dreg:$0x1] =	wrdreg $0xFFFFFFFF  }
0xad: {  	[dreg:$0x0] =	wrdreg $0x60  }
0xae: {  	[dreg:$0x2] =	wrdreg s24  }
0xaf: {  	[dreg:$0x3] =	wrdreg s2  }
0xb0: {  	[dreg:$0x4] =	wrdreg $0x9  }
0xb1: {  	_ =	task.clear_ibuf [dreg:s7], $0x5FFFF;
	_ =	strace $0x90000049  }
0xb2: {  	s29 =	simm.s32 $0x9;
	_ =	strace $0x8000004B  }
0xb3: {  	_ =	swait.ge [sflag:s29], $0x1  }
0xb4: {  	[sflag:s29] =	ssyncadd.s32 $0xFFFFFFFF  }
0xb5: {  	_ =	strace $0x9000004B  }
0xb6: {  	_ =	sfence  }
0xb7: {  	s30 =	sld [smem:$0x0];
	_ =	sdelay $0x2  }
0xb8: {  	s31 =	sshll.u32 s1, $0xD;
	s1 =	sshrl.u32 s1, $0x2  }
0xb9: {  	s3 =	sand.u32 $0x4000, s31;
	s1 =	sadd.s32 s1, s30  }
0xba: {  	s0 =	sor.u32 s3, s0;
	s1 =	sshll.u32 s1, $0x11  }
0xbb: {  	s0 =	sor.u32 s1, s0  }
0xbc: {  	s0 =	sadd.s32 $0x8F2B, s0  }
0xbd: {  	[sflag:s0] =	ssyncadd.remote.s32 $0x1  }
0xbe: {  	_ =	sfence.sel $0xFFFF  }
0xbf: {  	[dreg:$0x0] =	wrdreg $0xFFFFFFFF;
	(pc) =	sbr.abs _section_cstart, $3  }
0xc0: {  	[dreg:$0x1] =	wrdreg $0xFFFFFFFF  }
0xc1: {  	_ =	task.clear_ibuf [dreg:s7], $0x2FFFF;
	_ =	strace $0x9FFFFFFF  }
0xc2: {  	(tm) =	ssettm $0x7FFFFFFF  }
0xc3: {  	_ =	shalt  }
tec
execute0_lowered:
.L_overlay_start_1:
0x0: {  	(tag) =	ssettag $0x1  }
0x1: {  	s0 =	rddreg [dreg:$0x0]  }
0x2: {  	s4 =	stileid.u32;
	s1 =	srdreg.scid  }
0x3: {  	s3 =	simm.s32 $0x0;
	s2 =	sshll.u32 s4, $0x1;
	s1 =	sand.u32 $0x1, s1  }
0x4: {  	s5 =	sshrl.u32 s4, $0x2;
	[smem:$0x7FF] =	sst s3;
	s11 =	sadd.s32 $0x1A000, s0  }
0x5: {  	s20 =	sadd.s32 $0x3200, s0;
	s2 =	sand.u32 $0x6, s2;
	s8 =	smul.u32 $0x2D900, s5  }
0x6: {  	s7 =	sshll.u32 s5, $0x6;
	_ =	strace $0x8000004A;
	s5 =	smul.u32 $0xD80000, s5  }
0x7: {  	[dreg:$0x3] =	wrdreg s20;
	s2 =	sor.u32 s1, s2;
	s1 =	ssub.s32 $0x2, s1  }
0x8: {  	s6 =	sshll.u32 s2, $0x3;
	s9 =	sshrl.u32 s1, $0x1;
	s23 =	sshrl.u32 s8, $0x3  }
0x9: {  	s24 =	smul.u32 $0x1B0000, s2;
	s28 =	sadd.s32 $0x1B00, s8;
	s30 =	sadd.s32 $0x2880, s8  }
0xa: {  	s19 =	sor.u32 s7, s6;
	s21 =	ssub.s32 s1, s9;
	[dreg:$0x8] =	wrdreg s28  }
0xb: {  	s4 =	sadd.s32 s20, s23;
	s25 =	sor.u32 $0x4, s6;
	[dreg:$0xa] =	wrdreg s30  }
0xc: {  	s10 =	smul.u32 $0x5DE, s19;
	[dreg:$0x5] =	wrdreg s4;
	s4 =	sadd.s32 $0x1B0, s4  }
0xd: {  	s6 =	sor.u32 s7, s25;
	s26 =	sadd.s32 s5, s24;
	[dreg:$0x6] =	wrdreg s4  }
0xe: {  	s2 =	smul.u32 $0x36000, s25;
	s0 =	smax.u32 s21, $0x1;
	[dreg:$0x7] =	wrdreg s26  }
0xf: {  	s29 =	smul.u32 $0x5DE, s6;
	s4 =	sor.u32 $0x1000, s26;
	[dreg:$0xe] =	wrdreg s0  }
.Ltmp0:
0x10: {  	s22 =	sadd.s32 s11, s10;
	[dreg:$0x9] =	wrdreg s4;
	(pc) =	sbr.rel .LBB2_1-.Ltmp0, $4  }
0x11: {  	s2 =	sadd.s32 s5, s2;
	[dreg:$0x4] =	wrdreg s22  }
0x12: {  	s1 =	sadd.s32 s11, s29;
	[dreg:$0xb] =	wrdreg s2  }
0x13: {  	s31 =	sor.u32 $0x1000, s2;
	[dreg:$0xc] =	wrdreg s1  }
0x14: {  	v0 =	vimm.f32 $0.0e+00;
	s23 =	simm.s32 $0x2;
	s2 =	simm.s32 $0x0;
	[dreg:$0xd] =	wrdreg s31  }
.LBB2_39:
0x15: {  	s0 =	simm.s32 $0x3  }
0x16: {  	_ =	swait.ge [sflag:s0], $0x4000  }
0x17: {  	[sflag:s0] =	ssyncset.done $0x0  }
0x18: {  	s1 =	simm.s32 $0x4;
	[sflag:s0] =	ssyncadd.s32 $0xFFFFC000  }
0x19: {  	_ =	swait.ge [sflag:s1], $0x4000  }
0x1a: {  	s2 =	rddreg [dreg:$0xf]  }
0x1b: {  	s31 =	rddreg [dreg:$0xe];
	s2 =	sadd.s32 $0x1, s2  }
0x1c: {  	p0 =	sne.s32 s2, s31  }
.Ltmp1:
0x1d: {  	_ = 	snop;
	(pc) =	sbr.rel @!p0 .LBB2_40-.Ltmp1, $3  }
0x1e: {  	_ =	sdelay $0x1  }
0x1f: {  	[sflag:s1] =	ssyncset.done $0x0  }
0x20: {  	[sflag:s1] =	ssyncadd.s32 $0xFFFFC000  }
.LBB2_1:
0x21: {  	[dreg:$0xf] =	wrdreg s2;
	s0 =	simm.s32 $0xD700;
	s1 =	simm.s32 $0x0  }
.LBB2_2:
0x22: {  	s2 =	simm.s32 $0xD80  }
0x23: {  	s5 =	sand.u32 $0x3FFFFC00, s2  }
0x24: {  	s6 =	simm.s32 $0x1B0;
	s7 =	smov.u32 s0;
	s5 =	sadd.s32 s5, s0  }
.LBB2_3:
0x25: {  	s6 =	sadd.s32 $0x10, s6  }
0x26: {  	[tilespmem:s5+$0x3030] =	vst v0;
	s2 =	sadd.s32 $0x80, s2;
	s7 =	sadd.s32 $0x10, s7;
	p0 =	slt.u32 s6, $0x1E0  }
.Ltmp2:
0x27: {  	[tilespmem:s5+$0x2030] =	vst v0;
	(pc) =	sbr.rel @p0 .LBB2_3-.Ltmp2, $4  }
0x28: {  	[tilespmem:s5+$0x30] =	vst v0  }
0x29: {  	[tilespmem:s5+$0x1030] =	vst v0  }
0x2a: {  	s5 =	sand.u32 $0x3FFFFC00, s2  }
0x2b: {  	s5 =	sadd.s32 s5, s7  }
0x2c: {  	s1 =	sadd.s32 $0x1, s1  }
0x2d: {  	p0 =	sne.s32 s1, $0x8  }
.Ltmp3:
0x2e: {  	_ = 	snop;
	(pc) =	sbr.rel @p0 .LBB2_2-.Ltmp3, $4  }
0x2f: {  	[tilespmem:s5+$0x3030] =	vst v0  }
0x30: {  	[tilespmem:s5+$0x2030] =	vst v0  }
0x31: {  	[tilespmem:s5+$0x30] =	vst v0  }
0x32: {  	[tilespmem:s5+$0x1030] =	vst v0;
	s0 =	sadd.s32 $0x80, s0  }
0x33: {  	s0 =	simm.s32 $0x0;
	s1 =	simm.s32 $0x11700  }
.LBB2_6:
0x34: {  	s2 =	simm.s32 $0xD80  }
0x35: {  	s5 =	sand.u32 $0x3FFFFC00, s2  }
0x36: {  	s6 =	simm.s32 $0x1B0;
	s7 =	smov.u32 s1;
	s5 =	sadd.s32 s5, s1  }
.LBB2_7:
0x37: {  	s6 =	sadd.s32 $0x10, s6  }
0x38: {  	[tilespmem:s5+$0x3030] =	vst v0;
	s2 =	sadd.s32 $0x80, s2;
	s7 =	sadd.s32 $0x10, s7;
	p0 =	slt.u32 s6, $0x1E0  }
.Ltmp4:
0x39: {  	[tilespmem:s5+$0x2030] =	vst v0;
	(pc) =	sbr.rel @p0 .LBB2_7-.Ltmp4, $4  }
0x3a: {  	[tilespmem:s5+$0x30] =	vst v0  }
0x3b: {  	[tilespmem:s5+$0x1030] =	vst v0  }
0x3c: {  	s5 =	sand.u32 $0x3FFFFC00, s2  }
0x3d: {  	s5 =	sadd.s32 s5, s7  }
0x3e: {  	s0 =	sadd.s32 $0x1, s0  }
0x3f: {  	p0 =	sne.s32 s0, $0x8  }
.Ltmp5:
0x40: {  	_ = 	snop;
	(pc) =	sbr.rel @p0 .LBB2_6-.Ltmp5, $4  }
0x41: {  	[tilespmem:s5+$0x3030] =	vst v0  }
0x42: {  	[tilespmem:s5+$0x2030] =	vst v0  }
0x43: {  	[tilespmem:s5+$0x30] =	vst v0  }
0x44: {  	[tilespmem:s5+$0x1030] =	vst v0;
	s1 =	sadd.s32 $0x80, s1  }
0x45: {  	s29 =	simm.s32 $0x0;
	s0 =	rddreg [dreg:$0x4];
	s26 =	simm.s32 $0x5  }
0x46: {  	[tilespmem:s29], [sflag:$0x5] =	stream.linear.gather [hbm4b:s0+s29], $0xBBC0, $0x38;
	[tilespmem:$0x15700] =	vst v63  }
0x47: {  	_ =	swait.ge [sflag:s26], $0xBBC0  }
0x48: {  	[sflag:s26] =	ssyncset.done $0x0  }
0x49: {  	s1 =	simm.s32 $0xBC00;
	s28 =	rddreg [dreg:$0x5];
	[sflag:s26] =	ssyncadd.s32 $0xFFFF4440  }
0x4a: {  	[tilespmem:s1], [sflag:$0x1] =	stream.linear.gather [hbm4b:s28+s29], $0xD80, $0x38;
	[tilespmem:$0x15700] =	vst v63  }
0x4b: {  	s31 =	simm.s32 $0xC980;
	s30 =	rddreg [dreg:$0x6]  }
0x4c: {  	[tilespmem:s31], [sflag:$0x2] =	stream.linear.gather [hbm4b:s30+s29], $0xD80, $0x38;
	[tilespmem:$0x15700] =	vst v63  }
.LBB2_10:
0x4d: {  	s0 =	simm.s32 $0x1  }
0x4e: {  	_ =	swait.ge [sflag:s0], $0xD80  }
0x4f: {  	p0 =	seq.s32 s29, $0x0;
	[sflag:s0] =	ssyncset.done $0x0  }
0x50: {  	[sflag:s0] =	ssyncadd.s32 $0xFFFFF280;
	s0 =	simm.s32 @!p0 $0x3  }
0x51: {  	_ =	swait.ge @!p0 [sflag:s0], $0x4000  }
0x52: {  	[sflag:s0] =	ssyncset.done @!p0 $0x0  }
0x53: {  	s30 =	simm.s32 $0xBC10;
	s31 =	simm.s32 $0x0;
	[sflag:s0] =	ssyncadd.s32 @!p0 $0xFFFFC000  }
.LBB2_11:
0x54: {  	v3 =	vld [tilespmem:s30+$0x10]  }
0x55: {  	v5 =	vld [tilespmem:s30+$0xFFFFFFF0];
	_ =	sdelay $0x1  }
0x56: {  	v4 =	vld [tilespmem:s30+$0x0];
	_ =	sdelay $0x4  }
0x57: {  	s1 =	sshll.u32 s31, $0x7;
	s0 =	simm.s32 $0x100;
	s2 =	simm.s32 $0x20;
	v1 =	vld.idx.msk [tilespmem:v3+s3+$0x0], $0xffff  }
0x58: {  	s8 =	sadd.s32 $0x30, s30;
	s19 =	simm.s32 $0x80;
	s21 =	simm.s32 $0x0;
	v2 =	vadd.s32 $0x2EF0, v3;
	v9 =	vld.idx.msk [tilespmem:v5+s3+$0x0], $0xffff  }
0x59: {  	s11 =	simm.s32 $0x0;
	s5 =	sadd.s32 $0xD700, s1;
	s7 =	sand.u32 $0x1C00, s0;
	v8 =	vld [tilespmem:s8+$0x10];
	v11 =	vadd.s32 $0x2EF0, v5  }
0x5a: {  	s6 =	sand.u32 $0x70, s2;
	s12 =	sand.u32 $0xC00, s21;
	s0 =	sadd.s32 s7, s5;
	v6 =	vld.idx.msk [tilespmem:v4+s3+$0x0], $0xffff  }
0x5b: {  	s2 =	sand.u32 $0x70, s11;
	s22 =	sadd.s32 s12, s5;
	s0 =	sadd.s32 s6, s0;
	v7 =	vadd.s32 $0x2EF0, v4  }
0x5c: {  	s9 =	simm.s32 $0x10;
	s10 =	sand.u32 $0x1C00, s19;
	s14 =	sadd.s32 s2, s22;
	[tilespmem:s0+$0x0] =	vst v1  }
0x5d: {  	s9 =	sand.u32 $0x70, s9;
	s20 =	sadd.s32 s10, s5;
	[tilespmem:s14+$0x0] =	vst v9;
	v10 =	vld.idx.msk [tilespmem:v2+s3+$0x0], $0xffff  }
0x5e: {  	s0 =	sadd.s32 s9, s20;
	v11 =	vld.idx.msk [tilespmem:v11+s3+$0x0], $0xffff  }
0x5f: {  	s13 =	sadd.s32 $0xE700, s1;
	v1 =	vld [tilespmem:s8+$0x0];
	[tilespmem:s0+$0x0] =	vst v6;
	v6 =	vadd.s32 $0x5DE0, v3  }
0x60: {  	s24 =	sadd.s32 s7, s13;
	v7 =	vld.idx.msk [tilespmem:v7+s3+$0x0], $0xffff  }
0x61: {  	s17 =	simm.s32 $0x30;
	s16 =	sadd.s32 s12, s13;
	s11 =	sadd.s32 s6, s24;
	v12 =	vadd.s32 $0x5DE0, v5;
	v2 =	vld [tilespmem:s8+$0xFFFFFFF0]  }
0x62: {  	s21 =	simm.s32 $0x200;
	s4 =	sadd.s32 s2, s16;
	v9 =	vadd.s32 $0x5DE0, v4;
	s8 =	sadd.s32 $0x30, s8;
	[tilespmem:s11+$0x0] =	vst v10;
	v10 =	vld.idx.msk [tilespmem:v8+s3+$0x0], $0xffff  }
0x63: {  	s26 =	sadd.s32 s10, s13;
	s16 =	simm.s32 $0x280;
	s22 =	simm.s32 $0x50;
	[tilespmem:s4+$0x0] =	vst v11;
	v11 =	vadd.s32 $0x8CD0, v4;
	v4 =	vld [tilespmem:s8+$0x0]  }
0x64: {  	s22 =	sand.u32 $0x70, s22;
	s0 =	sadd.s32 $0xF700, s1;
	s11 =	sadd.s32 s9, s26;
	v6 =	vld.idx.msk [tilespmem:v6+s3+$0x0], $0xffff  }
0x65: {  	v14 =	vadd.s32 $0x2EF0, v8;
	s20 =	sand.u32 $0x70, s17;
	s1 =	sadd.s32 $0x10700, s1;
	s25 =	sadd.s32 s7, s0;
	[tilespmem:s11+$0x0] =	vst v7;
	v7 =	vadd.s32 $0x8CD0, v3;
	v3 =	vld [tilespmem:s8+$0x10]  }
0x66: {  	s15 =	sadd.s32 s10, s0;
	s14 =	sadd.s32 s6, s25;
	s25 =	sand.u32 $0x1C00, s16;
	v12 =	vld.idx.msk [tilespmem:v12+s3+$0x0], $0xffff  }
0x67: {  	s10 =	sadd.s32 s10, s1;
	s19 =	sadd.s32 s12, s0;
	s26 =	sadd.s32 s25, s5;
	v9 =	vld.idx.msk [tilespmem:v9+s3+$0x0], $0xffff  }
0x68: {  	s12 =	sadd.s32 s12, s1;
	s7 =	sadd.s32 s7, s1;
	s24 =	sadd.s32 s22, s26;
	v13 =	vld.idx.msk [tilespmem:v1+s3+$0x0], $0xffff  }
0x69: {  	s18 =	sadd.s32 s9, s15;
	s15 =	sadd.s32 s2, s12;
	s6 =	sadd.s32 s6, s7;
	v16 =	vadd.s32 $0x2EF0, v1;
	v15 =	vld.idx.msk [tilespmem:v2+s3+$0x0], $0xffff;
	[tilespmem:s24+$0x0] =	vst v10  }
0x6a: {  	s12 =	simm.s32 $0x180;
	s4 =	simm.s32 $0x40;
	s26 =	sand.u32 $0x1C00, s21;
	[tilespmem:s14+$0x0] =	vst v6;
	v6 =	vld.idx.msk [tilespmem:v14+s3+$0x0], $0xffff  }
0x6b: {  	s11 =	sadd.s32 s9, s10;
	s10 =	sand.u32 $0x70, s4;
	s9 =	sadd.s32 s26, s5;
	v17 =	vld.idx.msk [tilespmem:v7+s3+$0x0], $0xffff  }
0x6c: {  	s2 =	sadd.s32 s2, s19;
	s7 =	sand.u32 $0xC00, s12;
	s9 =	sadd.s32 s10, s9;
	v7 =	vadd.s32 $0x8CD0, v5;
	[tilespmem:s18+$0x0] =	vst v9;
	v5 =	vld [tilespmem:s8+$0xFFFFFFF0]  }
0x6d: {  	s16 =	sadd.s32 s25, s0;
	s12 =	simm.s32 $0x400;
	v14 =	vadd.s32 $0x2EF0, v2;
	[tilespmem:s9+$0x0] =	vst v13;
	s18 =	sadd.s32 s7, s5;
	v18 =	vld.idx.msk [tilespmem:v11+s3+$0x0], $0xffff  }
0x6e: {  	s16 =	sadd.s32 s22, s16;
	s4 =	sadd.s32 s26, s0;
	v9 =	vadd.s32 $0x5DE0, v8;
	v16 =	vld.idx.msk [tilespmem:v16+s3+$0x0], $0xffff;
	s21 =	sadd.s32 s20, s18  }
0x6f: {  	s28 =	sadd.s32 s10, s4;
	s24 =	sadd.s32 s26, s13;
	s14 =	sadd.s32 s25, s13;
	v11 =	vld.idx.msk [tilespmem:v4+s3+$0x0], $0xffff;
	[tilespmem:s21+$0x0] =	vst v15;
	v15 =	vadd.s32 $0x5DE0, v1  }
0x70: {  	[tilespmem:s2+$0x0] =	vst v12;
	s2 =	sadd.s32 s10, s24;
	s19 =	sadd.s32 s22, s14;
	s14 =	sadd.s32 s7, s13;
	v13 =	vld.idx.msk [tilespmem:v3+s3+$0x0], $0xffff  }
0x71: {  	s24 =	sadd.s32 s7, s1;
	s9 =	simm.s32 $0x60;
	s14 =	sadd.s32 s20, s14;
	[tilespmem:s19+$0x0] =	vst v6;
	v10 =	vld.idx.msk [tilespmem:v7+s3+$0x0], $0xffff  }
0x72: {  	s18 =	sadd.s32 $0x30, s8;
	s21 =	sadd.s32 s7, s0;
	s19 =	sadd.s32 s26, s1;
	v7 =	vld.idx.msk [tilespmem:v14+s3+$0x0], $0xffff;
	[tilespmem:s6+$0x0] =	vst v17  }
0x73: {  	v12 =	vadd.s32 $0x5DE0, v2;
	s8 =	sadd.s32 s20, s21;
	s26 =	sadd.s32 s25, s1;
	v6 =	vld.idx.msk [tilespmem:v9+s3+$0x0], $0xffff;
	s7 =	sadd.s32 s10, s19;
	[tilespmem:s2+$0x0] =	vst v16  }
0x74: {  	s10 =	sadd.s32 s20, s24;
	s26 =	sadd.s32 s22, s26;
	v9 =	vadd.s32 $0x8CD0, v8;
	s6 =	sand.u32 $0x70, s9;
	v14 =	vadd.s32 $0x2EF0, v3;
	[tilespmem:s11+$0x0] =	vst v18;
	v8 =	vld.idx.msk [tilespmem:v15+s3+$0x0], $0xffff  }
.LBB2_12:
0x75: {  	s2 =	sadd.s32 $0xFFFFFF80, s12;
	s11 =	sadd.s32 $0x50, s17;
	s25 =	sand.u32 $0x1C00, s12  }
0x76: {  	v15 =	vld [tilespmem:s18+$0x10];
	[tilespmem:s15+$0x0] =	vst v10;
	s22 =	smov.u32 s9;
	s15 =	smov.u32 s10;
	s17 =	sadd.s32 $0x40, s17  }
0x77: {  	v10 =	vld.idx.msk [tilespmem:v5+s3+$0x0], $0xffff;
	s11 =	sand.u32 $0x70, s11;
	s10 =	sadd.s32 s25, s5;
	s20 =	sadd.s32 s25, s13;
	[tilespmem:s14+$0x0] =	vst v7;
	v7 =	vadd.s32 $0x8CD0, v1;
	v1 =	vmov v4  }
0x78: {  	s14 =	sadd.s32 s25, s0;
	v16 =	vadd.s32 $0x2EF0, v1;
	s10 =	sadd.s32 s11, s10;
	s20 =	sadd.s32 s11, s20;
	v12 =	vld.idx.msk [tilespmem:v12+s3+$0x0], $0xffff;
	[tilespmem:s16+$0x0] =	vst v6  }
0x79: {  	s21 =	sadd.s32 $0xFFFFFF00, s12;
	s2 =	sand.u32 $0x1C00, s2;
	s16 =	sadd.s32 s11, s14;
	[tilespmem:s10+$0x0] =	vst v13;
	v9 =	vld.idx.msk [tilespmem:v9+s3+$0x0], $0xffff  }
0x7a: {  	s14 =	sadd.s32 s2, s5;
	s10 =	sand.u32 $0x70, s17;
	s17 =	sadd.s32 s2, s13;
	v13 =	vadd.s32 $0x8CD0, v2;
	v2 =	vmov v5;
	v6 =	vld.idx.msk [tilespmem:v14+s3+$0x0], $0xffff  }
0x7b: {  	s9 =	sadd.s32 $0x30, s9;
	s24 =	sadd.s32 s2, s0;
	v14 =	vadd.s32 $0x2EF0, v2;
	s14 =	sadd.s32 s10, s14;
	v4 =	vld [tilespmem:s18+$0x0];
	[tilespmem:s28+$0x0] =	vst v8  }
0x7c: {  	s21 =	sand.u32 $0xC00, s21;
	p1 =	slt.u32 s9, $0x180;
	s28 =	sadd.s32 s10, s24;
	v8 =	vadd.s32 $0x5DE0, v3;
	[tilespmem:s14+$0x0] =	vst v11;
	v11 =	vld.idx.msk [tilespmem:v7+s3+$0x0], $0xffff  }
0x7d: {  	s4 =	sadd.s32 s10, s17;
	s24 =	sadd.s32 s21, s13;
	s14 =	sadd.s32 s21, s5;
	v16 =	vld.idx.msk [tilespmem:v16+s3+$0x0], $0xffff  }
0x7e: {  	s2 =	sadd.s32 s2, s1;
	s17 =	sadd.s32 s6, s14;
	s14 =	sadd.s32 s6, s24;
	v5 =	vld [tilespmem:s18+$0xFFFFFFF0];
	[tilespmem:s8+$0x0] =	vst v12  }
0x7f: {  	v17 =	vadd.s32 $0x5DE0, v1;
	s2 =	sadd.s32 s10, s2;
	s8 =	sadd.s32 s21, s0;
	[tilespmem:s17+$0x0] =	vst v10;
	s17 =	sadd.s32 s21, s1;
	v10 =	vld.idx.msk [tilespmem:v13+s3+$0x0], $0xffff  }
.Ltmp6:
0x80: {  	v7 =	vld.idx.msk [tilespmem:v14+s3+$0x0], $0xffff;
	s10 =	sadd.s32 s6, s17;
	[tilespmem:s20+$0x0] =	vst v6;
	s17 =	sadd.s32 s25, s1;
	(pc) =	sbr.rel @p1 .LBB2_12-.Ltmp6, $4  }
0x81: {  	v6 =	vld.idx.msk [tilespmem:v8+s3+$0x0], $0xffff;
	[tilespmem:s26+$0x0] =	vst v9;
	s26 =	sadd.s32 s11, s17;
	s17 =	smov.u32 s22  }
0x82: {  	v12 =	vadd.s32 $0x5DE0, v2;
	v13 =	vld.idx.msk [tilespmem:v15+s3+$0x0], $0xffff;
	[tilespmem:s7+$0x0] =	vst v11;
	s7 =	smov.u32 s2  }
0x83: {  	s12 =	sadd.s32 $0x180, s12;
	v9 =	vadd.s32 $0x8CD0, v3;
	v3 =	vmov v15;
	v11 =	vld.idx.msk [tilespmem:v4+s3+$0x0], $0xffff;
	[tilespmem:s4+$0x0] =	vst v16  }
0x84: {  	s18 =	sadd.s32 $0x30, s18;
	s8 =	sadd.s32 s6, s8;
	s6 =	sand.u32 $0x70, s9;
	v14 =	vadd.s32 $0x2EF0, v3;
	v8 =	vld.idx.msk [tilespmem:v17+s3+$0x0], $0xffff  }
0x85: {  	_ =	sdelay $0x2  }
0x86: {  	s2 =	sadd.s32 $0x50, s17;
	s9 =	sand.u32 $0x1C00, s12;
	s11 =	sadd.s32 $0xFFFFFF80, s12  }
0x87: {  	v15 =	vld.idx.msk [tilespmem:v5+s3+$0x0], $0xffff;
	v16 =	vadd.s32 $0x2EF0, v4;
	s20 =	sadd.s32 $0x40, s17;
	s21 =	sadd.s32 $0xFFFFFF00, s12;
	s2 =	sand.u32 $0x70, s2  }
0x88: {  	v17 =	vadd.s32 $0x2EF0, v5;
	s4 =	sadd.s32 s9, s5;
	s11 =	sand.u32 $0x1C00, s11;
	s17 =	sand.u32 $0x70, s20  }
0x89: {  	s12 =	sand.u32 $0xC00, s21;
	s4 =	sadd.s32 s2, s4;
	s18 =	sadd.s32 s11, s5  }
0x8a: {  	s24 =	sadd.s32 s12, s5;
	[tilespmem:s4+$0x0] =	vst v13;
	s22 =	sadd.s32 s17, s18  }
0x8b: {  	s25 =	sadd.s32 s6, s24;
	v13 =	vld.idx.msk [tilespmem:v14+s3+$0x0], $0xffff;
	[tilespmem:s22+$0x0] =	vst v11  }
0x8c: {  	v55 =	vadd.s32 $0x5DE0, v3;
	v56 =	vld.idx.msk [tilespmem:v16+s3+$0x0], $0xffff;
	[tilespmem:s25+$0x0] =	vst v15  }
0x8d: {  	v57 =	vadd.s32 $0x5DE0, v4;
	v58 =	vld.idx.msk [tilespmem:v17+s3+$0x0], $0xffff  }
0x8e: {  	[tilespmem:s15+$0x0] =	vst v10;
	v59 =	vadd.s32 $0x5DE0, v5;
	s5 =	sadd.s32 s9, s13  }
0x8f: {  	[tilespmem:s14+$0x0] =	vst v7;
	s15 =	sadd.s32 s11, s13;
	s4 =	sadd.s32 s2, s5  }
0x90: {  	v1 =	vadd.s32 $0x8CD0, v1;
	v7 =	vld.idx.msk [tilespmem:v12+s3+$0x0], $0xffff;
	s18 =	sadd.s32 s12, s13;
	s5 =	sadd.s32 s17, s15;
	[tilespmem:s4+$0x0] =	vst v13  }
0x91: {  	v2 =	vadd.s32 $0x8CD0, v2;
	s4 =	sadd.s32 s6, s18;
	v11 =	vld.idx.msk [tilespmem:v55+s3+$0x0], $0xffff;
	[tilespmem:s5+$0x0] =	vst v56  }
0x92: {  	v3 =	vadd.s32 $0x8CD0, v3;
	v60 =	vld.idx.msk [tilespmem:v57+s3+$0x0], $0xffff;
	[tilespmem:s4+$0x0] =	vst v58  }
0x93: {  	v61 =	vadd.s32 $0x8CD0, v4;
	[tilespmem:s16+$0x0] =	vst v6;
	v62 =	vld.idx.msk [tilespmem:v59+s3+$0x0], $0xffff  }
0x94: {  	v63 =	vadd.s32 $0x8CD0, v5;
	s19 =	sadd.s32 s9, s0;
	v9 =	vld.idx.msk [tilespmem:v9+s3+$0x0], $0xffff;
	[tilespmem:s28+$0x0] =	vst v8  }
0x95: {  	s20 =	sadd.s32 s11, s0;
	v1 =	vld.idx.msk [tilespmem:v1+s3+$0x0], $0xffff;
	[tilespmem:s8+$0x0] =	vst v7;
	s4 =	sadd.s32 s2, s19  }
0x96: {  	s21 =	sadd.s32 s12, s0;
	v2 =	vld.idx.msk [tilespmem:v2+s3+$0x0], $0xffff;
	s5 =	sadd.s32 s17, s20;
	[tilespmem:s4+$0x0] =	vst v11  }
0x97: {  	s0 =	sadd.s32 s6, s21;
	v3 =	vld.idx.msk [tilespmem:v3+s3+$0x0], $0xffff;
	[tilespmem:s5+$0x0] =	vst v60  }
0x98: {  	s31 =	sadd.s32 $0x1, s31;
	v4 =	vld.idx.msk [tilespmem:v61+s3+$0x0], $0xffff;
	[tilespmem:s0+$0x0] =	vst v62  }
0x99: {  	p1 =	sne.s32 s31, $0x8;
	[tilespmem:s26+$0x0] =	vst v9;
	v5 =	vld.idx.msk [tilespmem:v63+s3+$0x0], $0xffff  }
.Ltmp7:
0x9a: {  	s22 =	sadd.s32 s9, s1;
	[tilespmem:s7+$0x0] =	vst v1;
	(pc) =	sbr.rel @p1 .LBB2_11-.Ltmp7, $4  }
0x9b: {  	s24 =	sadd.s32 s11, s1;
	[tilespmem:s10+$0x0] =	vst v2;
	s0 =	sadd.s32 s2, s22  }
0x9c: {  	s25 =	sadd.s32 s12, s1;
	s26 =	sadd.s32 s17, s24;
	[tilespmem:s0+$0x0] =	vst v3  }
0x9d: {  	s28 =	sadd.s32 s6, s25;
	[tilespmem:s26+$0x0] =	vst v4  }
0x9e: {  	s30 =	sadd.s32 $0x1B0, s30;
	[tilespmem:s28+$0x0] =	vst v5  }
0x9f: {  	p1 =	sne.s32 s29, $0x1A  }
.Ltmp8:
0xa0: {  	s30 =	sshll.u32 s29, $0xD;
	s0 =	rddreg [dreg:$0x7];
	(pc) =	sbr.rel @p1 .LBB2_16-.Ltmp8, $4  }
0xa1: {  	s0 =	sadd.s32 s0, s30  }
0xa2: {  	s1 =	rddreg [dreg:$0x1];
	s31 =	simm.s32 $0x1000;
	s0 =	sshrl.u32 s0, $0x3  }
0xa3: {  	s2 =	simm.s32 $0x36000;
	s4 =	simm.s32 $0xD700;
	s0 =	sadd.s32 s1, s0  }
0xa4: {  	[hbm4b:s0+s31] =	stream.strided.scatter [tilespmem:s4], [sflag:$0x3], $0x4000, s2, s31, $0x38;
	[tilespmem:$0x15700] =	vst v63  }
.Ltmp9:
0xa5: {  	(pc) =	sbr.rel .LBB2_17-.Ltmp9, $4  }
0xa6: {  	_ = 	snop  }
0xa7: {  	_ =	swait.ge [sflag:s23], $0xD80  }
0xa8: {  	[sflag:s23] =	ssyncset.done $0x0  }
0xa9: {  	[sflag:s23] =	ssyncadd.s32 $0xFFFFF280  }
.LBB2_16:
0xaa: {  	s0 =	smul.u32 $0x1B00, s29  }
0xab: {  	s1 =	rddreg [dreg:$0x8]  }
0xac: {  	s0 =	sadd.s32 s0, s1  }
0xad: {  	s28 =	rddreg [dreg:$0x3];
	s0 =	sshrl.u32 s0, $0x3  }
.Ltmp10:
0xae: {  	s31 =	simm.s32 $0xBC00;
	s0 =	sadd.s32 s28, s0;
	(pc) =	sbr.rel @p0 .LBB2_18-.Ltmp10, $4  }
0xaf: {  	[tilespmem:s31], [sflag:$0x1] =	stream.linear.gather [hbm4b:s0+s3], $0xD80, $0x38;
	[tilespmem:$0x15700] =	vst v63  }
0xb0: {  	_ =	swait.ge [sflag:s23], $0xD80  }
0xb1: {  	[sflag:s23] =	ssyncset.done $0x0  }
0xb2: {  	[sflag:s23] =	ssyncadd.s32 $0xFFFFF280  }
.LBB2_17:
0xb3: {  	s0 =	simm.s32 $0x4  }
0xb4: {  	_ =	swait.ge [sflag:s0], $0x4000  }
0xb5: {  	[sflag:s0] =	ssyncset.done $0x0  }
0xb6: {  	[sflag:s0] =	ssyncadd.s32 $0xFFFFC000  }
.LBB2_18:
0xb7: {  	s31 =	simm.s32 $0x0;
	s1 =	simm.s32 $0xC990  }
.LBB2_19:
0xb8: {  	v3 =	vld [tilespmem:s1+$0x10];
	_ =	sdelay $0x1  }
0xb9: {  	v4 =	vld [tilespmem:s1+$0x0];
	_ =	sdelay $0x1  }
0xba: {  	v5 =	vld [tilespmem:s1+$0xFFFFFFF0];
	_ =	sdelay $0x3  }
0xbb: {  	v1 =	vld.idx.msk [tilespmem:v3+s3+$0x0], $0xffff  }
0xbc: {  	s0 =	sshll.u32 s31, $0x7;
	s2 =	simm.s32 $0x100;
	s4 =	simm.s32 $0x20;
	v2 =	vadd.s32 $0x2EF0, v3  }
0xbd: {  	s7 =	sadd.s32 $0x30, s1;
	s13 =	sadd.s32 $0x11700, s0;
	s8 =	sand.u32 $0x1C00, s2;
	v6 =	vld.idx.msk [tilespmem:v4+s3+$0x0], $0xffff  }
0xbe: {  	s17 =	simm.s32 $0x80;
	s6 =	sand.u32 $0x70, s4;
	v8 =	vld [tilespmem:s7+$0x10];
	s2 =	sadd.s32 s8, s13;
	v7 =	vadd.s32 $0x2EF0, v4  }
0xbf: {  	s5 =	simm.s32 $0x10;
	s4 =	sand.u32 $0x1C00, s17;
	s2 =	sadd.s32 s6, s2;
	v9 =	vld.idx.msk [tilespmem:v5+s3+$0x0], $0xffff  }
0xc0: {  	s19 =	simm.s32 $0x0;
	s11 =	sand.u32 $0x70, s5;
	s18 =	sadd.s32 s4, s13;
	v11 =	vadd.s32 $0x2EF0, v5;
	[tilespmem:s2+$0x0] =	vst v1;
	v1 =	vld [tilespmem:s7+$0x0]  }
0xc1: {  	s9 =	simm.s32 $0x0;
	s12 =	sand.u32 $0xC00, s19;
	s2 =	sadd.s32 s11, s18;
	v10 =	vld.idx.msk [tilespmem:v2+s3+$0x0], $0xffff  }
0xc2: {  	s5 =	sadd.s32 s12, s13;
	[tilespmem:s2+$0x0] =	vst v6;
	v6 =	vadd.s32 $0x5DE0, v3;
	s2 =	sand.u32 $0x70, s9;
	v2 =	vld [tilespmem:s7+$0xFFFFFFF0]  }
0xc3: {  	s15 =	sadd.s32 $0x12700, s0;
	v7 =	vld.idx.msk [tilespmem:v7+s3+$0x0], $0xffff;
	s10 =	sadd.s32 s2, s5  }
0xc4: {  	s20 =	sadd.s32 s8, s15;
	[tilespmem:s10+$0x0] =	vst v9  }
0xc5: {  	s25 =	simm.s32 $0x280;
	s26 =	simm.s32 $0x50;
	s9 =	sadd.s32 s6, s20;
	v9 =	vadd.s32 $0x5DE0, v4;
	v11 =	vld.idx.msk [tilespmem:v11+s3+$0x0], $0xffff  }
0xc6: {  	s19 =	simm.s32 $0x200;
	s22 =	sadd.s32 s4, s15;
	s16 =	sadd.s32 s12, s15;
	[tilespmem:s9+$0x0] =	vst v10;
	v10 =	vld.idx.msk [tilespmem:v8+s3+$0x0], $0xffff  }
0xc7: {  	s17 =	sadd.s32 s11, s22;
	s22 =	sand.u32 $0x70, s26;
	s10 =	sadd.s32 $0x30, s7;
	v6 =	vld.idx.msk [tilespmem:v6+s3+$0x0], $0xffff  }
0xc8: {  	v12 =	vadd.s32 $0x5DE0, v5;
	s5 =	sadd.s32 $0x13700, s0;
	s0 =	sadd.s32 $0x14700, s0;
	s16 =	sadd.s32 s2, s16;
	[tilespmem:s17+$0x0] =	vst v7;
	v7 =	vadd.s32 $0x8CD0, v3;
	v3 =	vld [tilespmem:s10+$0x10]  }
0xc9: {  	v14 =	vadd.s32 $0x2EF0, v8;
	s21 =	sadd.s32 s8, s5;
	s24 =	sadd.s32 s4, s5;
	s4 =	sadd.s32 s4, s0;
	v13 =	vld.idx.msk [tilespmem:v1+s3+$0x0], $0xffff  }
0xca: {  	s20 =	sadd.s32 s12, s5;
	s14 =	sadd.s32 s6, s21;
	s21 =	sand.u32 $0x1C00, s25;
	v9 =	vld.idx.msk [tilespmem:v9+s3+$0x0], $0xffff  }
0xcb: {  	s12 =	sadd.s32 s12, s0;
	s8 =	sadd.s32 s8, s0;
	s17 =	sadd.s32 s21, s13;
	v15 =	vld.idx.msk [tilespmem:v2+s3+$0x0], $0xffff  }
0xcc: {  	s18 =	sadd.s32 s11, s24;
	s11 =	sadd.s32 s11, s4;
	s24 =	sadd.s32 s22, s17;
	[tilespmem:s16+$0x0] =	vst v11;
	v11 =	vadd.s32 $0x8CD0, v4;
	v4 =	vld [tilespmem:s10+$0x0]  }
0xcd: {  	s7 =	sadd.s32 s2, s12;
	s25 =	simm.s32 $0x40;
	s4 =	sand.u32 $0x1C00, s19;
	v16 =	vadd.s32 $0x2EF0, v1;
	v12 =	vld.idx.msk [tilespmem:v12+s3+$0x0], $0xffff;
	[tilespmem:s24+$0x0] =	vst v10  }
0xce: {  	s2 =	sadd.s32 s2, s20;
	s12 =	sand.u32 $0x70, s25;
	s26 =	sadd.s32 s4, s13;
	[tilespmem:s14+$0x0] =	vst v6;
	v6 =	vld.idx.msk [tilespmem:v14+s3+$0x0], $0xffff  }
0xcf: {  	s19 =	sadd.s32 s21, s15;
	s16 =	sadd.s32 s6, s8;
	s8 =	simm.s32 $0x180;
	v17 =	vld.idx.msk [tilespmem:v7+s3+$0x0], $0xffff  }
0xd0: {  	s9 =	simm.s32 $0x30;
	s17 =	sadd.s32 s12, s26;
	s6 =	sand.u32 $0xC00, s8;
	v7 =	vadd.s32 $0x8CD0, v5;
	[tilespmem:s18+$0x0] =	vst v9;
	v5 =	vld [tilespmem:s10+$0xFFFFFFF0]  }
0xd1: {  	s20 =	sadd.s32 s21, s5;
	s24 =	sand.u32 $0x70, s9;
	s25 =	sadd.s32 s6, s13;
	v14 =	vadd.s32 $0x2EF0, v2;
	[tilespmem:s17+$0x0] =	vst v13;
	v18 =	vld.idx.msk [tilespmem:v11+s3+$0x0], $0xffff  }
0xd2: {  	s26 =	sadd.s32 s22, s20;
	s20 =	sadd.s32 s4, s5;
	v9 =	vadd.s32 $0x5DE0, v8;
	s17 =	sadd.s32 s24, s25;
	v16 =	vld.idx.msk [tilespmem:v16+s3+$0x0], $0xffff  }
0xd3: {  	s8 =	simm.s32 $0x60;
	s14 =	simm.s32 $0x400;
	s18 =	sadd.s32 s22, s19;
	[tilespmem:s17+$0x0] =	vst v15;
	v15 =	vadd.s32 $0x5DE0, v1;
	v13 =	vld.idx.msk [tilespmem:v3+s3+$0x0], $0xffff  }
0xd4: {  	s19 =	sadd.s32 s4, s15;
	s25 =	sadd.s32 s6, s15;
	s4 =	sadd.s32 s4, s0;
	[tilespmem:s2+$0x0] =	vst v12;
	v11 =	vld.idx.msk [tilespmem:v4+s3+$0x0], $0xffff  }
0xd5: {  	s17 =	sadd.s32 s12, s20;
	s20 =	sadd.s32 s6, s5;
	s2 =	sadd.s32 s12, s19;
	[tilespmem:s18+$0x0] =	vst v6;
	v10 =	vld.idx.msk [tilespmem:v7+s3+$0x0], $0xffff  }
0xd6: {  	s19 =	sadd.s32 s6, s0;
	s18 =	sadd.s32 s24, s25;
	s25 =	sadd.s32 s21, s0;
	v7 =	vld.idx.msk [tilespmem:v14+s3+$0x0], $0xffff;
	[tilespmem:s16+$0x0] =	vst v17  }
0xd7: {  	s6 =	sadd.s32 s12, s4;
	v12 =	vadd.s32 $0x5DE0, v2;
	s12 =	sadd.s32 s24, s19;
	v6 =	vld.idx.msk [tilespmem:v9+s3+$0x0], $0xffff;
	s28 =	sadd.s32 s22, s25;
	[tilespmem:s2+$0x0] =	vst v16  }
0xd8: {  	v9 =	vadd.s32 $0x8CD0, v8;
	s16 =	sand.u32 $0x70, s8;
	v14 =	vadd.s32 $0x2EF0, v3;
	s22 =	sadd.s32 $0x30, s10;
	s10 =	sadd.s32 s24, s20;
	[tilespmem:s11+$0x0] =	vst v18;
	v8 =	vld.idx.msk [tilespmem:v15+s3+$0x0], $0xffff  }
.LBB2_20:
0xd9: {  	s4 =	sadd.s32 $0xFFFFFF80, s14;
	s2 =	sadd.s32 $0x50, s9;
	s11 =	sand.u32 $0x1C00, s14  }
0xda: {  	v15 =	vld [tilespmem:s22+$0x10];
	[tilespmem:s7+$0x0] =	vst v10;
	s25 =	smov.u32 s8;
	s7 =	smov.u32 s12;
	s9 =	sadd.s32 $0x40, s9  }
0xdb: {  	v10 =	vld.idx.msk [tilespmem:v5+s3+$0x0], $0xffff;
	s2 =	sand.u32 $0x70, s2;
	s12 =	sadd.s32 s11, s13;
	s20 =	sadd.s32 s11, s15;
	[tilespmem:s18+$0x0] =	vst v7;
	v7 =	vadd.s32 $0x8CD0, v1;
	v1 =	vmov v4  }
0xdc: {  	s18 =	sadd.s32 s11, s5;
	v16 =	vadd.s32 $0x2EF0, v1;
	s12 =	sadd.s32 s2, s12;
	s20 =	sadd.s32 s2, s20;
	v12 =	vld.idx.msk [tilespmem:v12+s3+$0x0], $0xffff;
	[tilespmem:s26+$0x0] =	vst v6  }
0xdd: {  	s21 =	sadd.s32 $0xFFFFFF00, s14;
	s4 =	sand.u32 $0x1C00, s4;
	s26 =	sadd.s32 s2, s18;
	[tilespmem:s12+$0x0] =	vst v13;
	v9 =	vld.idx.msk [tilespmem:v9+s3+$0x0], $0xffff  }
0xde: {  	s9 =	sand.u32 $0x70, s9;
	s18 =	sadd.s32 s4, s15;
	s12 =	sadd.s32 s4, s13;
	v13 =	vadd.s32 $0x8CD0, v2;
	v2 =	vmov v5;
	v6 =	vld.idx.msk [tilespmem:v14+s3+$0x0], $0xffff  }
0xdf: {  	s8 =	sadd.s32 $0x30, s8;
	s24 =	sadd.s32 s4, s5;
	v14 =	vadd.s32 $0x2EF0, v2;
	s12 =	sadd.s32 s9, s12;
	v4 =	vld [tilespmem:s22+$0x0];
	[tilespmem:s17+$0x0] =	vst v8  }
0xe0: {  	s21 =	sand.u32 $0xC00, s21;
	p0 =	slt.u32 s8, $0x180;
	s17 =	sadd.s32 s9, s24;
	v8 =	vadd.s32 $0x5DE0, v3;
	[tilespmem:s12+$0x0] =	vst v11;
	v11 =	vld.idx.msk [tilespmem:v7+s3+$0x0], $0xffff  }
0xe1: {  	s19 =	sadd.s32 s9, s18;
	s24 =	sadd.s32 s21, s15;
	s12 =	sadd.s32 s21, s13;
	v16 =	vld.idx.msk [tilespmem:v16+s3+$0x0], $0xffff  }
0xe2: {  	s4 =	sadd.s32 s4, s0;
	s18 =	sadd.s32 s16, s24;
	s12 =	sadd.s32 s16, s12;
	v5 =	vld [tilespmem:s22+$0xFFFFFFF0];
	[tilespmem:s10+$0x0] =	vst v12  }
0xe3: {  	v17 =	vadd.s32 $0x5DE0, v1;
	s4 =	sadd.s32 s9, s4;
	s10 =	sadd.s32 s21, s5;
	[tilespmem:s12+$0x0] =	vst v10;
	s12 =	sadd.s32 s21, s0;
	v10 =	vld.idx.msk [tilespmem:v13+s3+$0x0], $0xffff  }
.Ltmp11:
0xe4: {  	s9 =	sadd.s32 s11, s0;
	v7 =	vld.idx.msk [tilespmem:v14+s3+$0x0], $0xffff;
	s12 =	sadd.s32 s16, s12;
	[tilespmem:s20+$0x0] =	vst v6;
	(pc) =	sbr.rel @p0 .LBB2_20-.Ltmp11, $4  }
0xe5: {  	v6 =	vld.idx.msk [tilespmem:v8+s3+$0x0], $0xffff;
	[tilespmem:s28+$0x0] =	vst v9;
	s28 =	sadd.s32 s2, s9;
	s9 =	smov.u32 s25  }
0xe6: {  	v12 =	vadd.s32 $0x5DE0, v2;
	v13 =	vld.idx.msk [tilespmem:v15+s3+$0x0], $0xffff;
	[tilespmem:s6+$0x0] =	vst v11;
	s6 =	smov.u32 s4  }
0xe7: {  	s14 =	sadd.s32 $0x180, s14;
	v9 =	vadd.s32 $0x8CD0, v3;
	v3 =	vmov v15;
	v11 =	vld.idx.msk [tilespmem:v4+s3+$0x0], $0xffff;
	[tilespmem:s19+$0x0] =	vst v16  }
0xe8: {  	s22 =	sadd.s32 $0x30, s22;
	s10 =	sadd.s32 s16, s10;
	s16 =	sand.u32 $0x70, s8;
	v14 =	vadd.s32 $0x2EF0, v3;
	v8 =	vld.idx.msk [tilespmem:v17+s3+$0x0], $0xffff  }
0xe9: {  	_ =	sdelay $0x2  }
0xea: {  	s2 =	sadd.s32 $0x50, s9;
	s8 =	sand.u32 $0x1C00, s14;
	s11 =	sadd.s32 $0xFFFFFF80, s14  }
0xeb: {  	v15 =	vld.idx.msk [tilespmem:v5+s3+$0x0], $0xffff;
	v16 =	vadd.s32 $0x2EF0, v4;
	s20 =	sadd.s32 $0x40, s9;
	s21 =	sadd.s32 $0xFFFFFF00, s14;
	s2 =	sand.u32 $0x70, s2  }
0xec: {  	v17 =	vadd.s32 $0x2EF0, v5;
	s4 =	sadd.s32 s8, s13;
	s11 =	sand.u32 $0x1C00, s11;
	s9 =	sand.u32 $0x70, s20  }
0xed: {  	s14 =	sand.u32 $0xC00, s21;
	s4 =	sadd.s32 s2, s4;
	s19 =	sadd.s32 s11, s13  }
0xee: {  	s24 =	sadd.s32 s14, s13;
	[tilespmem:s4+$0x0] =	vst v13;
	s22 =	sadd.s32 s9, s19  }
0xef: {  	s25 =	sadd.s32 s16, s24;
	v13 =	vld.idx.msk [tilespmem:v14+s3+$0x0], $0xffff;
	[tilespmem:s22+$0x0] =	vst v11  }
0xf0: {  	v55 =	vadd.s32 $0x5DE0, v3;
	v56 =	vld.idx.msk [tilespmem:v16+s3+$0x0], $0xffff;
	[tilespmem:s25+$0x0] =	vst v15  }
0xf1: {  	v57 =	vadd.s32 $0x5DE0, v4;
	v58 =	vld.idx.msk [tilespmem:v17+s3+$0x0], $0xffff  }
0xf2: {  	[tilespmem:s7+$0x0] =	vst v10;
	v59 =	vadd.s32 $0x5DE0, v5;
	s7 =	sadd.s32 s8, s15  }
0xf3: {  	[tilespmem:s18+$0x0] =	vst v7;
	s13 =	sadd.s32 s11, s15;
	s4 =	sadd.s32 s2, s7  }
0xf4: {  	v1 =	vadd.s32 $0x8CD0, v1;
	v7 =	vld.idx.msk [tilespmem:v12+s3+$0x0], $0xffff;
	s18 =	sadd.s32 s14, s15;
	s7 =	sadd.s32 s9, s13;
	[tilespmem:s4+$0x0] =	vst v13  }
0xf5: {  	v2 =	vadd.s32 $0x8CD0, v2;
	s4 =	sadd.s32 s16, s18;
	v11 =	vld.idx.msk [tilespmem:v55+s3+$0x0], $0xffff;
	[tilespmem:s7+$0x0] =	vst v56  }
0xf6: {  	v3 =	vadd.s32 $0x8CD0, v3;
	v60 =	vld.idx.msk [tilespmem:v57+s3+$0x0], $0xffff;
	[tilespmem:s4+$0x0] =	vst v58  }
0xf7: {  	v61 =	vadd.s32 $0x8CD0, v4;
	[tilespmem:s26+$0x0] =	vst v6;
	v62 =	vld.idx.msk [tilespmem:v59+s3+$0x0], $0xffff  }
0xf8: {  	v63 =	vadd.s32 $0x8CD0, v5;
	v9 =	vld.idx.msk [tilespmem:v9+s3+$0x0], $0xffff;
	s19 =	sadd.s32 s8, s5;
	[tilespmem:s17+$0x0] =	vst v8  }
0xf9: {  	s20 =	sadd.s32 s11, s5;
	v1 =	vld.idx.msk [tilespmem:v1+s3+$0x0], $0xffff;
	[tilespmem:s10+$0x0] =	vst v7;
	s4 =	sadd.s32 s2, s19  }
0xfa: {  	s21 =	sadd.s32 s14, s5;
	v2 =	vld.idx.msk [tilespmem:v2+s3+$0x0], $0xffff;
	s7 =	sadd.s32 s9, s20;
	[tilespmem:s4+$0x0] =	vst v11  }
0xfb: {  	s22 =	sadd.s32 s16, s21;
	v3 =	vld.idx.msk [tilespmem:v3+s3+$0x0], $0xffff;
	[tilespmem:s7+$0x0] =	vst v60  }
0xfc: {  	s31 =	sadd.s32 $0x1, s31;
	v4 =	vld.idx.msk [tilespmem:v61+s3+$0x0], $0xffff;
	[tilespmem:s22+$0x0] =	vst v62  }
0xfd: {  	p0 =	sne.s32 s31, $0x8;
	[tilespmem:s28+$0x0] =	vst v9;
	v5 =	vld.idx.msk [tilespmem:v63+s3+$0x0], $0xffff  }
.Ltmp12:
0xfe: {  	s24 =	sadd.s32 s8, s0;
	[tilespmem:s6+$0x0] =	vst v1;
	(pc) =	sbr.rel @p0 .LBB2_19-.Ltmp12, $4  }
0xff: {  	s25 =	sadd.s32 s11, s0;
	s2 =	sadd.s32 s2, s24;
	[tilespmem:s12+$0x0] =	vst v2  }
0x100: {  	s26 =	sadd.s32 s14, s0;
	s28 =	sadd.s32 s9, s25;
	[tilespmem:s2+$0x0] =	vst v3  }
0x101: {  	s0 =	sadd.s32 s16, s26;
	[tilespmem:s28+$0x0] =	vst v4  }
0x102: {  	s1 =	sadd.s32 $0x1B0, s1;
	[tilespmem:s0+$0x0] =	vst v5  }
0x103: {  	p0 =	seq.s32 s29, $0x1A  }
.Ltmp13:
0x104: {  	s0 =	rddreg [dreg:$0x9];
	(pc) =	sbr.rel @p0 .LBB2_24-.Ltmp13, $4  }
0x105: {  	s0 =	sadd.s32 s30, s0  }
0x106: {  	s1 =	rddreg [dreg:$0x1];
	s31 =	simm.s32 $0x1000;
	s0 =	sshrl.u32 s0, $0x3  }
0x107: {  	s2 =	simm.s32 $0x36000;
	s4 =	simm.s32 $0x11700;
	s0 =	sadd.s32 s1, s0  }
0x108: {  	[hbm4b:s0+s31] =	stream.strided.scatter [tilespmem:s4], [sflag:$0x4], $0x4000, s2, s31, $0x38;
	[tilespmem:$0x15700] =	vst v63  }
0x109: {  	s0 =	smul.u32 $0x1B00, s29  }
.Ltmp14:
0x10a: {  	s1 =	rddreg [dreg:$0xa];
	(pc) =	sbr.rel .LBB2_10-.Ltmp14, $4  }
0x10b: {  	s0 =	sadd.s32 s0, s1  }
0x10c: {  	s30 =	rddreg [dreg:$0x3];
	s0 =	sshrl.u32 s0, $0x3  }
0x10d: {  	s31 =	simm.s32 $0xC980;
	s29 =	sadd.s32 $0x1, s29;
	s0 =	sadd.s32 s30, s0  }
0x10e: {  	[tilespmem:s31], [sflag:$0x2] =	stream.linear.gather [hbm4b:s0+s3], $0xD80, $0x38;
	[tilespmem:$0x15700] =	vst v63  }
.LBB2_24:
0x10f: {  	s0 =	simm.s32 $0x3  }
0x110: {  	_ =	swait.ge [sflag:s0], $0x4000  }
0x111: {  	[sflag:s0] =	ssyncset.done $0x0  }
0x112: {  	s24 =	simm.s32 $0x4;
	[sflag:s0] =	ssyncadd.s32 $0xFFFFC000  }
0x113: {  	_ =	swait.ge [sflag:s24], $0x4000  }
0x114: {  	s29 =	simm.s32 $0x0;
	[sflag:s24] =	ssyncset.done $0x0  }
0x115: {  	s26 =	simm.s32 $0x5;
	s25 =	rddreg [dreg:$0xc];
	[sflag:s24] =	ssyncadd.s32 $0xFFFFC000  }
0x116: {  	[tilespmem:s29], [sflag:$0x5] =	stream.linear.gather [hbm4b:s25+s29], $0xBBC0, $0x38;
	[tilespmem:$0x15700] =	vst v63  }
0x117: {  	_ =	swait.ge [sflag:s26], $0xBBC0  }
0x118: {  	[sflag:s26] =	ssyncset.done $0x0  }
0x119: {  	s1 =	simm.s32 $0xBC00;
	s28 =	rddreg [dreg:$0x5];
	[sflag:s26] =	ssyncadd.s32 $0xFFFF4440  }
0x11a: {  	[tilespmem:s1], [sflag:$0x1] =	stream.linear.gather [hbm4b:s28+s29], $0xD80, $0x38;
	[tilespmem:$0x15700] =	vst v63  }
0x11b: {  	s31 =	simm.s32 $0xC980;
	s30 =	rddreg [dreg:$0x6]  }
0x11c: {  	[tilespmem:s31], [sflag:$0x2] =	stream.linear.gather [hbm4b:s30+s29], $0xD80, $0x38;
	[tilespmem:$0x15700] =	vst v63  }
.LBB2_25:
0x11d: {  	s0 =	simm.s32 $0x1  }
0x11e: {  	_ =	swait.ge [sflag:s0], $0xD80  }
0x11f: {  	p0 =	seq.s32 s29, $0x0;
	[sflag:s0] =	ssyncset.done $0x0  }
0x120: {  	[sflag:s0] =	ssyncadd.s32 $0xFFFFF280;
	s0 =	simm.s32 @!p0 $0x3  }
0x121: {  	_ =	swait.ge @!p0 [sflag:s0], $0x4000  }
0x122: {  	[sflag:s0] =	ssyncset.done @!p0 $0x0  }
0x123: {  	s30 =	simm.s32 $0xBC10;
	s1 =	simm.s32 $0x0;
	[sflag:s0] =	ssyncadd.s32 @!p0 $0xFFFFC000  }
.LBB2_26:
0x124: {  	v3 =	vld [tilespmem:s30+$0x10];
	_ =	sdelay $0x1  }
0x125: {  	v4 =	vld [tilespmem:s30+$0x0];
	_ =	sdelay $0x1  }
0x126: {  	v5 =	vld [tilespmem:s30+$0xFFFFFFF0];
	_ =	sdelay $0x3  }
0x127: {  	v1 =	vld.idx.msk [tilespmem:v3+s3+$0x0], $0xffff  }
0x128: {  	s0 =	sshll.u32 s1, $0x7;
	s2 =	simm.s32 $0x100;
	s4 =	simm.s32 $0x20;
	v2 =	vadd.s32 $0x2EF0, v3  }
0x129: {  	s7 =	sadd.s32 $0x30, s30;
	s13 =	sadd.s32 $0xD700, s0;
	s8 =	sand.u32 $0x1C00, s2;
	v6 =	vld.idx.msk [tilespmem:v4+s3+$0x0], $0xffff  }
0x12a: {  	s12 =	simm.s32 $0x80;
	s6 =	sand.u32 $0x70, s4;
	v8 =	vld [tilespmem:s7+$0x10];
	s2 =	sadd.s32 s8, s13;
	v7 =	vadd.s32 $0x2EF0, v4  }
0x12b: {  	s5 =	simm.s32 $0x10;
	s4 =	sand.u32 $0x1C00, s12;
	s2 =	sadd.s32 s6, s2;
	v9 =	vld.idx.msk [tilespmem:v5+s3+$0x0], $0xffff  }
0x12c: {  	s15 =	simm.s32 $0x0;
	s11 =	sand.u32 $0x70, s5;
	s14 =	sadd.s32 s4, s13;
	v11 =	vadd.s32 $0x2EF0, v5;
	[tilespmem:s2+$0x0] =	vst v1;
	v1 =	vld [tilespmem:s7+$0x0]  }
0x12d: {  	s9 =	simm.s32 $0x0;
	s12 =	sand.u32 $0xC00, s15;
	s2 =	sadd.s32 s11, s14;
	v10 =	vld.idx.msk [tilespmem:v2+s3+$0x0], $0xffff  }
0x12e: {  	s5 =	sadd.s32 s12, s13;
	[tilespmem:s2+$0x0] =	vst v6;
	v6 =	vadd.s32 $0x5DE0, v3;
	s2 =	sand.u32 $0x70, s9;
	v2 =	vld [tilespmem:s7+$0xFFFFFFF0]  }
0x12f: {  	s15 =	sadd.s32 $0xE700, s0;
	v7 =	vld.idx.msk [tilespmem:v7+s3+$0x0], $0xffff;
	s10 =	sadd.s32 s2, s5  }
0x130: {  	s16 =	sadd.s32 s8, s15;
	[tilespmem:s10+$0x0] =	vst v9  }
0x131: {  	s20 =	simm.s32 $0x280;
	s9 =	sadd.s32 s6, s16;
	s5 =	sadd.s32 $0xF700, s0;
	v9 =	vadd.s32 $0x5DE0, v4;
	v11 =	vld.idx.msk [tilespmem:v11+s3+$0x0], $0xffff  }
0x132: {  	s21 =	simm.s32 $0x50;
	s18 =	sadd.s32 s4, s15;
	s17 =	sadd.s32 s8, s5;
	[tilespmem:s9+$0x0] =	vst v10;
	v10 =	vld.idx.msk [tilespmem:v8+s3+$0x0], $0xffff  }
0x133: {  	s10 =	sadd.s32 $0x30, s7;
	s14 =	sadd.s32 s6, s17;
	s17 =	sadd.s32 s11, s18;
	v6 =	vld.idx.msk [tilespmem:v6+s3+$0x0], $0xffff  }
0x134: {  	s24 =	simm.s32 $0x200;
	s26 =	simm.s32 $0x40;
	s20 =	sand.u32 $0x1C00, s20;
	v12 =	vadd.s32 $0x5DE0, v5;
	[tilespmem:s17+$0x0] =	vst v7;
	v7 =	vadd.s32 $0x8CD0, v3;
	v3 =	vld [tilespmem:s10+$0x10]  }
0x135: {  	s21 =	sand.u32 $0x70, s21;
	s22 =	sadd.s32 s20, s13;
	v14 =	vadd.s32 $0x2EF0, v8;
	s16 =	sadd.s32 s12, s15;
	v13 =	vld.idx.msk [tilespmem:v1+s3+$0x0], $0xffff  }
0x136: {  	s25 =	sadd.s32 s21, s22;
	s0 =	sadd.s32 $0x10700, s0;
	s16 =	sadd.s32 s2, s16;
	v9 =	vld.idx.msk [tilespmem:v9+s3+$0x0], $0xffff  }
0x137: {  	s19 =	sadd.s32 s4, s5;
	s4 =	sadd.s32 s4, s0;
	s8 =	sadd.s32 s8, s0;
	v15 =	vld.idx.msk [tilespmem:v2+s3+$0x0], $0xffff  }
0x138: {  	s18 =	sadd.s32 s11, s19;
	s19 =	sadd.s32 s12, s5;
	s12 =	sadd.s32 s12, s0;
	[tilespmem:s16+$0x0] =	vst v11;
	v11 =	vadd.s32 $0x8CD0, v4;
	v4 =	vld [tilespmem:s10+$0x0]  }
0x139: {  	s11 =	sadd.s32 s11, s4;
	s4 =	sand.u32 $0x1C00, s24;
	v16 =	vadd.s32 $0x2EF0, v1;
	s7 =	sadd.s32 s2, s12;
	v12 =	vld.idx.msk [tilespmem:v12+s3+$0x0], $0xffff;
	[tilespmem:s25+$0x0] =	vst v10  }
0x13a: {  	s12 =	sand.u32 $0x70, s26;
	s31 =	sadd.s32 s4, s13;
	s2 =	sadd.s32 s2, s19;
	[tilespmem:s14+$0x0] =	vst v6;
	v6 =	vld.idx.msk [tilespmem:v14+s3+$0x0], $0xffff  }
0x13b: {  	s19 =	sadd.s32 s20, s5;
	s16 =	sadd.s32 s6, s8;
	s8 =	simm.s32 $0x180;
	v17 =	vld.idx.msk [tilespmem:v7+s3+$0x0], $0xffff  }
0x13c: {  	s9 =	simm.s32 $0x30;
	s17 =	sadd.s32 s12, s31;
	s6 =	sand.u32 $0xC00, s8;
	v7 =	vadd.s32 $0x8CD0, v5;
	[tilespmem:s18+$0x0] =	vst v9;
	v5 =	vld [tilespmem:s10+$0xFFFFFFF0]  }
0x13d: {  	s26 =	sadd.s32 s21, s19;
	s24 =	sand.u32 $0x70, s9;
	s22 =	sadd.s32 s6, s13;
	v14 =	vadd.s32 $0x2EF0, v2;
	[tilespmem:s17+$0x0] =	vst v13;
	v18 =	vld.idx.msk [tilespmem:v11+s3+$0x0], $0xffff  }
0x13e: {  	s19 =	sadd.s32 s4, s5;
	s31 =	sadd.s32 s4, s15;
	s25 =	sadd.s32 s24, s22;
	v9 =	vadd.s32 $0x5DE0, v8;
	v16 =	vld.idx.msk [tilespmem:v16+s3+$0x0], $0xffff  }
0x13f: {  	s4 =	sadd.s32 s4, s0;
	s8 =	simm.s32 $0x60;
	s18 =	sadd.s32 s20, s15;
	[tilespmem:s25+$0x0] =	vst v15;
	v15 =	vadd.s32 $0x5DE0, v1;
	v13 =	vld.idx.msk [tilespmem:v3+s3+$0x0], $0xffff  }
0x140: {  	s22 =	sadd.s32 s6, s15;
	s14 =	simm.s32 $0x400;
	s18 =	sadd.s32 s21, s18;
	[tilespmem:s2+$0x0] =	vst v12;
	v11 =	vld.idx.msk [tilespmem:v4+s3+$0x0], $0xffff  }
0x141: {  	s17 =	sadd.s32 s12, s19;
	s19 =	sadd.s32 s6, s5;
	s25 =	sadd.s32 s6, s0;
	[tilespmem:s18+$0x0] =	vst v6;
	v10 =	vld.idx.msk [tilespmem:v7+s3+$0x0], $0xffff  }
0x142: {  	s6 =	sadd.s32 s12, s4;
	s2 =	sadd.s32 s12, s31;
	s31 =	sadd.s32 s20, s0;
	v7 =	vld.idx.msk [tilespmem:v14+s3+$0x0], $0xffff;
	[tilespmem:s16+$0x0] =	vst v17  }
0x143: {  	s12 =	sadd.s32 s24, s25;
	v12 =	vadd.s32 $0x5DE0, v2;
	s28 =	sadd.s32 s21, s31;
	s18 =	sadd.s32 s24, s22;
	v6 =	vld.idx.msk [tilespmem:v9+s3+$0x0], $0xffff;
	[tilespmem:s2+$0x0] =	vst v16  }
0x144: {  	s22 =	sadd.s32 $0x30, s10;
	s10 =	sadd.s32 s24, s19;
	v9 =	vadd.s32 $0x8CD0, v8;
	s16 =	sand.u32 $0x70, s8;
	v14 =	vadd.s32 $0x2EF0, v3;
	[tilespmem:s11+$0x0] =	vst v18;
	v8 =	vld.idx.msk [tilespmem:v15+s3+$0x0], $0xffff  }
.LBB2_27:
0x145: {  	s4 =	sadd.s32 $0xFFFFFF80, s14;
	s2 =	sadd.s32 $0x50, s9;
	s11 =	sand.u32 $0x1C00, s14  }
0x146: {  	v15 =	vld [tilespmem:s22+$0x10];
	[tilespmem:s7+$0x0] =	vst v10;
	s25 =	smov.u32 s8;
	s7 =	smov.u32 s12;
	s9 =	sadd.s32 $0x40, s9  }
0x147: {  	v10 =	vld.idx.msk [tilespmem:v5+s3+$0x0], $0xffff;
	s2 =	sand.u32 $0x70, s2;
	s12 =	sadd.s32 s11, s13;
	s19 =	sadd.s32 s11, s15;
	[tilespmem:s18+$0x0] =	vst v7;
	v7 =	vadd.s32 $0x8CD0, v1;
	v1 =	vmov v4  }
0x148: {  	s18 =	sadd.s32 s11, s5;
	v16 =	vadd.s32 $0x2EF0, v1;
	s12 =	sadd.s32 s2, s12;
	s19 =	sadd.s32 s2, s19;
	v12 =	vld.idx.msk [tilespmem:v12+s3+$0x0], $0xffff;
	[tilespmem:s26+$0x0] =	vst v6  }
0x149: {  	s20 =	sadd.s32 $0xFFFFFF00, s14;
	s4 =	sand.u32 $0x1C00, s4;
	s26 =	sadd.s32 s2, s18;
	[tilespmem:s12+$0x0] =	vst v13;
	v9 =	vld.idx.msk [tilespmem:v9+s3+$0x0], $0xffff  }
0x14a: {  	s9 =	sand.u32 $0x70, s9;
	s18 =	sadd.s32 s4, s15;
	s12 =	sadd.s32 s4, s13;
	v13 =	vadd.s32 $0x8CD0, v2;
	v2 =	vmov v5;
	v6 =	vld.idx.msk [tilespmem:v14+s3+$0x0], $0xffff  }
0x14b: {  	s8 =	sadd.s32 $0x30, s8;
	s21 =	sadd.s32 s4, s5;
	v14 =	vadd.s32 $0x2EF0, v2;
	s12 =	sadd.s32 s9, s12;
	v4 =	vld [tilespmem:s22+$0x0];
	[tilespmem:s17+$0x0] =	vst v8  }
0x14c: {  	s20 =	sand.u32 $0xC00, s20;
	p1 =	slt.u32 s8, $0x180;
	s17 =	sadd.s32 s9, s21;
	v8 =	vadd.s32 $0x5DE0, v3;
	[tilespmem:s12+$0x0] =	vst v11;
	v11 =	vld.idx.msk [tilespmem:v7+s3+$0x0], $0xffff  }
0x14d: {  	s24 =	sadd.s32 s9, s18;
	s21 =	sadd.s32 s20, s15;
	s12 =	sadd.s32 s20, s13;
	v16 =	vld.idx.msk [tilespmem:v16+s3+$0x0], $0xffff  }
0x14e: {  	s4 =	sadd.s32 s4, s0;
	s18 =	sadd.s32 s16, s21;
	s12 =	sadd.s32 s16, s12;
	v5 =	vld [tilespmem:s22+$0xFFFFFFF0];
	[tilespmem:s10+$0x0] =	vst v12  }
0x14f: {  	v17 =	vadd.s32 $0x5DE0, v1;
	s4 =	sadd.s32 s9, s4;
	s10 =	sadd.s32 s20, s5;
	[tilespmem:s12+$0x0] =	vst v10;
	s12 =	sadd.s32 s20, s0;
	v10 =	vld.idx.msk [tilespmem:v13+s3+$0x0], $0xffff  }
.Ltmp15:
0x150: {  	s9 =	sadd.s32 s11, s0;
	v7 =	vld.idx.msk [tilespmem:v14+s3+$0x0], $0xffff;
	s12 =	sadd.s32 s16, s12;
	[tilespmem:s19+$0x0] =	vst v6;
	(pc) =	sbr.rel @p1 .LBB2_27-.Ltmp15, $4  }
0x151: {  	v6 =	vld.idx.msk [tilespmem:v8+s3+$0x0], $0xffff;
	[tilespmem:s28+$0x0] =	vst v9;
	s28 =	sadd.s32 s2, s9;
	s9 =	smov.u32 s25  }
0x152: {  	v12 =	vadd.s32 $0x5DE0, v2;
	v13 =	vld.idx.msk [tilespmem:v15+s3+$0x0], $0xffff;
	[tilespmem:s6+$0x0] =	vst v11;
	s6 =	smov.u32 s4  }
0x153: {  	s14 =	sadd.s32 $0x180, s14;
	v9 =	vadd.s32 $0x8CD0, v3;
	v3 =	vmov v15;
	v11 =	vld.idx.msk [tilespmem:v4+s3+$0x0], $0xffff;
	[tilespmem:s24+$0x0] =	vst v16  }
0x154: {  	s22 =	sadd.s32 $0x30, s22;
	s10 =	sadd.s32 s16, s10;
	s16 =	sand.u32 $0x70, s8;
	v14 =	vadd.s32 $0x2EF0, v3;
	v8 =	vld.idx.msk [tilespmem:v17+s3+$0x0], $0xffff  }
0x155: {  	_ =	sdelay $0x2  }
0x156: {  	s2 =	sadd.s32 $0x50, s9;
	s8 =	sand.u32 $0x1C00, s14;
	s11 =	sadd.s32 $0xFFFFFF80, s14  }
0x157: {  	v15 =	vld.idx.msk [tilespmem:v5+s3+$0x0], $0xffff;
	v16 =	vadd.s32 $0x2EF0, v4;
	s21 =	sadd.s32 $0x40, s9;
	s22 =	sadd.s32 $0xFFFFFF00, s14;
	s2 =	sand.u32 $0x70, s2  }
0x158: {  	v17 =	vadd.s32 $0x2EF0, v5;
	s4 =	sadd.s32 s8, s13;
	s11 =	sand.u32 $0x1C00, s11;
	s9 =	sand.u32 $0x70, s21  }
0x159: {  	s14 =	sand.u32 $0xC00, s22;
	s4 =	sadd.s32 s2, s4;
	s19 =	sadd.s32 s11, s13  }
0x15a: {  	s25 =	sadd.s32 s14, s13;
	[tilespmem:s4+$0x0] =	vst v13;
	s24 =	sadd.s32 s9, s19  }
0x15b: {  	s31 =	sadd.s32 s16, s25;
	v13 =	vld.idx.msk [tilespmem:v14+s3+$0x0], $0xffff;
	[tilespmem:s24+$0x0] =	vst v11  }
0x15c: {  	v55 =	vadd.s32 $0x5DE0, v3;
	v56 =	vld.idx.msk [tilespmem:v16+s3+$0x0], $0xffff;
	[tilespmem:s31+$0x0] =	vst v15  }
0x15d: {  	v57 =	vadd.s32 $0x5DE0, v4;
	v58 =	vld.idx.msk [tilespmem:v17+s3+$0x0], $0xffff  }
0x15e: {  	[tilespmem:s7+$0x0] =	vst v10;
	v59 =	vadd.s32 $0x5DE0, v5;
	s13 =	sadd.s32 s8, s15  }
0x15f: {  	[tilespmem:s18+$0x0] =	vst v7;
	s18 =	sadd.s32 s11, s15;
	s4 =	sadd.s32 s2, s13  }
0x160: {  	v1 =	vadd.s32 $0x8CD0, v1;
	v7 =	vld.idx.msk [tilespmem:v12+s3+$0x0], $0xffff;
	s19 =	sadd.s32 s14, s15;
	s7 =	sadd.s32 s9, s18;
	[tilespmem:s4+$0x0] =	vst v13  }
0x161: {  	v2 =	vadd.s32 $0x8CD0, v2;
	s4 =	sadd.s32 s16, s19;
	v11 =	vld.idx.msk [tilespmem:v55+s3+$0x0], $0xffff;
	[tilespmem:s7+$0x0] =	vst v56  }
0x162: {  	v3 =	vadd.s32 $0x8CD0, v3;
	v60 =	vld.idx.msk [tilespmem:v57+s3+$0x0], $0xffff;
	[tilespmem:s4+$0x0] =	vst v58  }
0x163: {  	v61 =	vadd.s32 $0x8CD0, v4;
	[tilespmem:s26+$0x0] =	vst v6;
	v62 =	vld.idx.msk [tilespmem:v59+s3+$0x0], $0xffff  }
0x164: {  	v63 =	vadd.s32 $0x8CD0, v5;
	s20 =	sadd.s32 s8, s5;
	v9 =	vld.idx.msk [tilespmem:v9+s3+$0x0], $0xffff;
	[tilespmem:s17+$0x0] =	vst v8  }
0x165: {  	s21 =	sadd.s32 s11, s5;
	v1 =	vld.idx.msk [tilespmem:v1+s3+$0x0], $0xffff;
	[tilespmem:s10+$0x0] =	vst v7;
	s4 =	sadd.s32 s2, s20  }
0x166: {  	s22 =	sadd.s32 s14, s5;
	v2 =	vld.idx.msk [tilespmem:v2+s3+$0x0], $0xffff;
	s7 =	sadd.s32 s9, s21;
	[tilespmem:s4+$0x0] =	vst v11  }
0x167: {  	s24 =	sadd.s32 s16, s22;
	v3 =	vld.idx.msk [tilespmem:v3+s3+$0x0], $0xffff;
	[tilespmem:s7+$0x0] =	vst v60  }
0x168: {  	s1 =	sadd.s32 $0x1, s1;
	v4 =	vld.idx.msk [tilespmem:v61+s3+$0x0], $0xffff;
	[tilespmem:s24+$0x0] =	vst v62  }
0x169: {  	p1 =	sne.s32 s1, $0x8;
	[tilespmem:s28+$0x0] =	vst v9;
	v5 =	vld.idx.msk [tilespmem:v63+s3+$0x0], $0xffff  }
.Ltmp16:
0x16a: {  	s25 =	sadd.s32 s8, s0;
	[tilespmem:s6+$0x0] =	vst v1;
	(pc) =	sbr.rel @p1 .LBB2_26-.Ltmp16, $4  }
0x16b: {  	s26 =	sadd.s32 s11, s0;
	s2 =	sadd.s32 s2, s25;
	[tilespmem:s12+$0x0] =	vst v2  }
0x16c: {  	s31 =	sadd.s32 s9, s26;
	s28 =	sadd.s32 s14, s0;
	[tilespmem:s2+$0x0] =	vst v3  }
0x16d: {  	s0 =	sadd.s32 s16, s28;
	[tilespmem:s31+$0x0] =	vst v4  }
0x16e: {  	s30 =	sadd.s32 $0x1B0, s30;
	[tilespmem:s0+$0x0] =	vst v5  }
0x16f: {  	p1 =	sne.s32 s29, $0x1A  }
.Ltmp17:
0x170: {  	s30 =	sshll.u32 s29, $0xD;
	s0 =	rddreg [dreg:$0xb];
	(pc) =	sbr.rel @p1 .LBB2_31-.Ltmp17, $4  }
0x171: {  	s0 =	sadd.s32 s0, s30  }
0x172: {  	s1 =	rddreg [dreg:$0x1];
	s31 =	simm.s32 $0x1000;
	s0 =	sshrl.u32 s0, $0x3  }
0x173: {  	s2 =	simm.s32 $0x36000;
	s4 =	simm.s32 $0xD700;
	s0 =	sadd.s32 s1, s0  }
0x174: {  	[hbm4b:s0+s31] =	stream.strided.scatter [tilespmem:s4], [sflag:$0x3], $0x4000, s2, s31, $0x38;
	[tilespmem:$0x15700] =	vst v63  }
.Ltmp18:
0x175: {  	(pc) =	sbr.rel .LBB2_32-.Ltmp18, $4  }
0x176: {  	_ = 	snop  }
0x177: {  	_ =	swait.ge [sflag:s23], $0xD80  }
0x178: {  	[sflag:s23] =	ssyncset.done $0x0  }
0x179: {  	[sflag:s23] =	ssyncadd.s32 $0xFFFFF280  }
.LBB2_31:
0x17a: {  	s0 =	smul.u32 $0x1B00, s29  }
0x17b: {  	s1 =	rddreg [dreg:$0x8]  }
0x17c: {  	s0 =	sadd.s32 s0, s1  }
0x17d: {  	s28 =	rddreg [dreg:$0x3];
	s0 =	sshrl.u32 s0, $0x3  }
.Ltmp19:
0x17e: {  	s31 =	simm.s32 $0xBC00;
	s0 =	sadd.s32 s28, s0;
	(pc) =	sbr.rel @p0 .LBB2_33-.Ltmp19, $4  }
0x17f: {  	[tilespmem:s31], [sflag:$0x1] =	stream.linear.gather [hbm4b:s0+s3], $0xD80, $0x38;
	[tilespmem:$0x15700] =	vst v63  }
0x180: {  	_ =	swait.ge [sflag:s23], $0xD80  }
0x181: {  	[sflag:s23] =	ssyncset.done $0x0  }
0x182: {  	[sflag:s23] =	ssyncadd.s32 $0xFFFFF280  }
.LBB2_32:
0x183: {  	s0 =	simm.s32 $0x4  }
0x184: {  	_ =	swait.ge [sflag:s0], $0x4000  }
0x185: {  	[sflag:s0] =	ssyncset.done $0x0  }
0x186: {  	[sflag:s0] =	ssyncadd.s32 $0xFFFFC000  }
.LBB2_33:
0x187: {  	s31 =	simm.s32 $0x0;
	s1 =	simm.s32 $0xC990  }
.LBB2_34:
0x188: {  	v3 =	vld [tilespmem:s1+$0x10];
	_ =	sdelay $0x1  }
0x189: {  	v4 =	vld [tilespmem:s1+$0x0];
	_ =	sdelay $0x1  }
0x18a: {  	v5 =	vld [tilespmem:s1+$0xFFFFFFF0];
	_ =	sdelay $0x3  }
0x18b: {  	v1 =	vld.idx.msk [tilespmem:v3+s3+$0x0], $0xffff  }
0x18c: {  	s0 =	sshll.u32 s31, $0x7;
	s2 =	simm.s32 $0x100;
	s4 =	simm.s32 $0x20;
	v2 =	vadd.s32 $0x2EF0, v3  }
0x18d: {  	s7 =	sadd.s32 $0x30, s1;
	s13 =	sadd.s32 $0x11700, s0;
	s8 =	sand.u32 $0x1C00, s2;
	v6 =	vld.idx.msk [tilespmem:v4+s3+$0x0], $0xffff  }
0x18e: {  	s17 =	simm.s32 $0x80;
	s6 =	sand.u32 $0x70, s4;
	v8 =	vld [tilespmem:s7+$0x10];
	s2 =	sadd.s32 s8, s13;
	v7 =	vadd.s32 $0x2EF0, v4  }
0x18f: {  	s5 =	simm.s32 $0x10;
	s4 =	sand.u32 $0x1C00, s17;
	s2 =	sadd.s32 s6, s2;
	v9 =	vld.idx.msk [tilespmem:v5+s3+$0x0], $0xffff  }
0x190: {  	s19 =	simm.s32 $0x0;
	s11 =	sand.u32 $0x70, s5;
	s18 =	sadd.s32 s4, s13;
	v11 =	vadd.s32 $0x2EF0, v5;
	[tilespmem:s2+$0x0] =	vst v1;
	v1 =	vld [tilespmem:s7+$0x0]  }
0x191: {  	s9 =	simm.s32 $0x0;
	s12 =	sand.u32 $0xC00, s19;
	s2 =	sadd.s32 s11, s18;
	v10 =	vld.idx.msk [tilespmem:v2+s3+$0x0], $0xffff  }
0x192: {  	s5 =	sadd.s32 s12, s13;
	[tilespmem:s2+$0x0] =	vst v6;
	v6 =	vadd.s32 $0x5DE0, v3;
	s2 =	sand.u32 $0x70, s9;
	v2 =	vld [tilespmem:s7+$0xFFFFFFF0]  }
0x193: {  	s15 =	sadd.s32 $0x12700, s0;
	v7 =	vld.idx.msk [tilespmem:v7+s3+$0x0], $0xffff;
	s10 =	sadd.s32 s2, s5  }
0x194: {  	s20 =	sadd.s32 s8, s15;
	[tilespmem:s10+$0x0] =	vst v9  }
0x195: {  	s25 =	simm.s32 $0x280;
	s22 =	sadd.s32 s4, s15;
	s9 =	sadd.s32 s6, s20;
	v9 =	vadd.s32 $0x5DE0, v4;
	v11 =	vld.idx.msk [tilespmem:v11+s3+$0x0], $0xffff  }
0x196: {  	s26 =	simm.s32 $0x50;
	s16 =	sadd.s32 s12, s15;
	s17 =	sadd.s32 s11, s22;
	[tilespmem:s9+$0x0] =	vst v10;
	v10 =	vld.idx.msk [tilespmem:v8+s3+$0x0], $0xffff  }
0x197: {  	s22 =	simm.s32 $0x200;
	s20 =	sand.u32 $0x1C00, s25;
	s10 =	sadd.s32 $0x30, s7;
	v6 =	vld.idx.msk [tilespmem:v6+s3+$0x0], $0xffff  }
0x198: {  	v12 =	vadd.s32 $0x5DE0, v5;
	s25 =	simm.s32 $0x40;
	s5 =	sadd.s32 $0x13700, s0;
	s0 =	sadd.s32 $0x14700, s0;
	[tilespmem:s17+$0x0] =	vst v7;
	v7 =	vadd.s32 $0x8CD0, v3;
	v3 =	vld [tilespmem:s10+$0x10]  }
0x199: {  	v14 =	vadd.s32 $0x2EF0, v8;
	s16 =	sadd.s32 s2, s16;
	s21 =	sadd.s32 s8, s5;
	s24 =	sadd.s32 s4, s5;
	v13 =	vld.idx.msk [tilespmem:v1+s3+$0x0], $0xffff  }
0x19a: {  	s4 =	sadd.s32 s4, s0;
	s19 =	sadd.s32 s12, s5;
	s12 =	sadd.s32 s12, s0;
	v9 =	vld.idx.msk [tilespmem:v9+s3+$0x0], $0xffff  }
0x19b: {  	s14 =	sadd.s32 s6, s21;
	s21 =	sand.u32 $0x70, s26;
	s17 =	sadd.s32 s20, s13;
	v15 =	vld.idx.msk [tilespmem:v2+s3+$0x0], $0xffff  }
0x19c: {  	s8 =	sadd.s32 s8, s0;
	s18 =	sadd.s32 s11, s24;
	s24 =	sadd.s32 s21, s17;
	[tilespmem:s16+$0x0] =	vst v11;
	v11 =	vadd.s32 $0x8CD0, v4;
	v4 =	vld [tilespmem:s10+$0x0]  }
0x19d: {  	s11 =	sadd.s32 s11, s4;
	s7 =	sadd.s32 s2, s12;
	s4 =	sand.u32 $0x1C00, s22;
	v16 =	vadd.s32 $0x2EF0, v1;
	v12 =	vld.idx.msk [tilespmem:v12+s3+$0x0], $0xffff;
	[tilespmem:s24+$0x0] =	vst v10  }
0x19e: {  	s12 =	sand.u32 $0x70, s25;
	s2 =	sadd.s32 s2, s19;
	s19 =	sadd.s32 s20, s15;
	[tilespmem:s14+$0x0] =	vst v6;
	v6 =	vld.idx.msk [tilespmem:v14+s3+$0x0], $0xffff  }
0x19f: {  	s26 =	sadd.s32 s4, s13;
	s16 =	sadd.s32 s6, s8;
	s8 =	simm.s32 $0x180;
	v17 =	vld.idx.msk [tilespmem:v7+s3+$0x0], $0xffff  }
0x1a0: {  	s9 =	simm.s32 $0x30;
	s17 =	sadd.s32 s12, s26;
	s6 =	sand.u32 $0xC00, s8;
	v7 =	vadd.s32 $0x8CD0, v5;
	[tilespmem:s18+$0x0] =	vst v9;
	v5 =	vld [tilespmem:s10+$0xFFFFFFF0]  }
0x1a1: {  	s22 =	sadd.s32 s20, s5;
	s24 =	sand.u32 $0x70, s9;
	s25 =	sadd.s32 s6, s13;
	v14 =	vadd.s32 $0x2EF0, v2;
	[tilespmem:s17+$0x0] =	vst v13;
	v18 =	vld.idx.msk [tilespmem:v11+s3+$0x0], $0xffff  }
0x1a2: {  	s26 =	sadd.s32 s21, s22;
	v9 =	vadd.s32 $0x5DE0, v8;
	s18 =	sadd.s32 s21, s19;
	s19 =	sadd.s32 s24, s25;
	v16 =	vld.idx.msk [tilespmem:v16+s3+$0x0], $0xffff  }
0x1a3: {  	s22 =	sadd.s32 s4, s15;
	s8 =	simm.s32 $0x60;
	s25 =	sadd.s32 s4, s5;
	[tilespmem:s19+$0x0] =	vst v15;
	v15 =	vadd.s32 $0x5DE0, v1;
	v13 =	vld.idx.msk [tilespmem:v3+s3+$0x0], $0xffff  }
0x1a4: {  	s14 =	simm.s32 $0x400;
	s4 =	sadd.s32 s4, s0;
	s17 =	sadd.s32 s12, s25;
	[tilespmem:s2+$0x0] =	vst v12;
	v11 =	vld.idx.msk [tilespmem:v4+s3+$0x0], $0xffff  }
0x1a5: {  	s19 =	sadd.s32 s6, s15;
	s25 =	sadd.s32 s20, s0;
	s2 =	sadd.s32 s12, s22;
	[tilespmem:s18+$0x0] =	vst v6;
	v10 =	vld.idx.msk [tilespmem:v7+s3+$0x0], $0xffff  }
0x1a6: {  	s22 =	sadd.s32 s6, s0;
	s28 =	sadd.s32 s21, s25;
	s18 =	sadd.s32 s24, s19;
	v7 =	vld.idx.msk [tilespmem:v14+s3+$0x0], $0xffff;
	[tilespmem:s16+$0x0] =	vst v17  }
0x1a7: {  	v12 =	vadd.s32 $0x5DE0, v2;
	s19 =	sadd.s32 s6, s5;
	s6 =	sadd.s32 s12, s4;
	s12 =	sadd.s32 s24, s22;
	v6 =	vld.idx.msk [tilespmem:v9+s3+$0x0], $0xffff;
	[tilespmem:s2+$0x0] =	vst v16  }
0x1a8: {  	s22 =	sadd.s32 $0x30, s10;
	v9 =	vadd.s32 $0x8CD0, v8;
	s16 =	sand.u32 $0x70, s8;
	v14 =	vadd.s32 $0x2EF0, v3;
	s10 =	sadd.s32 s24, s19;
	[tilespmem:s11+$0x0] =	vst v18;
	v8 =	vld.idx.msk [tilespmem:v15+s3+$0x0], $0xffff  }
.LBB2_35:
0x1a9: {  	s4 =	sadd.s32 $0xFFFFFF80, s14;
	s2 =	sadd.s32 $0x50, s9;
	s11 =	sand.u32 $0x1C00, s14  }
0x1aa: {  	v15 =	vld [tilespmem:s22+$0x10];
	[tilespmem:s7+$0x0] =	vst v10;
	s25 =	smov.u32 s8;
	s7 =	smov.u32 s12;
	s9 =	sadd.s32 $0x40, s9  }
0x1ab: {  	v10 =	vld.idx.msk [tilespmem:v5+s3+$0x0], $0xffff;
	s2 =	sand.u32 $0x70, s2;
	s12 =	sadd.s32 s11, s13;
	s19 =	sadd.s32 s11, s15;
	[tilespmem:s18+$0x0] =	vst v7;
	v7 =	vadd.s32 $0x8CD0, v1;
	v1 =	vmov v4  }
0x1ac: {  	s18 =	sadd.s32 s11, s5;
	v16 =	vadd.s32 $0x2EF0, v1;
	s12 =	sadd.s32 s2, s12;
	s19 =	sadd.s32 s2, s19;
	v12 =	vld.idx.msk [tilespmem:v12+s3+$0x0], $0xffff;
	[tilespmem:s26+$0x0] =	vst v6  }
0x1ad: {  	s20 =	sadd.s32 $0xFFFFFF00, s14;
	s4 =	sand.u32 $0x1C00, s4;
	s26 =	sadd.s32 s2, s18;
	[tilespmem:s12+$0x0] =	vst v13;
	v9 =	vld.idx.msk [tilespmem:v9+s3+$0x0], $0xffff  }
0x1ae: {  	s9 =	sand.u32 $0x70, s9;
	s18 =	sadd.s32 s4, s15;
	s12 =	sadd.s32 s4, s13;
	v13 =	vadd.s32 $0x8CD0, v2;
	v2 =	vmov v5;
	v6 =	vld.idx.msk [tilespmem:v14+s3+$0x0], $0xffff  }
0x1af: {  	s8 =	sadd.s32 $0x30, s8;
	s21 =	sadd.s32 s4, s5;
	v14 =	vadd.s32 $0x2EF0, v2;
	s12 =	sadd.s32 s9, s12;
	v4 =	vld [tilespmem:s22+$0x0];
	[tilespmem:s17+$0x0] =	vst v8  }
0x1b0: {  	s20 =	sand.u32 $0xC00, s20;
	p0 =	slt.u32 s8, $0x180;
	s17 =	sadd.s32 s9, s21;
	v8 =	vadd.s32 $0x5DE0, v3;
	[tilespmem:s12+$0x0] =	vst v11;
	v11 =	vld.idx.msk [tilespmem:v7+s3+$0x0], $0xffff  }
0x1b1: {  	s24 =	sadd.s32 s9, s18;
	s21 =	sadd.s32 s20, s15;
	s12 =	sadd.s32 s20, s13;
	v16 =	vld.idx.msk [tilespmem:v16+s3+$0x0], $0xffff  }
0x1b2: {  	s4 =	sadd.s32 s4, s0;
	s18 =	sadd.s32 s16, s21;
	s12 =	sadd.s32 s16, s12;
	v5 =	vld [tilespmem:s22+$0xFFFFFFF0];
	[tilespmem:s10+$0x0] =	vst v12  }
0x1b3: {  	v17 =	vadd.s32 $0x5DE0, v1;
	s4 =	sadd.s32 s9, s4;
	s10 =	sadd.s32 s20, s5;
	[tilespmem:s12+$0x0] =	vst v10;
	s12 =	sadd.s32 s20, s0;
	v10 =	vld.idx.msk [tilespmem:v13+s3+$0x0], $0xffff  }
.Ltmp20:
0x1b4: {  	s9 =	sadd.s32 s11, s0;
	v7 =	vld.idx.msk [tilespmem:v14+s3+$0x0], $0xffff;
	s12 =	sadd.s32 s16, s12;
	[tilespmem:s19+$0x0] =	vst v6;
	(pc) =	sbr.rel @p0 .LBB2_35-.Ltmp20, $4  }
0x1b5: {  	v6 =	vld.idx.msk [tilespmem:v8+s3+$0x0], $0xffff;
	[tilespmem:s28+$0x0] =	vst v9;
	s28 =	sadd.s32 s2, s9;
	s9 =	smov.u32 s25  }
0x1b6: {  	v12 =	vadd.s32 $0x5DE0, v2;
	v13 =	vld.idx.msk [tilespmem:v15+s3+$0x0], $0xffff;
	[tilespmem:s6+$0x0] =	vst v11;
	s6 =	smov.u32 s4  }
0x1b7: {  	s14 =	sadd.s32 $0x180, s14;
	v9 =	vadd.s32 $0x8CD0, v3;
	v3 =	vmov v15;
	v11 =	vld.idx.msk [tilespmem:v4+s3+$0x0], $0xffff;
	[tilespmem:s24+$0x0] =	vst v16  }
0x1b8: {  	s22 =	sadd.s32 $0x30, s22;
	s10 =	sadd.s32 s16, s10;
	s16 =	sand.u32 $0x70, s8;
	v14 =	vadd.s32 $0x2EF0, v3;
	v8 =	vld.idx.msk [tilespmem:v17+s3+$0x0], $0xffff  }
0x1b9: {  	_ =	sdelay $0x2  }
0x1ba: {  	s2 =	sadd.s32 $0x50, s9;
	s8 =	sand.u32 $0x1C00, s14;
	s11 =	sadd.s32 $0xFFFFFF80, s14  }
0x1bb: {  	v15 =	vld.idx.msk [tilespmem:v5+s3+$0x0], $0xffff;
	v16 =	vadd.s32 $0x2EF0, v4;
	s20 =	sadd.s32 $0x40, s9;
	s21 =	sadd.s32 $0xFFFFFF00, s14;
	s2 =	sand.u32 $0x70, s2  }
0x1bc: {  	v17 =	vadd.s32 $0x2EF0, v5;
	s4 =	sadd.s32 s8, s13;
	s11 =	sand.u32 $0x1C00, s11;
	s9 =	sand.u32 $0x70, s20  }
0x1bd: {  	s14 =	sand.u32 $0xC00, s21;
	s4 =	sadd.s32 s2, s4;
	s19 =	sadd.s32 s11, s13  }
0x1be: {  	s24 =	sadd.s32 s14, s13;
	[tilespmem:s4+$0x0] =	vst v13;
	s22 =	sadd.s32 s9, s19  }
0x1bf: {  	s25 =	sadd.s32 s16, s24;
	v13 =	vld.idx.msk [tilespmem:v14+s3+$0x0], $0xffff;
	[tilespmem:s22+$0x0] =	vst v11  }
0x1c0: {  	v55 =	vadd.s32 $0x5DE0, v3;
	v56 =	vld.idx.msk [tilespmem:v16+s3+$0x0], $0xffff;
	[tilespmem:s25+$0x0] =	vst v15  }
0x1c1: {  	v57 =	vadd.s32 $0x5DE0, v4;
	v58 =	vld.idx.msk [tilespmem:v17+s3+$0x0], $0xffff  }
0x1c2: {  	[tilespmem:s7+$0x0] =	vst v10;
	v59 =	vadd.s32 $0x5DE0, v5;
	s7 =	sadd.s32 s8, s15  }
0x1c3: {  	[tilespmem:s18+$0x0] =	vst v7;
	s13 =	sadd.s32 s11, s15;
	s4 =	sadd.s32 s2, s7  }
0x1c4: {  	v1 =	vadd.s32 $0x8CD0, v1;
	v7 =	vld.idx.msk [tilespmem:v12+s3+$0x0], $0xffff;
	s18 =	sadd.s32 s14, s15;
	s7 =	sadd.s32 s9, s13;
	[tilespmem:s4+$0x0] =	vst v13  }
0x1c5: {  	v2 =	vadd.s32 $0x8CD0, v2;
	s4 =	sadd.s32 s16, s18;
	v11 =	vld.idx.msk [tilespmem:v55+s3+$0x0], $0xffff;
	[tilespmem:s7+$0x0] =	vst v56  }
0x1c6: {  	v3 =	vadd.s32 $0x8CD0, v3;
	v60 =	vld.idx.msk [tilespmem:v57+s3+$0x0], $0xffff;
	[tilespmem:s4+$0x0] =	vst v58  }
0x1c7: {  	v61 =	vadd.s32 $0x8CD0, v4;
	[tilespmem:s26+$0x0] =	vst v6;
	v62 =	vld.idx.msk [tilespmem:v59+s3+$0x0], $0xffff  }
0x1c8: {  	v63 =	vadd.s32 $0x8CD0, v5;
	v9 =	vld.idx.msk [tilespmem:v9+s3+$0x0], $0xffff;
	s19 =	sadd.s32 s8, s5;
	[tilespmem:s17+$0x0] =	vst v8  }
0x1c9: {  	s20 =	sadd.s32 s11, s5;
	v1 =	vld.idx.msk [tilespmem:v1+s3+$0x0], $0xffff;
	[tilespmem:s10+$0x0] =	vst v7;
	s4 =	sadd.s32 s2, s19  }
0x1ca: {  	s21 =	sadd.s32 s14, s5;
	v2 =	vld.idx.msk [tilespmem:v2+s3+$0x0], $0xffff;
	s7 =	sadd.s32 s9, s20;
	[tilespmem:s4+$0x0] =	vst v11  }
0x1cb: {  	s22 =	sadd.s32 s16, s21;
	v3 =	vld.idx.msk [tilespmem:v3+s3+$0x0], $0xffff;
	[tilespmem:s7+$0x0] =	vst v60  }
0x1cc: {  	s31 =	sadd.s32 $0x1, s31;
	v4 =	vld.idx.msk [tilespmem:v61+s3+$0x0], $0xffff;
	[tilespmem:s22+$0x0] =	vst v62  }
0x1cd: {  	p0 =	sne.s32 s31, $0x8;
	[tilespmem:s28+$0x0] =	vst v9;
	v5 =	vld.idx.msk [tilespmem:v63+s3+$0x0], $0xffff  }
.Ltmp21:
0x1ce: {  	s24 =	sadd.s32 s8, s0;
	[tilespmem:s6+$0x0] =	vst v1;
	(pc) =	sbr.rel @p0 .LBB2_34-.Ltmp21, $4  }
0x1cf: {  	s25 =	sadd.s32 s11, s0;
	s2 =	sadd.s32 s2, s24;
	[tilespmem:s12+$0x0] =	vst v2  }
0x1d0: {  	s26 =	sadd.s32 s14, s0;
	s28 =	sadd.s32 s9, s25;
	[tilespmem:s2+$0x0] =	vst v3  }
0x1d1: {  	s0 =	sadd.s32 s16, s26;
	[tilespmem:s28+$0x0] =	vst v4  }
0x1d2: {  	s1 =	sadd.s32 $0x1B0, s1;
	[tilespmem:s0+$0x0] =	vst v5  }
0x1d3: {  	p0 =	seq.s32 s29, $0x1A  }
.Ltmp22:
0x1d4: {  	s0 =	rddreg [dreg:$0xd];
	(pc) =	sbr.rel @p0 .LBB2_39-.Ltmp22, $4  }
0x1d5: {  	s0 =	sadd.s32 s30, s0  }
0x1d6: {  	s1 =	rddreg [dreg:$0x1];
	s31 =	simm.s32 $0x1000;
	s0 =	sshrl.u32 s0, $0x3  }
0x1d7: {  	s2 =	simm.s32 $0x36000;
	s4 =	simm.s32 $0x11700;
	s0 =	sadd.s32 s1, s0  }
0x1d8: {  	[hbm4b:s0+s31] =	stream.strided.scatter [tilespmem:s4], [sflag:$0x4], $0x4000, s2, s31, $0x38;
	[tilespmem:$0x15700] =	vst v63  }
0x1d9: {  	s0 =	smul.u32 $0x1B00, s29  }
.Ltmp23:
0x1da: {  	s1 =	rddreg [dreg:$0xa];
	(pc) =	sbr.rel .LBB2_25-.Ltmp23, $4  }
0x1db: {  	s0 =	sadd.s32 s0, s1  }
0x1dc: {  	s30 =	rddreg [dreg:$0x3];
	s0 =	sshrl.u32 s0, $0x3  }
0x1dd: {  	s31 =	simm.s32 $0xC980;
	s29 =	sadd.s32 $0x1, s29;
	s0 =	sadd.s32 s30, s0  }
0x1de: {  	[tilespmem:s31], [sflag:$0x2] =	stream.linear.gather [hbm4b:s0+s3], $0xD80, $0x38;
	[tilespmem:$0x15700] =	vst v63  }
.LBB2_40:
0x1df: {  	_ =	sfence.sel $0x180000  }
0x1e0: {  	[bflag:$0x0] =	sbarrier.arrive $0xFFFF  }
0x1e1: {  	_ =	strace $0x9000004A  }
0x1e2: {  	s0 =	stileid.u32;
	[bflag:$0x2] =	sbarrier.arrive $0xFFFF  }
0x1e3: {  	p0 =	sne.s32 s0, $0x0;
	s0 =	rddreg [dreg:$0x2]  }
0x1e4: {  	s0 =	sadd.s32 @!p0 $0x100000, s0  }
0x1e5: {  	[sflag:s0] =	ssyncadd.tile.s32 @!p0 $0x1;
	_ =	shalt  }
.Lfunc_end2:
_tile_overlayer_lowered:
.L_overlay_start_2:
0x1e6: {  	(tag) =	ssettag $0x2  }
0x1e7: {  	s0 =	rddreg [dreg:$0x0];
	s2 =	stileid.u32  }
0x1e8: {  	s1 =	rddreg [dreg:$0x1];
	p0 =	sne.s32 s2, $0x0  }
0x1e9: {  	s3 =	rddreg [dreg:$0x2];
	[bflag:$0x3] =	sbarrier.arrive $0xFFFF;
	s2 =	simm.s32 @!p0 $0x1C05  }
0x1ea: {  	[timem:s3], [sflag:s2] =	dma.local @!p0 [hbm:s0], s1  }
0x1eb: {  	s0 =	simm.s32 @!p0 $0x5  }
0x1ec: {  	_ =	swait.ge @!p0 [sflag:s0], s1  }
0x1ed: {  	s1 =	ssub.s32 @!p0 $0x0, s1;
	[sflag:s0] =	ssyncset.done @!p0 $0x0  }
0x1ee: {  	[sflag:s0] =	ssyncadd.s32 @!p0 s1  }
0x1ef: {  	[bflag:$0x3] =	sbarrier.arrive $0xFFFF  }
0x1f0: {  	_ =	shalt  }

</sc_bundles>
